<compile_context>
chip_gen: v7x
topology: tpu7x:2x2x1
jax: 0.10.2.dev20260603
libtpu: 0.0.44.dev20260713+nightly
codegen_flags: <defaults>
</compile_context>

<pallas_src>
import functools

import jax
import jax.numpy as jnp
from jax import lax
from jax.experimental import pallas as pl
from jax.experimental.pallas import tpu as pltpu
from jax.experimental.pallas import tpu_sc as plsc

_VP = 1024
_KP = 64
_DUMMY = 1016
_NC = 2
_NS = 16
_NW = _NC * _NS
_CH = 16


def _hist_sc_kernel(rec_hbm, c_hbm, rec_v, counts_v, sem0, sem1):
    wid = lax.axis_index("s") * _NC + lax.axis_index("c")
    n_chunks = rec_hbm.shape[0]
    per_w = n_chunks // _NW
    row_iota = lax.broadcasted_iota(jnp.int32, (16,), 0)
    zeros16 = jnp.zeros((16,), jnp.float32)
    ones16 = jnp.ones((16,), jnp.float32)
    sems = [sem0, sem1]

    def do_chunk(ch):
        buf = counts_v.at[ch % 2]
        chunk = wid * per_w + ch
        pltpu.sync_copy(rec_hbm.at[chunk], rec_v)

        def zero_body(i, _):
            off = pl.multiple_of(i * 16, 16)
            for r in range(_CH):
                buf[r, pl.ds(off, 16)] = zeros16
            return 0
        lax.fori_loop(0, _VP // 16, zero_body, 0)

        def scat_body(j, _):
            off = pl.multiple_of(j * 16, 16)
            ids = rec_v[pl.ds(off, 16)]
            plsc.addupdate_scatter(buf, [row_iota, ids], ones16)
            return 0
        lax.fori_loop(0, _KP, scat_body, 0, unroll=4)

        return pltpu.async_copy(
            buf, c_hbm.at[pl.ds(chunk * _CH, _CH)], sems[ch % 2]
        )

    pending = do_chunk(0)
    for ch in range(1, per_w):
        nxt = do_chunk(ch)
        pending.wait()
        pending = nxt
    pending.wait()


def _qf_tc_kernel(c_ref, d_ref, out_ref):
    c = c_ref[...]
    t = jnp.dot(c, d_ref[...], preferred_element_type=jnp.float32)
    out_ref[...] = jnp.sum(t * c, axis=1)


@jax.jit
def kernel(user_sequence, recommendations, distance_matrix):
    del user_sequence
    b, k = recommendations.shape
    v = distance_matrix.shape[0]
    d_pad = jnp.zeros((_VP, _VP), jnp.float32).at[:v, :v].set(distance_matrix)

    rec = recommendations.astype(jnp.int32)
    rec_pad = jnp.full((b, _KP), _DUMMY, jnp.int32).at[:, :k].set(rec)
    rec_t = rec_pad.reshape(b // _CH, _CH, _KP).transpose(0, 2, 1)
    rec_t = rec_t.reshape(b // _CH, _KP * _CH)

    mesh = plsc.VectorSubcoreMesh(core_axis_name="c", subcore_axis_name="s")
    n_slices = 2
    bs = b // n_slices
    hist = pl.kernel(
        _hist_sc_kernel,
        out_type=jax.ShapeDtypeStruct((bs, _VP), jnp.float32),
        mesh=mesh,
        compiler_params=pltpu.CompilerParams(needs_layout_passes=False),
        scratch_types=[
            pltpu.VMEM((_KP * _CH,), jnp.int32),
            pltpu.VMEM((2, _CH, _VP), jnp.float32),
            pltpu.SemaphoreType.DMA,
            pltpu.SemaphoreType.DMA,
        ],
    )

    bblk = 256
    qf = functools.partial(
        pl.pallas_call,
        _qf_tc_kernel,
        grid=(bs // bblk,),
        in_specs=[
            pl.BlockSpec((bblk, _VP), lambda i: (i, 0)),
            pl.BlockSpec((_VP, _VP), lambda i: (0, 0)),
        ],
        out_specs=pl.BlockSpec((bblk,), lambda i: (i,)),
        out_shape=jax.ShapeDtypeStruct((bs,), jnp.float32),
    )()

    n_ch_s = bs // _CH
    counts = [hist(rec_t[i * n_ch_s : (i + 1) * n_ch_s]) for i in range(n_slices)]
    sums = [qf(c, d_pad) for c in counts]
    distance_sum = jnp.concatenate(sums)
    return distance_sum / (k * (k - 1))

# --- scband reference (transcript-rebuilt; emitter-appended) ---
"""Pipeline reference for scband-intra-list-diversity-36773509988831 (READ-ONLY COPY).

The authoritative reference and input builder live on the scoring server;
editing this copy changes nothing except your own understanding.
"""

import jax, jax.numpy as jnp
import numpy as np

V = 1000
B = 4096
K = 50
HIST = 50


def setup_inputs(seed: int = 0) -> dict:
    key = jax.random.key(seed)
    k1, k2, k3 = jax.random.split(key, 3)
    user_sequence = jax.random.randint(k1, (B, HIST), 0, V)
    recommendations = jax.random.randint(k2, (B, K), 0, V)
    distance_matrix = jax.random.normal(k3, (V, V), dtype=jnp.float32)
    return {
        "user_sequence": user_sequence,
        "recommendations": recommendations,
        "distance_matrix": distance_matrix,
    }


def reference(user_sequence, recommendations, distance_matrix):
    # rows: [B, K, V] gather of distance rows for each recommended item
    rows = jnp.take(distance_matrix, recommendations, axis=0)
    # select pairwise distances among recommended items: [B, K, K]
    sel = jnp.take_along_axis(rows, recommendations[:, None, :], axis=2)
    distance_sum = sel.sum(axis=(1, 2))
    k = recommendations.shape[1]
    pairs_count = k * (k - 1)
    return distance_sum / pairs_count

if __name__ == "__main__":
    import jax
    _d = setup_inputs()
    print(jax.jit(kernel)(*tuple(_d.values())))

</pallas_src>

<mosaic_0001>
#map = affine_map<(d0, d1) -> (0, 0)>
module attributes {stable_mosaic.version = 14 : i64} {
  func.func @_hist_sc_kernel(%arg0: i32, %arg1: i32, %arg2: memref<128x1024xi32, #tpu.memory_space<hbm>>, %arg3: memref<2048x1024xf32, #tpu.memory_space<hbm>>, %arg4: memref<1024xi32, #tpu.memory_space<vmem>>, %arg5: memref<2x16x1024xf32, #tpu.memory_space<vmem>>, %arg6: memref<!tpu.dma_semaphore, #tpu.memory_space<semaphore_mem>>, %arg7: memref<!tpu.dma_semaphore, #tpu.memory_space<semaphore_mem>>) attributes {dimension_semantics = [#tpu.dimension_semantics<core_parallel>, #tpu.dimension_semantics<subcore_parallel>], iteration_bounds = array<i64: 2, 16>, scalar_prefetch = 0 : i64, scratch_operands = 4 : i64, tpu.core_type = #tpu.core_type<sc_vector_subcore>, window_params = [{transform_indices = #map}, {transform_indices = #map}]} {
    %mul3A = arith.constant 2 : i32
    %mul3A_0 = arith.muli %arg1, %mul3A : i32
    %add3A = arith.addi %mul3A_0, %arg0 : i32
    %iota3A = tpu.iota {dimensions = array<i32: 0>} : vector<16xi32>
    %broadcast_in_dim3A = arith.constant 0.000000e+00 : f32
    %broadcast_in_dim3A_1 = vector.broadcast %broadcast_in_dim3A : f32 to vector<16xf32>
    %broadcast_in_dim3A_2 = arith.constant 1.000000e+00 : f32
    %broadcast_in_dim3A_3 = vector.broadcast %broadcast_in_dim3A_2 : f32 to vector<16xf32>
    %mul3A_4 = arith.constant 4 : i32
    %mul3A_5 = arith.muli %add3A, %mul3A_4 : i32
    %add3A_6 = arith.constant 0 : i32
    %add3A_7 = arith.addi %mul3A_5, %add3A_6 : i32
    "tpu.region"() ({
      %run_scoped3A = tpu.sem_alloc : memref<!tpu.dma_semaphore, #tpu.memory_space<semaphore_mem>>
      %dma_start3A_193 = arith.constant 0 : i32
      %dma_start3A_194 = tpu.memref_slice %arg2[%add3A_7, %dma_start3A_193] : memref<128x1024xi32, #tpu.memory_space<hbm>> -> memref<1x1024xi32, #tpu.memory_space<hbm>>
      %dma_start3A_195 = tpu.memref_squeeze %dma_start3A_194 : memref<1x1024xi32, #tpu.memory_space<hbm>> -> memref<1024xi32, #tpu.memory_space<hbm>>
      %dma_start3A_196 = arith.constant 0 : i32
      %dma_start3A_197 = tpu.memref_slice %arg2[%add3A_7, %dma_start3A_196] : memref<128x1024xi32, #tpu.memory_space<hbm>> -> memref<1x1024xi32, #tpu.memory_space<hbm>>
      %dma_start3A_198 = tpu.memref_squeeze %dma_start3A_197 : memref<1x1024xi32, #tpu.memory_space<hbm>> -> memref<1024xi32, #tpu.memory_space<hbm>>
      tpu.enqueue_dma source(%dma_start3A_198 : memref<1024xi32, #tpu.memory_space<hbm>>) target(%arg4 : memref<1024xi32, #tpu.memory_space<vmem>>) target_semaphore(%run_scoped3A : memref<!tpu.dma_semaphore, #tpu.memory_space<semaphore_mem>>)
      %dma_wait3A_199 = arith.constant 0 : i32
      %dma_wait3A_200 = tpu.memref_slice %arg2[%add3A_7, %dma_wait3A_199] : memref<128x1024xi32, #tpu.memory_space<hbm>> -> memref<1x1024xi32, #tpu.memory_space<hbm>>
      %dma_wait3A_201 = tpu.memref_squeeze %dma_wait3A_200 : memref<1x1024xi32, #tpu.memory_space<hbm>> -> memref<1024xi32, #tpu.memory_space<hbm>>
      %dma_wait3A_202 = arith.constant 0 : i32
      %dma_wait3A_203 = tpu.memref_slice %arg2[%add3A_7, %dma_wait3A_202] : memref<128x1024xi32, #tpu.memory_space<hbm>> -> memref<1x1024xi32, #tpu.memory_space<hbm>>
      %dma_wait3A_204 = tpu.memref_squeeze %dma_wait3A_203 : memref<1x1024xi32, #tpu.memory_space<hbm>> -> memref<1024xi32, #tpu.memory_space<hbm>>
      tpu.wait_dma2 semaphore(%run_scoped3A : memref<!tpu.dma_semaphore, #tpu.memory_space<semaphore_mem>>) src(%dma_wait3A_204 : memref<1024xi32, #tpu.memory_space<hbm>>) dst(%arg4 : memref<1024xi32, #tpu.memory_space<vmem>>)
      tpu.yield
    }) : () -> ()
    %scan3A = arith.constant 0 : i32
    %scan3A_8 = arith.constant 0 : i32
    %scan3A_9 = arith.constant 0 : i32
    %scan3A_10 = arith.constant 64 : i32
    %scan3A_11 = arith.addi %scan3A_9, %scan3A_10 : i32
    %scan3A_12 = arith.constant 1 : i32
    %scan3A_13 = scf.for %scan3A_193 = %scan3A_9 to %scan3A_11 step %scan3A_12 iter_args(%scan3A_194 = %scan3A_8) -> (i32)  : i32 {
      %mul3A_195 = arith.constant 16 : i32
      %mul3A_196 = arith.muli %scan3A_193, %mul3A_195 : i32
      %multiple_of3A = tpu.assume_multiple %mul3A_196, 16 : i32
      %swap3A = arith.constant 0 : i32
      %swap3A_197 = arith.constant 0 : i32
      %swap3A_198 = arith.constant 0 : i32
      %swap3A_199 = tpu.memref_slice %arg5[%scan3A, %swap3A_197, %swap3A_198] : memref<2x16x1024xf32, #tpu.memory_space<vmem>> -> memref<1x16x1024xf32, #tpu.memory_space<vmem>>
      %swap3A_200 = tpu.memref_squeeze %swap3A_199 : memref<1x16x1024xf32, #tpu.memory_space<vmem>> -> memref<16x1024xf32, #tpu.memory_space<vmem>>
      %swap3A_201 = arith.index_cast %swap3A : i32 to index
      %swap3A_202 = arith.index_cast %multiple_of3A : i32 to index
      %swap3A_203 = tpu.vector_load %swap3A_200[%swap3A_201, %swap3A_202] {strides = array<i32>} : memref<16x1024xf32, #tpu.memory_space<vmem>>, vector<16xf32>,
      tpu.vector_store %swap3A_200[%swap3A_201, %swap3A_202], %broadcast_in_dim3A_1 {strides = array<i32>} : memref<16x1024xf32, #tpu.memory_space<vmem>>, vector<16xf32>,
      %swap3A_204 = arith.constant 1 : i32
      %swap3A_205 = arith.constant 0 : i32
      %swap3A_206 = arith.constant 0 : i32
      %swap3A_207 = tpu.memref_slice %arg5[%scan3A, %swap3A_205, %swap3A_206] : memref<2x16x1024xf32, #tpu.memory_space<vmem>> -> memref<1x16x1024xf32, #tpu.memory_space<vmem>>
      %swap3A_208 = tpu.memref_squeeze %swap3A_207 : memref<1x16x1024xf32, #tpu.memory_space<vmem>> -> memref<16x1024xf32, #tpu.memory_space<vmem>>
      %swap3A_209 = arith.index_cast %swap3A_204 : i32 to index
      %swap3A_210 = arith.index_cast %multiple_of3A : i32 to index
      %swap3A_211 = tpu.vector_load %swap3A_208[%swap3A_209, %swap3A_210] {strides = array<i32>} : memref<16x1024xf32, #tpu.memory_space<vmem>>, vector<16xf32>,
      tpu.vector_store %swap3A_208[%swap3A_209, %swap3A_210], %broadcast_in_dim3A_1 {strides = array<i32>} : memref<16x1024xf32, #tpu.memory_space<vmem>>, vector<16xf32>,
      %swap3A_212 = arith.constant 2 : i32
      %swap3A_213 = arith.constant 0 : i32
      %swap3A_214 = arith.constant 0 : i32
      %swap3A_215 = tpu.memref_slice %arg5[%scan3A, %swap3A_213, %swap3A_214] : memref<2x16x1024xf32, #tpu.memory_space<vmem>> -> memref<1x16x1024xf32, #tpu.memory_space<vmem>>
      %swap3A_216 = tpu.memref_squeeze %swap3A_215 : memref<1x16x1024xf32, #tpu.memory_space<vmem>> -> memref<16x1024xf32, #tpu.memory_space<vmem>>
      %swap3A_217 = arith.index_cast %swap3A_212 : i32 to index
      %swap3A_218 = arith.index_cast %multiple_of3A : i32 to index
      %swap3A_219 = tpu.vector_load %swap3A_216[%swap3A_217, %swap3A_218] {strides = array<i32>} : memref<16x1024xf32, #tpu.memory_space<vmem>>, vector<16xf32>,
      tpu.vector_store %swap3A_216[%swap3A_217, %swap3A_218], %broadcast_in_dim3A_1 {strides = array<i32>} : memref<16x1024xf32, #tpu.memory_space<vmem>>, vector<16xf32>,
      %swap3A_220 = arith.constant 3 : i32
      %swap3A_221 = arith.constant 0 : i32
      %swap3A_222 = arith.constant 0 : i32
      %swap3A_223 = tpu.memref_slice %arg5[%scan3A, %swap3A_221, %swap3A_222] : memref<2x16x1024xf32, #tpu.memory_space<vmem>> -> memref<1x16x1024xf32, #tpu.memory_space<vmem>>
      %swap3A_224 = tpu.memref_squeeze %swap3A_223 : memref<1x16x1024xf32, #tpu.memory_space<vmem>> -> memref<16x1024xf32, #tpu.memory_space<vmem>>
      %swap3A_225 = arith.index_cast %swap3A_220 : i32 to index
      %swap3A_226 = arith.index_cast %multiple_of3A : i32 to index
      %swap3A_227 = tpu.vector_load %swap3A_224[%swap3A_225, %swap3A_226] {strides = array<i32>} : memref<16x1024xf32, #tpu.memory_space<vmem>>, vector<16xf32>,
      tpu.vector_store %swap3A_224[%swap3A_225, %swap3A_226], %broadcast_in_dim3A_1 {strides = array<i32>} : memref<16x1024xf32, #tpu.memory_space<vmem>>, vector<16xf32>,
      %swap3A_228 = arith.constant 4 : i32
      %swap3A_229 = arith.constant 0 : i32
      %swap3A_230 = arith.constant 0 : i32
      %swap3A_231 = tpu.memref_slice %arg5[%scan3A, %swap3A_229, %swap3A_230] : memref<2x16x1024xf32, #tpu.memory_space<vmem>> -> memref<1x16x1024xf32, #tpu.memory_space<vmem>>
      %swap3A_232 = tpu.memref_squeeze %swap3A_231 : memref<1x16x1024xf32, #tpu.memory_space<vmem>> -> memref<16x1024xf32, #tpu.memory_space<vmem>>
      %swap3A_233 = arith.index_cast %swap3A_228 : i32 to index
      %swap3A_234 = arith.index_cast %multiple_of3A : i32 to index
      %swap3A_235 = tpu.vector_load %swap3A_232[%swap3A_233, %swap3A_234] {strides = array<i32>} : memref<16x1024xf32, #tpu.memory_space<vmem>>, vector<16xf32>,
      tpu.vector_store %swap3A_232[%swap3A_233, %swap3A_234], %broadcast_in_dim3A_1 {strides = array<i32>} : memref<16x1024xf32, #tpu.memory_space<vmem>>, vector<16xf32>,
      %swap3A_236 = arith.constant 5 : i32
      %swap3A_237 = arith.constant 0 : i32
      %swap3A_238 = arith.constant 0 : i32
      %swap3A_239 = tpu.memref_slice %arg5[%scan3A, %swap3A_237, %swap3A_238] : memref<2x16x1024xf32, #tpu.memory_space<vmem>> -> memref<1x16x1024xf32, #tpu.memory_space<vmem>>
      %swap3A_240 = tpu.memref_squeeze %swap3A_239 : memref<1x16x1024xf32, #tpu.memory_space<vmem>> -> memref<16x1024xf32, #tpu.memory_space<vmem>>
      %swap3A_241 = arith.index_cast %swap3A_236 : i32 to index
      %swap3A_242 = arith.index_cast %multiple_of3A : i32 to index
      %swap3A_243 = tpu.vector_load %swap3A_240[%swap3A_241, %swap3A_242] {strides = array<i32>} : memref<16x1024xf32, #tpu.memory_space<vmem>>, vector<16xf32>,
      tpu.vector_store %swap3A_240[%swap3A_241, %swap3A_242], %broadcast_in_dim3A_1 {strides = array<i32>} : memref<16x1024xf32, #tpu.memory_space<vmem>>, vector<16xf32>,
      %swap3A_244 = arith.constant 6 : i32
      %swap3A_245 = arith.constant 0 : i32
      %swap3A_246 = arith.constant 0 : i32
      %swap3A_247 = tpu.memref_slice %arg5[%scan3A, %swap3A_245, %swap3A_246] : memref<2x16x1024xf32, #tpu.memory_space<vmem>> -> memref<1x16x1024xf32, #tpu.memory_space<vmem>>
      %swap3A_248 = tpu.memref_squeeze %swap3A_247 : memref<1x16x1024xf32, #tpu.memory_space<vmem>> -> memref<16x1024xf32, #tpu.memory_space<vmem>>
      %swap3A_249 = arith.index_cast %swap3A_244 : i32 to index
      %swap3A_250 = arith.index_cast %multiple_of3A : i32 to index
      %swap3A_251 = tpu.vector_load %swap3A_248[%swap3A_249, %swap3A_250] {strides = array<i32>} : memref<16x1024xf32, #tpu.memory_space<vmem>>, vector<16xf32>,
      tpu.vector_store %swap3A_248[%swap3A_249, %swap3A_250], %broadcast_in_dim3A_1 {strides = array<i32>} : memref<16x1024xf32, #tpu.memory_space<vmem>>, vector<16xf32>,
      %swap3A_252 = arith.constant 7 : i32
      %swap3A_253 = arith.constant 0 : i32
      %swap3A_254 = arith.constant 0 : i32
      %swap3A_255 = tpu.memref_slice %arg5[%scan3A, %swap3A_253, %swap3A_254] : memref<2x16x1024xf32, #tpu.memory_space<vmem>> -> memref<1x16x1024xf32, #tpu.memory_space<vmem>>
      %swap3A_256 = tpu.memref_squeeze %swap3A_255 : memref<1x16x1024xf32, #tpu.memory_space<vmem>> -> memref<16x1024xf32, #tpu.memory_space<vmem>>
      %swap3A_257 = arith.index_cast %swap3A_252 : i32 to index
      %swap3A_258 = arith.index_cast %multiple_of3A : i32 to index
      %swap3A_259 = tpu.vector_load %swap3A_256[%swap3A_257, %swap3A_258] {strides = array<i32>} : memref<16x1024xf32, #tpu.memory_space<vmem>>, vector<16xf32>,
      tpu.vector_store %swap3A_256[%swap3A_257, %swap3A_258], %broadcast_in_dim3A_1 {strides = array<i32>} : memref<16x1024xf32, #tpu.memory_space<vmem>>, vector<16xf32>,
      %swap3A_260 = arith.constant 8 : i32
      %swap3A_261 = arith.constant 0 : i32
      %swap3A_262 = arith.constant 0 : i32
      %swap3A_263 = tpu.memref_slice %arg5[%scan3A, %swap3A_261, %swap3A_262] : memref<2x16x1024xf32, #tpu.memory_space<vmem>> -> memref<1x16x1024xf32, #tpu.memory_space<vmem>>
      %swap3A_264 = tpu.memref_squeeze %swap3A_263 : memref<1x16x1024xf32, #tpu.memory_space<vmem>> -> memref<16x1024xf32, #tpu.memory_space<vmem>>
      %swap3A_265 = arith.index_cast %swap3A_260 : i32 to index
      %swap3A_266 = arith.index_cast %multiple_of3A : i32 to index
      %swap3A_267 = tpu.vector_load %swap3A_264[%swap3A_265, %swap3A_266] {strides = array<i32>} : memref<16x1024xf32, #tpu.memory_space<vmem>>, vector<16xf32>,
      tpu.vector_store %swap3A_264[%swap3A_265, %swap3A_266], %broadcast_in_dim3A_1 {strides = array<i32>} : memref<16x1024xf32, #tpu.memory_space<vmem>>, vector<16xf32>,
      %swap3A_268 = arith.constant 9 : i32
      %swap3A_269 = arith.constant 0 : i32
      %swap3A_270 = arith.constant 0 : i32
      %swap3A_271 = tpu.memref_slice %arg5[%scan3A, %swap3A_269, %swap3A_270] : memref<2x16x1024xf32, #tpu.memory_space<vmem>> -> memref<1x16x1024xf32, #tpu.memory_space<vmem>>
      %swap3A_272 = tpu.memref_squeeze %swap3A_271 : memref<1x16x1024xf32, #tpu.memory_space<vmem>> -> memref<16x1024xf32, #tpu.memory_space<vmem>>
      %swap3A_273 = arith.index_cast %swap3A_268 : i32 to index
      %swap3A_274 = arith.index_cast %multiple_of3A : i32 to index
      %swap3A_275 = tpu.vector_load %swap3A_272[%swap3A_273, %swap3A_274] {strides = array<i32>} : memref<16x1024xf32, #tpu.memory_space<vmem>>, vector<16xf32>,
      tpu.vector_store %swap3A_272[%swap3A_273, %swap3A_274], %broadcast_in_dim3A_1 {strides = array<i32>} : memref<16x1024xf32, #tpu.memory_space<vmem>>, vector<16xf32>,
      %swap3A_276 = arith.constant 10 : i32
      %swap3A_277 = arith.constant 0 : i32
      %swap3A_278 = arith.constant 0 : i32
      %swap3A_279 = tpu.memref_slice %arg5[%scan3A, %swap3A_277, %swap3A_278] : memref<2x16x1024xf32, #tpu.memory_space<vmem>> -> memref<1x16x1024xf32, #tpu.memory_space<vmem>>
      %swap3A_280 = tpu.memref_squeeze %swap3A_279 : memref<1x16x1024xf32, #tpu.memory_space<vmem>> -> memref<16x1024xf32, #tpu.memory_space<vmem>>
      %swap3A_281 = arith.index_cast %swap3A_276 : i32 to index
      %swap3A_282 = arith.index_cast %multiple_of3A : i32 to index
      %swap3A_283 = tpu.vector_load %swap3A_280[%swap3A_281, %swap3A_282] {strides = array<i32>} : memref<16x1024xf32, #tpu.memory_space<vmem>>, vector<16xf32>,
      tpu.vector_store %swap3A_280[%swap3A_281, %swap3A_282], %broadcast_in_dim3A_1 {strides = array<i32>} : memref<16x1024xf32, #tpu.memory_space<vmem>>, vector<16xf32>,
      %swap3A_284 = arith.constant 11 : i32
      %swap3A_285 = arith.constant 0 : i32
      %swap3A_286 = arith.constant 0 : i32
      %swap3A_287 = tpu.memref_slice %arg5[%scan3A, %swap3A_285, %swap3A_286] : memref<2x16x1024xf32, #tpu.memory_space<vmem>> -> memref<1x16x1024xf32, #tpu.memory_space<vmem>>
      %swap3A_288 = tpu.memref_squeeze %swap3A_287 : memref<1x16x1024xf32, #tpu.memory_space<vmem>> -> memref<16x1024xf32, #tpu.memory_space<vmem>>
      %swap3A_289 = arith.index_cast %swap3A_284 : i32 to index
      %swap3A_290 = arith.index_cast %multiple_of3A : i32 to index
      %swap3A_291 = tpu.vector_load %swap3A_288[%swap3A_289, %swap3A_290] {strides = array<i32>} : memref<16x1024xf32, #tpu.memory_space<vmem>>, vector<16xf32>,
      tpu.vector_store %swap3A_288[%swap3A_289, %swap3A_290], %broadcast_in_dim3A_1 {strides = array<i32>} : memref<16x1024xf32, #tpu.memory_space<vmem>>, vector<16xf32>,
      %swap3A_292 = arith.constant 12 : i32
      %swap3A_293 = arith.constant 0 : i32
      %swap3A_294 = arith.constant 0 : i32
      %swap3A_295 = tpu.memref_slice %arg5[%scan3A, %swap3A_293, %swap3A_294] : memref<2x16x1024xf32, #tpu.memory_space<vmem>> -> memref<1x16x1024xf32, #tpu.memory_space<vmem>>
      %swap3A_296 = tpu.memref_squeeze %swap3A_295 : memref<1x16x1024xf32, #tpu.memory_space<vmem>> -> memref<16x1024xf32, #tpu.memory_space<vmem>>
      %swap3A_297 = arith.index_cast %swap3A_292 : i32 to index
      %swap3A_298 = arith.index_cast %multiple_of3A : i32 to index
      %swap3A_299 = tpu.vector_load %swap3A_296[%swap3A_297, %swap3A_298] {strides = array<i32>} : memref<16x1024xf32, #tpu.memory_space<vmem>>, vector<16xf32>,
      tpu.vector_store %swap3A_296[%swap3A_297, %swap3A_298], %broadcast_in_dim3A_1 {strides = array<i32>} : memref<16x1024xf32, #tpu.memory_space<vmem>>, vector<16xf32>,
      %swap3A_300 = arith.constant 13 : i32
      %swap3A_301 = arith.constant 0 : i32
      %swap3A_302 = arith.constant 0 : i32
      %swap3A_303 = tpu.memref_slice %arg5[%scan3A, %swap3A_301, %swap3A_302] : memref<2x16x1024xf32, #tpu.memory_space<vmem>> -> memref<1x16x1024xf32, #tpu.memory_space<vmem>>
      %swap3A_304 = tpu.memref_squeeze %swap3A_303 : memref<1x16x1024xf32, #tpu.memory_space<vmem>> -> memref<16x1024xf32, #tpu.memory_space<vmem>>
      %swap3A_305 = arith.index_cast %swap3A_300 : i32 to index
      %swap3A_306 = arith.index_cast %multiple_of3A : i32 to index
      %swap3A_307 = tpu.vector_load %swap3A_304[%swap3A_305, %swap3A_306] {strides = array<i32>} : memref<16x1024xf32, #tpu.memory_space<vmem>>, vector<16xf32>,
      tpu.vector_store %swap3A_304[%swap3A_305, %swap3A_306], %broadcast_in_dim3A_1 {strides = array<i32>} : memref<16x1024xf32, #tpu.memory_space<vmem>>, vector<16xf32>,
      %swap3A_308 = arith.constant 14 : i32
      %swap3A_309 = arith.constant 0 : i32
      %swap3A_310 = arith.constant 0 : i32
      %swap3A_311 = tpu.memref_slice %arg5[%scan3A, %swap3A_309, %swap3A_310] : memref<2x16x1024xf32, #tpu.memory_space<vmem>> -> memref<1x16x1024xf32, #tpu.memory_space<vmem>>
      %swap3A_312 = tpu.memref_squeeze %swap3A_311 : memref<1x16x1024xf32, #tpu.memory_space<vmem>> -> memref<16x1024xf32, #tpu.memory_space<vmem>>
      %swap3A_313 = arith.index_cast %swap3A_308 : i32 to index
      %swap3A_314 = arith.index_cast %multiple_of3A : i32 to index
      %swap3A_315 = tpu.vector_load %swap3A_312[%swap3A_313, %swap3A_314] {strides = array<i32>} : memref<16x1024xf32, #tpu.memory_space<vmem>>, vector<16xf32>,
      tpu.vector_store %swap3A_312[%swap3A_313, %swap3A_314], %broadcast_in_dim3A_1 {strides = array<i32>} : memref<16x1024xf32, #tpu.memory_space<vmem>>, vector<16xf32>,
      %swap3A_316 = arith.constant 15 : i32
      %swap3A_317 = arith.constant 0 : i32
      %swap3A_318 = arith.constant 0 : i32
      %swap3A_319 = tpu.memref_slice %arg5[%scan3A, %swap3A_317, %swap3A_318] : memref<2x16x1024xf32, #tpu.memory_space<vmem>> -> memref<1x16x1024xf32, #tpu.memory_space<vmem>>
      %swap3A_320 = tpu.memref_squeeze %swap3A_319 : memref<1x16x1024xf32, #tpu.memory_space<vmem>> -> memref<16x1024xf32, #tpu.memory_space<vmem>>
      %swap3A_321 = arith.index_cast %swap3A_316 : i32 to index
      %swap3A_322 = arith.index_cast %multiple_of3A : i32 to index
      %swap3A_323 = tpu.vector_load %swap3A_320[%swap3A_321, %swap3A_322] {strides = array<i32>} : memref<16x1024xf32, #tpu.memory_space<vmem>>, vector<16xf32>,
      tpu.vector_store %swap3A_320[%swap3A_321, %swap3A_322], %broadcast_in_dim3A_1 {strides = array<i32>} : memref<16x1024xf32, #tpu.memory_space<vmem>>, vector<16xf32>,
      %scan3A_324 = arith.constant 0 : i32
      scf.yield %scan3A_324 : i32
    }
    %scan3A_14 = arith.constant 64 : i32
    %scan3A_15 = arith.constant 0 : i32
    %scan3A_16 = arith.constant 0 : i32
    %scan3A_17 = arith.constant 0 : i32
    %scan3A_18 = arith.constant 64 : i32
    %scan3A_19 = arith.addi %scan3A_17, %scan3A_18 : i32
    %scan3A_20 = arith.constant 4 : i32
    %scan3A_21 = scf.for %scan3A_193 = %scan3A_17 to %scan3A_19 step %scan3A_20 iter_args(%scan3A_194 = %scan3A_16) -> (i32)  : i32 {
      %mul3A_195 = arith.constant 16 : i32
      %mul3A_196 = arith.muli %scan3A_193, %mul3A_195 : i32
      %multiple_of3A = tpu.assume_multiple %mul3A_196, 16 : i32
      %get3A = arith.index_cast %multiple_of3A : i32 to index
      %get3A_197 = tpu.vector_load %arg4[%get3A] {strides = array<i32>} : memref<1024xi32, #tpu.memory_space<vmem>>, vector<16xi32>,
      %scatter3A = arith.constant 0 : i32
      %scatter3A_198 = arith.constant 0 : i32
      %scatter3A_199 = tpu.memref_slice %arg5[%scan3A_15, %scatter3A, %scatter3A_198] : memref<2x16x1024xf32, #tpu.memory_space<vmem>> -> memref<1x16x1024xf32, #tpu.memory_space<vmem>>
      %scatter3A_200 = tpu.memref_squeeze %scatter3A_199 : memref<1x16x1024xf32, #tpu.memory_space<vmem>> -> memref<16x1024xf32, #tpu.memory_space<vmem>>
      tpu.vector_store_idx %scatter3A_200[%iota3A, %get3A_197], %broadcast_in_dim3A_3 {add = true} : memref<16x1024xf32, #tpu.memory_space<vmem>>[vector<16xi32>, vector<16xi32>], vector<16xf32>,
      %scan3A_201 = arith.constant 0 : i32
      %scan3A_202 = arith.constant 1 : i32
      %scan3A_203 = arith.addi %scan3A_193, %scan3A_202 : i32
      %mul3A_204 = arith.constant 16 : i32
      %mul3A_205 = arith.muli %scan3A_203, %mul3A_204 : i32
      %multiple_of3A_206 = tpu.assume_multiple %mul3A_205, 16 : i32
      %get3A_207 = arith.index_cast %multiple_of3A_206 : i32 to index
      %get3A_208 = tpu.vector_load %arg4[%get3A_207] {strides = array<i32>} : memref<1024xi32, #tpu.memory_space<vmem>>, vector<16xi32>,
      %scatter3A_209 = arith.constant 0 : i32
      %scatter3A_210 = arith.constant 0 : i32
      %scatter3A_211 = tpu.memref_slice %arg5[%scan3A_15, %scatter3A_209, %scatter3A_210] : memref<2x16x1024xf32, #tpu.memory_space<vmem>> -> memref<1x16x1024xf32, #tpu.memory_space<vmem>>
      %scatter3A_212 = tpu.memref_squeeze %scatter3A_211 : memref<1x16x1024xf32, #tpu.memory_space<vmem>> -> memref<16x1024xf32, #tpu.memory_space<vmem>>
      tpu.vector_store_idx %scatter3A_212[%iota3A, %get3A_208], %broadcast_in_dim3A_3 {add = true} : memref<16x1024xf32, #tpu.memory_space<vmem>>[vector<16xi32>, vector<16xi32>], vector<16xf32>,
      %scan3A_213 = arith.constant 0 : i32
      %scan3A_214 = arith.constant 2 : i32
      %scan3A_215 = arith.addi %scan3A_193, %scan3A_214 : i32
      %mul3A_216 = arith.constant 16 : i32
      %mul3A_217 = arith.muli %scan3A_215, %mul3A_216 : i32
      %multiple_of3A_218 = tpu.assume_multiple %mul3A_217, 16 : i32
      %get3A_219 = arith.index_cast %multiple_of3A_218 : i32 to index
      %get3A_220 = tpu.vector_load %arg4[%get3A_219] {strides = array<i32>} : memref<1024xi32, #tpu.memory_space<vmem>>, vector<16xi32>,
      %scatter3A_221 = arith.constant 0 : i32
      %scatter3A_222 = arith.constant 0 : i32
      %scatter3A_223 = tpu.memref_slice %arg5[%scan3A_15, %scatter3A_221, %scatter3A_222] : memref<2x16x1024xf32, #tpu.memory_space<vmem>> -> memref<1x16x1024xf32, #tpu.memory_space<vmem>>
      %scatter3A_224 = tpu.memref_squeeze %scatter3A_223 : memref<1x16x1024xf32, #tpu.memory_space<vmem>> -> memref<16x1024xf32, #tpu.memory_space<vmem>>
      tpu.vector_store_idx %scatter3A_224[%iota3A, %get3A_220], %broadcast_in_dim3A_3 {add = true} : memref<16x1024xf32, #tpu.memory_space<vmem>>[vector<16xi32>, vector<16xi32>], vector<16xf32>,
      %scan3A_225 = arith.constant 0 : i32
      %scan3A_226 = arith.constant 3 : i32
      %scan3A_227 = arith.addi %scan3A_193, %scan3A_226 : i32
      %mul3A_228 = arith.constant 16 : i32
      %mul3A_229 = arith.muli %scan3A_227, %mul3A_228 : i32
      %multiple_of3A_230 = tpu.assume_multiple %mul3A_229, 16 : i32
      %get3A_231 = arith.index_cast %multiple_of3A_230 : i32 to index
      %get3A_232 = tpu.vector_load %arg4[%get3A_231] {strides = array<i32>} : memref<1024xi32, #tpu.memory_space<vmem>>, vector<16xi32>,
      %scatter3A_233 = arith.constant 0 : i32
      %scatter3A_234 = arith.constant 0 : i32
      %scatter3A_235 = tpu.memref_slice %arg5[%scan3A_15, %scatter3A_233, %scatter3A_234] : memref<2x16x1024xf32, #tpu.memory_space<vmem>> -> memref<1x16x1024xf32, #tpu.memory_space<vmem>>
      %scatter3A_236 = tpu.memref_squeeze %scatter3A_235 : memref<1x16x1024xf32, #tpu.memory_space<vmem>> -> memref<16x1024xf32, #tpu.memory_space<vmem>>
      tpu.vector_store_idx %scatter3A_236[%iota3A, %get3A_232], %broadcast_in_dim3A_3 {add = true} : memref<16x1024xf32, #tpu.memory_space<vmem>>[vector<16xi32>, vector<16xi32>], vector<16xf32>,
      %scan3A_237 = arith.constant 0 : i32
      scf.yield %scan3A_237 : i32
    }
    %scan3A_22 = arith.constant 64 : i32
    %mul3A_23 = arith.constant 16 : i32
    %mul3A_24 = arith.muli %add3A_7, %mul3A_23 : i32
    %dma_start3A = arith.constant 0 : i32
    %dma_start3A_25 = arith.constant 0 : i32
    %dma_start3A_26 = arith.constant 0 : i32
    %dma_start3A_27 = tpu.memref_slice %arg5[%dma_start3A, %dma_start3A_25, %dma_start3A_26] : memref<2x16x1024xf32, #tpu.memory_space<vmem>> -> memref<1x16x1024xf32, #tpu.memory_space<vmem>>
    %dma_start3A_28 = tpu.memref_squeeze %dma_start3A_27 : memref<1x16x1024xf32, #tpu.memory_space<vmem>> -> memref<16x1024xf32, #tpu.memory_space<vmem>>
    %dma_start3A_29 = arith.constant 0 : i32
    %dma_start3A_30 = tpu.memref_slice %arg3[%mul3A_24, %dma_start3A_29] : memref<2048x1024xf32, #tpu.memory_space<hbm>> -> memref<16x1024xf32, #tpu.memory_space<hbm>>
    %dma_start3A_31 = arith.constant 0 : i32
    %dma_start3A_32 = tpu.memref_slice %arg3[%mul3A_24, %dma_start3A_31] : memref<2048x1024xf32, #tpu.memory_space<hbm>> -> memref<16x1024xf32, #tpu.memory_space<hbm>>
    %dma_start3A_33 = arith.constant 0 : i32
    %dma_start3A_34 = arith.constant 0 : i32
    %dma_start3A_35 = tpu.memref_slice %arg5[%dma_start3A, %dma_start3A_33, %dma_start3A_34] : memref<2x16x1024xf32, #tpu.memory_space<vmem>> -> memref<1x16x1024xf32, #tpu.memory_space<vmem>>
    %dma_start3A_36 = tpu.memref_squeeze %dma_start3A_35 : memref<1x16x1024xf32, #tpu.memory_space<vmem>> -> memref<16x1024xf32, #tpu.memory_space<vmem>>
    tpu.enqueue_dma source(%dma_start3A_36 : memref<16x1024xf32, #tpu.memory_space<vmem>>) target(%dma_start3A_32 : memref<16x1024xf32, #tpu.memory_space<hbm>>) target_semaphore(%arg6 : memref<!tpu.dma_semaphore, #tpu.memory_space<semaphore_mem>>)
    %mul3A_37 = arith.constant 4 : i32
    %mul3A_38 = arith.muli %add3A, %mul3A_37 : i32
    %add3A_39 = arith.constant 1 : i32
    %add3A_40 = arith.addi %mul3A_38, %add3A_39 : i32
    "tpu.region"() ({
      %run_scoped3A = tpu.sem_alloc : memref<!tpu.dma_semaphore, #tpu.memory_space<semaphore_mem>>
      %dma_start3A_193 = arith.constant 0 : i32
      %dma_start3A_194 = tpu.memref_slice %arg2[%add3A_40, %dma_start3A_193] : memref<128x1024xi32, #tpu.memory_space<hbm>> -> memref<1x1024xi32, #tpu.memory_space<hbm>>
      %dma_start3A_195 = tpu.memref_squeeze %dma_start3A_194 : memref<1x1024xi32, #tpu.memory_space<hbm>> -> memref<1024xi32, #tpu.memory_space<hbm>>
      %dma_start3A_196 = arith.constant 0 : i32
      %dma_start3A_197 = tpu.memref_slice %arg2[%add3A_40, %dma_start3A_196] : memref<128x1024xi32, #tpu.memory_space<hbm>> -> memref<1x1024xi32, #tpu.memory_space<hbm>>
      %dma_start3A_198 = tpu.memref_squeeze %dma_start3A_197 : memref<1x1024xi32, #tpu.memory_space<hbm>> -> memref<1024xi32, #tpu.memory_space<hbm>>
      tpu.enqueue_dma source(%dma_start3A_198 : memref<1024xi32, #tpu.memory_space<hbm>>) target(%arg4 : memref<1024xi32, #tpu.memory_space<vmem>>) target_semaphore(%run_scoped3A : memref<!tpu.dma_semaphore, #tpu.memory_space<semaphore_mem>>)
      %dma_wait3A_199 = arith.constant 0 : i32
      %dma_wait3A_200 = tpu.memref_slice %arg2[%add3A_40, %dma_wait3A_199] : memref<128x1024xi32, #tpu.memory_space<hbm>> -> memref<1x1024xi32, #tpu.memory_space<hbm>>
      %dma_wait3A_201 = tpu.memref_squeeze %dma_wait3A_200 : memref<1x1024xi32, #tpu.memory_space<hbm>> -> memref<1024xi32, #tpu.memory_space<hbm>>
      %dma_wait3A_202 = arith.constant 0 : i32
      %dma_wait3A_203 = tpu.memref_slice %arg2[%add3A_40, %dma_wait3A_202] : memref<128x1024xi32, #tpu.memory_space<hbm>> -> memref<1x1024xi32, #tpu.memory_space<hbm>>
      %dma_wait3A_204 = tpu.memref_squeeze %dma_wait3A_203 : memref<1x1024xi32, #tpu.memory_space<hbm>> -> memref<1024xi32, #tpu.memory_space<hbm>>
      tpu.wait_dma2 semaphore(%run_scoped3A : memref<!tpu.dma_semaphore, #tpu.memory_space<semaphore_mem>>) src(%dma_wait3A_204 : memref<1024xi32, #tpu.memory_space<hbm>>) dst(%arg4 : memref<1024xi32, #tpu.memory_space<vmem>>)
      tpu.yield
    }) : () -> ()
    %scan3A_41 = arith.constant 1 : i32
    %scan3A_42 = arith.constant 0 : i32
    %scan3A_43 = arith.constant 0 : i32
    %scan3A_44 = arith.constant 64 : i32
    %scan3A_45 = arith.addi %scan3A_43, %scan3A_44 : i32
    %scan3A_46 = arith.constant 1 : i32
    %scan3A_47 = scf.for %scan3A_193 = %scan3A_43 to %scan3A_45 step %scan3A_46 iter_args(%scan3A_194 = %scan3A_42) -> (i32)  : i32 {
      %mul3A_195 = arith.constant 16 : i32
      %mul3A_196 = arith.muli %scan3A_193, %mul3A_195 : i32
      %multiple_of3A = tpu.assume_multiple %mul3A_196, 16 : i32
      %swap3A = arith.constant 0 : i32
      %swap3A_197 = arith.constant 0 : i32
      %swap3A_198 = arith.constant 0 : i32
      %swap3A_199 = tpu.memref_slice %arg5[%scan3A_41, %swap3A_197, %swap3A_198] : memref<2x16x1024xf32, #tpu.memory_space<vmem>> -> memref<1x16x1024xf32, #tpu.memory_space<vmem>>
      %swap3A_200 = tpu.memref_squeeze %swap3A_199 : memref<1x16x1024xf32, #tpu.memory_space<vmem>> -> memref<16x1024xf32, #tpu.memory_space<vmem>>
      %swap3A_201 = arith.index_cast %swap3A : i32 to index
      %swap3A_202 = arith.index_cast %multiple_of3A : i32 to index
      %swap3A_203 = tpu.vector_load %swap3A_200[%swap3A_201, %swap3A_202] {strides = array<i32>} : memref<16x1024xf32, #tpu.memory_space<vmem>>, vector<16xf32>,
      tpu.vector_store %swap3A_200[%swap3A_201, %swap3A_202], %broadcast_in_dim3A_1 {strides = array<i32>} : memref<16x1024xf32, #tpu.memory_space<vmem>>, vector<16xf32>,
      %swap3A_204 = arith.constant 1 : i32
      %swap3A_205 = arith.constant 0 : i32
      %swap3A_206 = arith.constant 0 : i32
      %swap3A_207 = tpu.memref_slice %arg5[%scan3A_41, %swap3A_205, %swap3A_206] : memref<2x16x1024xf32, #tpu.memory_space<vmem>> -> memref<1x16x1024xf32, #tpu.memory_space<vmem>>
      %swap3A_208 = tpu.memref_squeeze %swap3A_207 : memref<1x16x1024xf32, #tpu.memory_space<vmem>> -> memref<16x1024xf32, #tpu.memory_space<vmem>>
      %swap3A_209 = arith.index_cast %swap3A_204 : i32 to index
      %swap3A_210 = arith.index_cast %multiple_of3A : i32 to index
      %swap3A_211 = tpu.vector_load %swap3A_208[%swap3A_209, %swap3A_210] {strides = array<i32>} : memref<16x1024xf32, #tpu.memory_space<vmem>>, vector<16xf32>,
      tpu.vector_store %swap3A_208[%swap3A_209, %swap3A_210], %broadcast_in_dim3A_1 {strides = array<i32>} : memref<16x1024xf32, #tpu.memory_space<vmem>>, vector<16xf32>,
      %swap3A_212 = arith.constant 2 : i32
      %swap3A_213 = arith.constant 0 : i32
      %swap3A_214 = arith.constant 0 : i32
      %swap3A_215 = tpu.memref_slice %arg5[%scan3A_41, %swap3A_213, %swap3A_214] : memref<2x16x1024xf32, #tpu.memory_space<vmem>> -> memref<1x16x1024xf32, #tpu.memory_space<vmem>>
      %swap3A_216 = tpu.memref_squeeze %swap3A_215 : memref<1x16x1024xf32, #tpu.memory_space<vmem>> -> memref<16x1024xf32, #tpu.memory_space<vmem>>
      %swap3A_217 = arith.index_cast %swap3A_212 : i32 to index
      %swap3A_218 = arith.index_cast %multiple_of3A : i32 to index
      %swap3A_219 = tpu.vector_load %swap3A_216[%swap3A_217, %swap3A_218] {strides = array<i32>} : memref<16x1024xf32, #tpu.memory_space<vmem>>, vector<16xf32>,
      tpu.vector_store %swap3A_216[%swap3A_217, %swap3A_218], %broadcast_in_dim3A_1 {strides = array<i32>} : memref<16x1024xf32, #tpu.memory_space<vmem>>, vector<16xf32>,
      %swap3A_220 = arith.constant 3 : i32
      %swap3A_221 = arith.constant 0 : i32
      %swap3A_222 = arith.constant 0 : i32
      %swap3A_223 = tpu.memref_slice %arg5[%scan3A_41, %swap3A_221, %swap3A_222] : memref<2x16x1024xf32, #tpu.memory_space<vmem>> -> memref<1x16x1024xf32, #tpu.memory_space<vmem>>
      %swap3A_224 = tpu.memref_squeeze %swap3A_223 : memref<1x16x1024xf32, #tpu.memory_space<vmem>> -> memref<16x1024xf32, #tpu.memory_space<vmem>>
      %swap3A_225 = arith.index_cast %swap3A_220 : i32 to index
      %swap3A_226 = arith.index_cast %multiple_of3A : i32 to index
      %swap3A_227 = tpu.vector_load %swap3A_224[%swap3A_225, %swap3A_226] {strides = array<i32>} : memref<16x1024xf32, #tpu.memory_space<vmem>>, vector<16xf32>,
      tpu.vector_store %swap3A_224[%swap3A_225, %swap3A_226], %broadcast_in_dim3A_1 {strides = array<i32>} : memref<16x1024xf32, #tpu.memory_space<vmem>>, vector<16xf32>,
      %swap3A_228 = arith.constant 4 : i32
      %swap3A_229 = arith.constant 0 : i32
      %swap3A_230 = arith.constant 0 : i32
      %swap3A_231 = tpu.memref_slice %arg5[%scan3A_41, %swap3A_229, %swap3A_230] : memref<2x16x1024xf32, #tpu.memory_space<vmem>> -> memref<1x16x1024xf32, #tpu.memory_space<vmem>>
      %swap3A_232 = tpu.memref_squeeze %swap3A_231 : memref<1x16x1024xf32, #tpu.memory_space<vmem>> -> memref<16x1024xf32, #tpu.memory_space<vmem>>
      %swap3A_233 = arith.index_cast %swap3A_228 : i32 to index
      %swap3A_234 = arith.index_cast %multiple_of3A : i32 to index
      %swap3A_235 = tpu.vector_load %swap3A_232[%swap3A_233, %swap3A_234] {strides = array<i32>} : memref<16x1024xf32, #tpu.memory_space<vmem>>, vector<16xf32>,
      tpu.vector_store %swap3A_232[%swap3A_233, %swap3A_234], %broadcast_in_dim3A_1 {strides = array<i32>} : memref<16x1024xf32, #tpu.memory_space<vmem>>, vector<16xf32>,
      %swap3A_236 = arith.constant 5 : i32
      %swap3A_237 = arith.constant 0 : i32
      %swap3A_238 = arith.constant 0 : i32
      %swap3A_239 = tpu.memref_slice %arg5[%scan3A_41, %swap3A_237, %swap3A_238] : memref<2x16x1024xf32, #tpu.memory_space<vmem>> -> memref<1x16x1024xf32, #tpu.memory_space<vmem>>
      %swap3A_240 = tpu.memref_squeeze %swap3A_239 : memref<1x16x1024xf32, #tpu.memory_space<vmem>> -> memref<16x1024xf32, #tpu.memory_space<vmem>>
      %swap3A_241 = arith.index_cast %swap3A_236 : i32 to index
      %swap3A_242 = arith.index_cast %multiple_of3A : i32 to index
      %swap3A_243 = tpu.vector_load %swap3A_240[%swap3A_241, %swap3A_242] {strides = array<i32>} : memref<16x1024xf32, #tpu.memory_space<vmem>>, vector<16xf32>,
      tpu.vector_store %swap3A_240[%swap3A_241, %swap3A_242], %broadcast_in_dim3A_1 {strides = array<i32>} : memref<16x1024xf32, #tpu.memory_space<vmem>>, vector<16xf32>,
      %swap3A_244 = arith.constant 6 : i32
      %swap3A_245 = arith.constant 0 : i32
      %swap3A_246 = arith.constant 0 : i32
      %swap3A_247 = tpu.memref_slice %arg5[%scan3A_41, %swap3A_245, %swap3A_246] : memref<2x16x1024xf32, #tpu.memory_space<vmem>> -> memref<1x16x1024xf32, #tpu.memory_space<vmem>>
      %swap3A_248 = tpu.memref_squeeze %swap3A_247 : memref<1x16x1024xf32, #tpu.memory_space<vmem>> -> memref<16x1024xf32, #tpu.memory_space<vmem>>
      %swap3A_249 = arith.index_cast %swap3A_244 : i32 to index
      %swap3A_250 = arith.index_cast %multiple_of3A : i32 to index
      %swap3A_251 = tpu.vector_load %swap3A_248[%swap3A_249, %swap3A_250] {strides = array<i32>} : memref<16x1024xf32, #tpu.memory_space<vmem>>, vector<16xf32>,
      tpu.vector_store %swap3A_248[%swap3A_249, %swap3A_250], %broadcast_in_dim3A_1 {strides = array<i32>} : memref<16x1024xf32, #tpu.memory_space<vmem>>, vector<16xf32>,
      %swap3A_252 = arith.constant 7 : i32
      %swap3A_253 = arith.constant 0 : i32
      %swap3A_254 = arith.constant 0 : i32
      %swap3A_255 = tpu.memref_slice %arg5[%scan3A_41, %swap3A_253, %swap3A_254] : memref<2x16x1024xf32, #tpu.memory_space<vmem>> -> memref<1x16x1024xf32, #tpu.memory_space<vmem>>
      %swap3A_256 = tpu.memref_squeeze %swap3A_255 : memref<1x16x1024xf32, #tpu.memory_space<vmem>> -> memref<16x1024xf32, #tpu.memory_space<vmem>>
      %swap3A_257 = arith.index_cast %swap3A_252 : i32 to index
      %swap3A_258 = arith.index_cast %multiple_of3A : i32 to index
      %swap3A_259 = tpu.vector_load %swap3A_256[%swap3A_257, %swap3A_258] {strides = array<i32>} : memref<16x1024xf32, #tpu.memory_space<vmem>>, vector<16xf32>,
      tpu.vector_store %swap3A_256[%swap3A_257, %swap3A_258], %broadcast_in_dim3A_1 {strides = array<i32>} : memref<16x1024xf32, #tpu.memory_space<vmem>>, vector<16xf32>,
      %swap3A_260 = arith.constant 8 : i32
      %swap3A_261 = arith.constant 0 : i32
      %swap3A_262 = arith.constant 0 : i32
      %swap3A_263 = tpu.memref_slice %arg5[%scan3A_41, %swap3A_261, %swap3A_262] : memref<2x16x1024xf32, #tpu.memory_space<vmem>> -> memref<1x16x1024xf32, #tpu.memory_space<vmem>>
      %swap3A_264 = tpu.memref_squeeze %swap3A_263 : memref<1x16x1024xf32, #tpu.memory_space<vmem>> -> memref<16x1024xf32, #tpu.memory_space<vmem>>
      %swap3A_265 = arith.index_cast %swap3A_260 : i32 to index
      %swap3A_266 = arith.index_cast %multiple_of3A : i32 to index
      %swap3A_267 = tpu.vector_load %swap3A_264[%swap3A_265, %swap3A_266] {strides = array<i32>} : memref<16x1024xf32, #tpu.memory_space<vmem>>, vector<16xf32>,
      tpu.vector_store %swap3A_264[%swap3A_265, %swap3A_266], %broadcast_in_dim3A_1 {strides = array<i32>} : memref<16x1024xf32, #tpu.memory_space<vmem>>, vector<16xf32>,
      %swap3A_268 = arith.constant 9 : i32
      %swap3A_269 = arith.constant 0 : i32
      %swap3A_270 = arith.constant 0 : i32
      %swap3A_271 = tpu.memref_slice %arg5[%scan3A_41, %swap3A_269, %swap3A_270] : memref<2x16x1024xf32, #tpu.memory_space<vmem>> -> memref<1x16x1024xf32, #tpu.memory_space<vmem>>
      %swap3A_272 = tpu.memref_squeeze %swap3A_271 : memref<1x16x1024xf32, #tpu.memory_space<vmem>> -> memref<16x1024xf32, #tpu.memory_space<vmem>>
      %swap3A_273 = arith.index_cast %swap3A_268 : i32 to index
      %swap3A_274 = arith.index_cast %multiple_of3A : i32 to index
      %swap3A_275 = tpu.vector_load %swap3A_272[%swap3A_273, %swap3A_274] {strides = array<i32>} : memref<16x1024xf32, #tpu.memory_space<vmem>>, vector<16xf32>,
      tpu.vector_store %swap3A_272[%swap3A_273, %swap3A_274], %broadcast_in_dim3A_1 {strides = array<i32>} : memref<16x1024xf32, #tpu.memory_space<vmem>>, vector<16xf32>,
      %swap3A_276 = arith.constant 10 : i32
      %swap3A_277 = arith.constant 0 : i32
      %swap3A_278 = arith.constant 0 : i32
      %swap3A_279 = tpu.memref_slice %arg5[%scan3A_41, %swap3A_277, %swap3A_278] : memref<2x16x1024xf32, #tpu.memory_space<vmem>> -> memref<1x16x1024xf32, #tpu.memory_space<vmem>>
      %swap3A_280 = tpu.memref_squeeze %swap3A_279 : memref<1x16x1024xf32, #tpu.memory_space<vmem>> -> memref<16x1024xf32, #tpu.memory_space<vmem>>
      %swap3A_281 = arith.index_cast %swap3A_276 : i32 to index
      %swap3A_282 = arith.index_cast %multiple_of3A : i32 to index
      %swap3A_283 = tpu.vector_load %swap3A_280[%swap3A_281, %swap3A_282] {strides = array<i32>} : memref<16x1024xf32, #tpu.memory_space<vmem>>, vector<16xf32>,
      tpu.vector_store %swap3A_280[%swap3A_281, %swap3A_282], %broadcast_in_dim3A_1 {strides = array<i32>} : memref<16x1024xf32, #tpu.memory_space<vmem>>, vector<16xf32>,
      %swap3A_284 = arith.constant 11 : i32
      %swap3A_285 = arith.constant 0 : i32
      %swap3A_286 = arith.constant 0 : i32
      %swap3A_287 = tpu.memref_slice %arg5[%scan3A_41, %swap3A_285, %swap3A_286] : memref<2x16x1024xf32, #tpu.memory_space<vmem>> -> memref<1x16x1024xf32, #tpu.memory_space<vmem>>
      %swap3A_288 = tpu.memref_squeeze %swap3A_287 : memref<1x16x1024xf32, #tpu.memory_space<vmem>> -> memref<16x1024xf32, #tpu.memory_space<vmem>>
      %swap3A_289 = arith.index_cast %swap3A_284 : i32 to index
      %swap3A_290 = arith.index_cast %multiple_of3A : i32 to index
      %swap3A_291 = tpu.vector_load %swap3A_288[%swap3A_289, %swap3A_290] {strides = array<i32>} : memref<16x1024xf32, #tpu.memory_space<vmem>>, vector<16xf32>,
      tpu.vector_store %swap3A_288[%swap3A_289, %swap3A_290], %broadcast_in_dim3A_1 {strides = array<i32>} : memref<16x1024xf32, #tpu.memory_space<vmem>>, vector<16xf32>,
      %swap3A_292 = arith.constant 12 : i32
      %swap3A_293 = arith.constant 0 : i32
      %swap3A_294 = arith.constant 0 : i32
      %swap3A_295 = tpu.memref_slice %arg5[%scan3A_41, %swap3A_293, %swap3A_294] : memref<2x16x1024xf32, #tpu.memory_space<vmem>> -> memref<1x16x1024xf32, #tpu.memory_space<vmem>>
      %swap3A_296 = tpu.memref_squeeze %swap3A_295 : memref<1x16x1024xf32, #tpu.memory_space<vmem>> -> memref<16x1024xf32, #tpu.memory_space<vmem>>
      %swap3A_297 = arith.index_cast %swap3A_292 : i32 to index
      %swap3A_298 = arith.index_cast %multiple_of3A : i32 to index
      %swap3A_299 = tpu.vector_load %swap3A_296[%swap3A_297, %swap3A_298] {strides = array<i32>} : memref<16x1024xf32, #tpu.memory_space<vmem>>, vector<16xf32>,
      tpu.vector_store %swap3A_296[%swap3A_297, %swap3A_298], %broadcast_in_dim3A_1 {strides = array<i32>} : memref<16x1024xf32, #tpu.memory_space<vmem>>, vector<16xf32>,
      %swap3A_300 = arith.constant 13 : i32
      %swap3A_301 = arith.constant 0 : i32
      %swap3A_302 = arith.constant 0 : i32
      %swap3A_303 = tpu.memref_slice %arg5[%scan3A_41, %swap3A_301, %swap3A_302] : memref<2x16x1024xf32, #tpu.memory_space<vmem>> -> memref<1x16x1024xf32, #tpu.memory_space<vmem>>
      %swap3A_304 = tpu.memref_squeeze %swap3A_303 : memref<1x16x1024xf32, #tpu.memory_space<vmem>> -> memref<16x1024xf32, #tpu.memory_space<vmem>>
      %swap3A_305 = arith.index_cast %swap3A_300 : i32 to index
      %swap3A_306 = arith.index_cast %multiple_of3A : i32 to index
      %swap3A_307 = tpu.vector_load %swap3A_304[%swap3A_305, %swap3A_306] {strides = array<i32>} : memref<16x1024xf32, #tpu.memory_space<vmem>>, vector<16xf32>,
      tpu.vector_store %swap3A_304[%swap3A_305, %swap3A_306], %broadcast_in_dim3A_1 {strides = array<i32>} : memref<16x1024xf32, #tpu.memory_space<vmem>>, vector<16xf32>,
      %swap3A_308 = arith.constant 14 : i32
      %swap3A_309 = arith.constant 0 : i32
      %swap3A_310 = arith.constant 0 : i32
      %swap3A_311 = tpu.memref_slice %arg5[%scan3A_41, %swap3A_309, %swap3A_310] : memref<2x16x1024xf32, #tpu.memory_space<vmem>> -> memref<1x16x1024xf32, #tpu.memory_space<vmem>>
      %swap3A_312 = tpu.memref_squeeze %swap3A_311 : memref<1x16x1024xf32, #tpu.memory_space<vmem>> -> memref<16x1024xf32, #tpu.memory_space<vmem>>
      %swap3A_313 = arith.index_cast %swap3A_308 : i32 to index
      %swap3A_314 = arith.index_cast %multiple_of3A : i32 to index
      %swap3A_315 = tpu.vector_load %swap3A_312[%swap3A_313, %swap3A_314] {strides = array<i32>} : memref<16x1024xf32, #tpu.memory_space<vmem>>, vector<16xf32>,
      tpu.vector_store %swap3A_312[%swap3A_313, %swap3A_314], %broadcast_in_dim3A_1 {strides = array<i32>} : memref<16x1024xf32, #tpu.memory_space<vmem>>, vector<16xf32>,
      %swap3A_316 = arith.constant 15 : i32
      %swap3A_317 = arith.constant 0 : i32
      %swap3A_318 = arith.constant 0 : i32
      %swap3A_319 = tpu.memref_slice %arg5[%scan3A_41, %swap3A_317, %swap3A_318] : memref<2x16x1024xf32, #tpu.memory_space<vmem>> -> memref<1x16x1024xf32, #tpu.memory_space<vmem>>
      %swap3A_320 = tpu.memref_squeeze %swap3A_319 : memref<1x16x1024xf32, #tpu.memory_space<vmem>> -> memref<16x1024xf32, #tpu.memory_space<vmem>>
      %swap3A_321 = arith.index_cast %swap3A_316 : i32 to index
      %swap3A_322 = arith.index_cast %multiple_of3A : i32 to index
      %swap3A_323 = tpu.vector_load %swap3A_320[%swap3A_321, %swap3A_322] {strides = array<i32>} : memref<16x1024xf32, #tpu.memory_space<vmem>>, vector<16xf32>,
      tpu.vector_store %swap3A_320[%swap3A_321, %swap3A_322], %broadcast_in_dim3A_1 {strides = array<i32>} : memref<16x1024xf32, #tpu.memory_space<vmem>>, vector<16xf32>,
      %scan3A_324 = arith.constant 0 : i32
      scf.yield %scan3A_324 : i32
    }
    %scan3A_48 = arith.constant 64 : i32
    %scan3A_49 = arith.constant 1 : i32
    %scan3A_50 = arith.constant 0 : i32
    %scan3A_51 = arith.constant 0 : i32
    %scan3A_52 = arith.constant 64 : i32
    %scan3A_53 = arith.addi %scan3A_51, %scan3A_52 : i32
    %scan3A_54 = arith.constant 4 : i32
    %scan3A_55 = scf.for %scan3A_193 = %scan3A_51 to %scan3A_53 step %scan3A_54 iter_args(%scan3A_194 = %scan3A_50) -> (i32)  : i32 {
      %mul3A_195 = arith.constant 16 : i32
      %mul3A_196 = arith.muli %scan3A_193, %mul3A_195 : i32
      %multiple_of3A = tpu.assume_multiple %mul3A_196, 16 : i32
      %get3A = arith.index_cast %multiple_of3A : i32 to index
      %get3A_197 = tpu.vector_load %arg4[%get3A] {strides = array<i32>} : memref<1024xi32, #tpu.memory_space<vmem>>, vector<16xi32>,
      %scatter3A = arith.constant 0 : i32
      %scatter3A_198 = arith.constant 0 : i32
      %scatter3A_199 = tpu.memref_slice %arg5[%scan3A_49, %scatter3A, %scatter3A_198] : memref<2x16x1024xf32, #tpu.memory_space<vmem>> -> memref<1x16x1024xf32, #tpu.memory_space<vmem>>
      %scatter3A_200 = tpu.memref_squeeze %scatter3A_199 : memref<1x16x1024xf32, #tpu.memory_space<vmem>> -> memref<16x1024xf32, #tpu.memory_space<vmem>>
      tpu.vector_store_idx %scatter3A_200[%iota3A, %get3A_197], %broadcast_in_dim3A_3 {add = true} : memref<16x1024xf32, #tpu.memory_space<vmem>>[vector<16xi32>, vector<16xi32>], vector<16xf32>,
      %scan3A_201 = arith.constant 0 : i32
      %scan3A_202 = arith.constant 1 : i32
      %scan3A_203 = arith.addi %scan3A_193, %scan3A_202 : i32
      %mul3A_204 = arith.constant 16 : i32
      %mul3A_205 = arith.muli %scan3A_203, %mul3A_204 : i32
      %multiple_of3A_206 = tpu.assume_multiple %mul3A_205, 16 : i32
      %get3A_207 = arith.index_cast %multiple_of3A_206 : i32 to index
      %get3A_208 = tpu.vector_load %arg4[%get3A_207] {strides = array<i32>} : memref<1024xi32, #tpu.memory_space<vmem>>, vector<16xi32>,
      %scatter3A_209 = arith.constant 0 : i32
      %scatter3A_210 = arith.constant 0 : i32
      %scatter3A_211 = tpu.memref_slice %arg5[%scan3A_49, %scatter3A_209, %scatter3A_210] : memref<2x16x1024xf32, #tpu.memory_space<vmem>> -> memref<1x16x1024xf32, #tpu.memory_space<vmem>>
      %scatter3A_212 = tpu.memref_squeeze %scatter3A_211 : memref<1x16x1024xf32, #tpu.memory_space<vmem>> -> memref<16x1024xf32, #tpu.memory_space<vmem>>
      tpu.vector_store_idx %scatter3A_212[%iota3A, %get3A_208], %broadcast_in_dim3A_3 {add = true} : memref<16x1024xf32, #tpu.memory_space<vmem>>[vector<16xi32>, vector<16xi32>], vector<16xf32>,
      %scan3A_213 = arith.constant 0 : i32
      %scan3A_214 = arith.constant 2 : i32
      %scan3A_215 = arith.addi %scan3A_193, %scan3A_214 : i32
      %mul3A_216 = arith.constant 16 : i32
      %mul3A_217 = arith.muli %scan3A_215, %mul3A_216 : i32
      %multiple_of3A_218 = tpu.assume_multiple %mul3A_217, 16 : i32
      %get3A_219 = arith.index_cast %multiple_of3A_218 : i32 to index
      %get3A_220 = tpu.vector_load %arg4[%get3A_219] {strides = array<i32>} : memref<1024xi32, #tpu.memory_space<vmem>>, vector<16xi32>,
      %scatter3A_221 = arith.constant 0 : i32
      %scatter3A_222 = arith.constant 0 : i32
      %scatter3A_223 = tpu.memref_slice %arg5[%scan3A_49, %scatter3A_221, %scatter3A_222] : memref<2x16x1024xf32, #tpu.memory_space<vmem>> -> memref<1x16x1024xf32, #tpu.memory_space<vmem>>
      %scatter3A_224 = tpu.memref_squeeze %scatter3A_223 : memref<1x16x1024xf32, #tpu.memory_space<vmem>> -> memref<16x1024xf32, #tpu.memory_space<vmem>>
      tpu.vector_store_idx %scatter3A_224[%iota3A, %get3A_220], %broadcast_in_dim3A_3 {add = true} : memref<16x1024xf32, #tpu.memory_space<vmem>>[vector<16xi32>, vector<16xi32>], vector<16xf32>,
      %scan3A_225 = arith.constant 0 : i32
      %scan3A_226 = arith.constant 3 : i32
      %scan3A_227 = arith.addi %scan3A_193, %scan3A_226 : i32
      %mul3A_228 = arith.constant 16 : i32
      %mul3A_229 = arith.muli %scan3A_227, %mul3A_228 : i32
      %multiple_of3A_230 = tpu.assume_multiple %mul3A_229, 16 : i32
      %get3A_231 = arith.index_cast %multiple_of3A_230 : i32 to index
      %get3A_232 = tpu.vector_load %arg4[%get3A_231] {strides = array<i32>} : memref<1024xi32, #tpu.memory_space<vmem>>, vector<16xi32>,
      %scatter3A_233 = arith.constant 0 : i32
      %scatter3A_234 = arith.constant 0 : i32
      %scatter3A_235 = tpu.memref_slice %arg5[%scan3A_49, %scatter3A_233, %scatter3A_234] : memref<2x16x1024xf32, #tpu.memory_space<vmem>> -> memref<1x16x1024xf32, #tpu.memory_space<vmem>>
      %scatter3A_236 = tpu.memref_squeeze %scatter3A_235 : memref<1x16x1024xf32, #tpu.memory_space<vmem>> -> memref<16x1024xf32, #tpu.memory_space<vmem>>
      tpu.vector_store_idx %scatter3A_236[%iota3A, %get3A_232], %broadcast_in_dim3A_3 {add = true} : memref<16x1024xf32, #tpu.memory_space<vmem>>[vector<16xi32>, vector<16xi32>], vector<16xf32>,
      %scan3A_237 = arith.constant 0 : i32
      scf.yield %scan3A_237 : i32
    }
    %scan3A_56 = arith.constant 64 : i32
    %mul3A_57 = arith.constant 16 : i32
    %mul3A_58 = arith.muli %add3A_40, %mul3A_57 : i32
    %dma_start3A_59 = arith.constant 1 : i32
    %dma_start3A_60 = arith.constant 0 : i32
    %dma_start3A_61 = arith.constant 0 : i32
    %dma_start3A_62 = tpu.memref_slice %arg5[%dma_start3A_59, %dma_start3A_60, %dma_start3A_61] : memref<2x16x1024xf32, #tpu.memory_space<vmem>> -> memref<1x16x1024xf32, #tpu.memory_space<vmem>>
    %dma_start3A_63 = tpu.memref_squeeze %dma_start3A_62 : memref<1x16x1024xf32, #tpu.memory_space<vmem>> -> memref<16x1024xf32, #tpu.memory_space<vmem>>
    %dma_start3A_64 = arith.constant 0 : i32
    %dma_start3A_65 = tpu.memref_slice %arg3[%mul3A_58, %dma_start3A_64] : memref<2048x1024xf32, #tpu.memory_space<hbm>> -> memref<16x1024xf32, #tpu.memory_space<hbm>>
    %dma_start3A_66 = arith.constant 0 : i32
    %dma_start3A_67 = tpu.memref_slice %arg3[%mul3A_58, %dma_start3A_66] : memref<2048x1024xf32, #tpu.memory_space<hbm>> -> memref<16x1024xf32, #tpu.memory_space<hbm>>
    %dma_start3A_68 = arith.constant 0 : i32
    %dma_start3A_69 = arith.constant 0 : i32
    %dma_start3A_70 = tpu.memref_slice %arg5[%dma_start3A_59, %dma_start3A_68, %dma_start3A_69] : memref<2x16x1024xf32, #tpu.memory_space<vmem>> -> memref<1x16x1024xf32, #tpu.memory_space<vmem>>
    %dma_start3A_71 = tpu.memref_squeeze %dma_start3A_70 : memref<1x16x1024xf32, #tpu.memory_space<vmem>> -> memref<16x1024xf32, #tpu.memory_space<vmem>>
    tpu.enqueue_dma source(%dma_start3A_71 : memref<16x1024xf32, #tpu.memory_space<vmem>>) target(%dma_start3A_67 : memref<16x1024xf32, #tpu.memory_space<hbm>>) target_semaphore(%arg7 : memref<!tpu.dma_semaphore, #tpu.memory_space<semaphore_mem>>)
    %dma_wait3A = arith.constant 0 : i32
    %dma_wait3A_72 = arith.constant 0 : i32
    %dma_wait3A_73 = arith.constant 0 : i32
    %dma_wait3A_74 = tpu.memref_slice %arg5[%dma_wait3A, %dma_wait3A_72, %dma_wait3A_73] : memref<2x16x1024xf32, #tpu.memory_space<vmem>> -> memref<1x16x1024xf32, #tpu.memory_space<vmem>>
    %dma_wait3A_75 = tpu.memref_squeeze %dma_wait3A_74 : memref<1x16x1024xf32, #tpu.memory_space<vmem>> -> memref<16x1024xf32, #tpu.memory_space<vmem>>
    %dma_wait3A_76 = arith.constant 0 : i32
    %dma_wait3A_77 = tpu.memref_slice %arg3[%mul3A_24, %dma_wait3A_76] : memref<2048x1024xf32, #tpu.memory_space<hbm>> -> memref<16x1024xf32, #tpu.memory_space<hbm>>
    %dma_wait3A_78 = arith.constant 0 : i32
    %dma_wait3A_79 = tpu.memref_slice %arg3[%mul3A_24, %dma_wait3A_78] : memref<2048x1024xf32, #tpu.memory_space<hbm>> -> memref<16x1024xf32, #tpu.memory_space<hbm>>
    %dma_wait3A_80 = arith.constant 0 : i32
    %dma_wait3A_81 = arith.constant 0 : i32
    %dma_wait3A_82 = tpu.memref_slice %arg5[%dma_wait3A, %dma_wait3A_80, %dma_wait3A_81] : memref<2x16x1024xf32, #tpu.memory_space<vmem>> -> memref<1x16x1024xf32, #tpu.memory_space<vmem>>
    %dma_wait3A_83 = tpu.memref_squeeze %dma_wait3A_82 : memref<1x16x1024xf32, #tpu.memory_space<vmem>> -> memref<16x1024xf32, #tpu.memory_space<vmem>>
    tpu.wait_dma2 semaphore(%arg6 : memref<!tpu.dma_semaphore, #tpu.memory_space<semaphore_mem>>) src(%dma_wait3A_83 : memref<16x1024xf32, #tpu.memory_space<vmem>>) dst(%dma_wait3A_79 : memref<16x1024xf32, #tpu.memory_space<hbm>>)
    %mul3A_84 = arith.constant 4 : i32
    %mul3A_85 = arith.muli %add3A, %mul3A_84 : i32
    %add3A_86 = arith.constant 2 : i32
    %add3A_87 = arith.addi %mul3A_85, %add3A_86 : i32
    "tpu.region"() ({
      %run_scoped3A = tpu.sem_alloc : memref<!tpu.dma_semaphore, #tpu.memory_space<semaphore_mem>>
      %dma_start3A_193 = arith.constant 0 : i32
      %dma_start3A_194 = tpu.memref_slice %arg2[%add3A_87, %dma_start3A_193] : memref<128x1024xi32, #tpu.memory_space<hbm>> -> memref<1x1024xi32, #tpu.memory_space<hbm>>
      %dma_start3A_195 = tpu.memref_squeeze %dma_start3A_194 : memref<1x1024xi32, #tpu.memory_space<hbm>> -> memref<1024xi32, #tpu.memory_space<hbm>>
      %dma_start3A_196 = arith.constant 0 : i32
      %dma_start3A_197 = tpu.memref_slice %arg2[%add3A_87, %dma_start3A_196] : memref<128x1024xi32, #tpu.memory_space<hbm>> -> memref<1x1024xi32, #tpu.memory_space<hbm>>
      %dma_start3A_198 = tpu.memref_squeeze %dma_start3A_197 : memref<1x1024xi32, #tpu.memory_space<hbm>> -> memref<1024xi32, #tpu.memory_space<hbm>>
      tpu.enqueue_dma source(%dma_start3A_198 : memref<1024xi32, #tpu.memory_space<hbm>>) target(%arg4 : memref<1024xi32, #tpu.memory_space<vmem>>) target_semaphore(%run_scoped3A : memref<!tpu.dma_semaphore, #tpu.memory_space<semaphore_mem>>)
      %dma_wait3A_199 = arith.constant 0 : i32
      %dma_wait3A_200 = tpu.memref_slice %arg2[%add3A_87, %dma_wait3A_199] : memref<128x1024xi32, #tpu.memory_space<hbm>> -> memref<1x1024xi32, #tpu.memory_space<hbm>>
      %dma_wait3A_201 = tpu.memref_squeeze %dma_wait3A_200 : memref<1x1024xi32, #tpu.memory_space<hbm>> -> memref<1024xi32, #tpu.memory_space<hbm>>
      %dma_wait3A_202 = arith.constant 0 : i32
      %dma_wait3A_203 = tpu.memref_slice %arg2[%add3A_87, %dma_wait3A_202] : memref<128x1024xi32, #tpu.memory_space<hbm>> -> memref<1x1024xi32, #tpu.memory_space<hbm>>
      %dma_wait3A_204 = tpu.memref_squeeze %dma_wait3A_203 : memref<1x1024xi32, #tpu.memory_space<hbm>> -> memref<1024xi32, #tpu.memory_space<hbm>>
      tpu.wait_dma2 semaphore(%run_scoped3A : memref<!tpu.dma_semaphore, #tpu.memory_space<semaphore_mem>>) src(%dma_wait3A_204 : memref<1024xi32, #tpu.memory_space<hbm>>) dst(%arg4 : memref<1024xi32, #tpu.memory_space<vmem>>)
      tpu.yield
    }) : () -> ()
    %scan3A_88 = arith.constant 0 : i32
    %scan3A_89 = arith.constant 0 : i32
    %scan3A_90 = arith.constant 0 : i32
    %scan3A_91 = arith.constant 64 : i32
    %scan3A_92 = arith.addi %scan3A_90, %scan3A_91 : i32
    %scan3A_93 = arith.constant 1 : i32
    %scan3A_94 = scf.for %scan3A_193 = %scan3A_90 to %scan3A_92 step %scan3A_93 iter_args(%scan3A_194 = %scan3A_89) -> (i32)  : i32 {
      %mul3A_195 = arith.constant 16 : i32
      %mul3A_196 = arith.muli %scan3A_193, %mul3A_195 : i32
      %multiple_of3A = tpu.assume_multiple %mul3A_196, 16 : i32
      %swap3A = arith.constant 0 : i32
      %swap3A_197 = arith.constant 0 : i32
      %swap3A_198 = arith.constant 0 : i32
      %swap3A_199 = tpu.memref_slice %arg5[%scan3A_88, %swap3A_197, %swap3A_198] : memref<2x16x1024xf32, #tpu.memory_space<vmem>> -> memref<1x16x1024xf32, #tpu.memory_space<vmem>>
      %swap3A_200 = tpu.memref_squeeze %swap3A_199 : memref<1x16x1024xf32, #tpu.memory_space<vmem>> -> memref<16x1024xf32, #tpu.memory_space<vmem>>
      %swap3A_201 = arith.index_cast %swap3A : i32 to index
      %swap3A_202 = arith.index_cast %multiple_of3A : i32 to index
      %swap3A_203 = tpu.vector_load %swap3A_200[%swap3A_201, %swap3A_202] {strides = array<i32>} : memref<16x1024xf32, #tpu.memory_space<vmem>>, vector<16xf32>,
      tpu.vector_store %swap3A_200[%swap3A_201, %swap3A_202], %broadcast_in_dim3A_1 {strides = array<i32>} : memref<16x1024xf32, #tpu.memory_space<vmem>>, vector<16xf32>,
      %swap3A_204 = arith.constant 1 : i32
      %swap3A_205 = arith.constant 0 : i32
      %swap3A_206 = arith.constant 0 : i32
      %swap3A_207 = tpu.memref_slice %arg5[%scan3A_88, %swap3A_205, %swap3A_206] : memref<2x16x1024xf32, #tpu.memory_space<vmem>> -> memref<1x16x1024xf32, #tpu.memory_space<vmem>>
      %swap3A_208 = tpu.memref_squeeze %swap3A_207 : memref<1x16x1024xf32, #tpu.memory_space<vmem>> -> memref<16x1024xf32, #tpu.memory_space<vmem>>
      %swap3A_209 = arith.index_cast %swap3A_204 : i32 to index
      %swap3A_210 = arith.index_cast %multiple_of3A : i32 to index
      %swap3A_211 = tpu.vector_load %swap3A_208[%swap3A_209, %swap3A_210] {strides = array<i32>} : memref<16x1024xf32, #tpu.memory_space<vmem>>, vector<16xf32>,
      tpu.vector_store %swap3A_208[%swap3A_209, %swap3A_210], %broadcast_in_dim3A_1 {strides = array<i32>} : memref<16x1024xf32, #tpu.memory_space<vmem>>, vector<16xf32>,
      %swap3A_212 = arith.constant 2 : i32
      %swap3A_213 = arith.constant 0 : i32
      %swap3A_214 = arith.constant 0 : i32
      %swap3A_215 = tpu.memref_slice %arg5[%scan3A_88, %swap3A_213, %swap3A_214] : memref<2x16x1024xf32, #tpu.memory_space<vmem>> -> memref<1x16x1024xf32, #tpu.memory_space<vmem>>
      %swap3A_216 = tpu.memref_squeeze %swap3A_215 : memref<1x16x1024xf32, #tpu.memory_space<vmem>> -> memref<16x1024xf32, #tpu.memory_space<vmem>>
      %swap3A_217 = arith.index_cast %swap3A_212 : i32 to index
      %swap3A_218 = arith.index_cast %multiple_of3A : i32 to index
      %swap3A_219 = tpu.vector_load %swap3A_216[%swap3A_217, %swap3A_218] {strides = array<i32>} : memref<16x1024xf32, #tpu.memory_space<vmem>>, vector<16xf32>,
      tpu.vector_store %swap3A_216[%swap3A_217, %swap3A_218], %broadcast_in_dim3A_1 {strides = array<i32>} : memref<16x1024xf32, #tpu.memory_space<vmem>>, vector<16xf32>,
      %swap3A_220 = arith.constant 3 : i32
      %swap3A_221 = arith.constant 0 : i32
      %swap3A_222 = arith.constant 0 : i32
      %swap3A_223 = tpu.memref_slice %arg5[%scan3A_88, %swap3A_221, %swap3A_222] : memref<2x16x1024xf32, #tpu.memory_space<vmem>> -> memref<1x16x1024xf32, #tpu.memory_space<vmem>>
      %swap3A_224 = tpu.memref_squeeze %swap3A_223 : memref<1x16x1024xf32, #tpu.memory_space<vmem>> -> memref<16x1024xf32, #tpu.memory_space<vmem>>
      %swap3A_225 = arith.index_cast %swap3A_220 : i32 to index
      %swap3A_226 = arith.index_cast %multiple_of3A : i32 to index
      %swap3A_227 = tpu.vector_load %swap3A_224[%swap3A_225, %swap3A_226] {strides = array<i32>} : memref<16x1024xf32, #tpu.memory_space<vmem>>, vector<16xf32>,
      tpu.vector_store %swap3A_224[%swap3A_225, %swap3A_226], %broadcast_in_dim3A_1 {strides = array<i32>} : memref<16x1024xf32, #tpu.memory_space<vmem>>, vector<16xf32>,
      %swap3A_228 = arith.constant 4 : i32
      %swap3A_229 = arith.constant 0 : i32
      %swap3A_230 = arith.constant 0 : i32
      %swap3A_231 = tpu.memref_slice %arg5[%scan3A_88, %swap3A_229, %swap3A_230] : memref<2x16x1024xf32, #tpu.memory_space<vmem>> -> memref<1x16x1024xf32, #tpu.memory_space<vmem>>
      %swap3A_232 = tpu.memref_squeeze %swap3A_231 : memref<1x16x1024xf32, #tpu.memory_space<vmem>> -> memref<16x1024xf32, #tpu.memory_space<vmem>>
      %swap3A_233 = arith.index_cast %swap3A_228 : i32 to index
      %swap3A_234 = arith.index_cast %multiple_of3A : i32 to index
      %swap3A_235 = tpu.vector_load %swap3A_232[%swap3A_233, %swap3A_234] {strides = array<i32>} : memref<16x1024xf32, #tpu.memory_space<vmem>>, vector<16xf32>,
      tpu.vector_store %swap3A_232[%swap3A_233, %swap3A_234], %broadcast_in_dim3A_1 {strides = array<i32>} : memref<16x1024xf32, #tpu.memory_space<vmem>>, vector<16xf32>,
      %swap3A_236 = arith.constant 5 : i32
      %swap3A_237 = arith.constant 0 : i32
      %swap3A_238 = arith.constant 0 : i32
      %swap3A_239 = tpu.memref_slice %arg5[%scan3A_88, %swap3A_237, %swap3A_238] : memref<2x16x1024xf32, #tpu.memory_space<vmem>> -> memref<1x16x1024xf32, #tpu.memory_space<vmem>>
      %swap3A_240 = tpu.memref_squeeze %swap3A_239 : memref<1x16x1024xf32, #tpu.memory_space<vmem>> -> memref<16x1024xf32, #tpu.memory_space<vmem>>
      %swap3A_241 = arith.index_cast %swap3A_236 : i32 to index
      %swap3A_242 = arith.index_cast %multiple_of3A : i32 to index
      %swap3A_243 = tpu.vector_load %swap3A_240[%swap3A_241, %swap3A_242] {strides = array<i32>} : memref<16x1024xf32, #tpu.memory_space<vmem>>, vector<16xf32>,
      tpu.vector_store %swap3A_240[%swap3A_241, %swap3A_242], %broadcast_in_dim3A_1 {strides = array<i32>} : memref<16x1024xf32, #tpu.memory_space<vmem>>, vector<16xf32>,
      %swap3A_244 = arith.constant 6 : i32
      %swap3A_245 = arith.constant 0 : i32
      %swap3A_246 = arith.constant 0 : i32
      %swap3A_247 = tpu.memref_slice %arg5[%scan3A_88, %swap3A_245, %swap3A_246] : memref<2x16x1024xf32, #tpu.memory_space<vmem>> -> memref<1x16x1024xf32, #tpu.memory_space<vmem>>
      %swap3A_248 = tpu.memref_squeeze %swap3A_247 : memref<1x16x1024xf32, #tpu.memory_space<vmem>> -> memref<16x1024xf32, #tpu.memory_space<vmem>>
      %swap3A_249 = arith.index_cast %swap3A_244 : i32 to index
      %swap3A_250 = arith.index_cast %multiple_of3A : i32 to index
      %swap3A_251 = tpu.vector_load %swap3A_248[%swap3A_249, %swap3A_250] {strides = array<i32>} : memref<16x1024xf32, #tpu.memory_space<vmem>>, vector<16xf32>,
      tpu.vector_store %swap3A_248[%swap3A_249, %swap3A_250], %broadcast_in_dim3A_1 {strides = array<i32>} : memref<16x1024xf32, #tpu.memory_space<vmem>>, vector<16xf32>,
      %swap3A_252 = arith.constant 7 : i32
      %swap3A_253 = arith.constant 0 : i32
      %swap3A_254 = arith.constant 0 : i32
      %swap3A_255 = tpu.memref_slice %arg5[%scan3A_88, %swap3A_253, %swap3A_254] : memref<2x16x1024xf32, #tpu.memory_space<vmem>> -> memref<1x16x1024xf32, #tpu.memory_space<vmem>>
      %swap3A_256 = tpu.memref_squeeze %swap3A_255 : memref<1x16x1024xf32, #tpu.memory_space<vmem>> -> memref<16x1024xf32, #tpu.memory_space<vmem>>
      %swap3A_257 = arith.index_cast %swap3A_252 : i32 to index
      %swap3A_258 = arith.index_cast %multiple_of3A : i32 to index
      %swap3A_259 = tpu.vector_load %swap3A_256[%swap3A_257, %swap3A_258] {strides = array<i32>} : memref<16x1024xf32, #tpu.memory_space<vmem>>, vector<16xf32>,
      tpu.vector_store %swap3A_256[%swap3A_257, %swap3A_258], %broadcast_in_dim3A_1 {strides = array<i32>} : memref<16x1024xf32, #tpu.memory_space<vmem>>, vector<16xf32>,
      %swap3A_260 = arith.constant 8 : i32
      %swap3A_261 = arith.constant 0 : i32
      %swap3A_262 = arith.constant 0 : i32
      %swap3A_263 = tpu.memref_slice %arg5[%scan3A_88, %swap3A_261, %swap3A_262] : memref<2x16x1024xf32, #tpu.memory_space<vmem>> -> memref<1x16x1024xf32, #tpu.memory_space<vmem>>
      %swap3A_264 = tpu.memref_squeeze %swap3A_263 : memref<1x16x1024xf32, #tpu.memory_space<vmem>> -> memref<16x1024xf32, #tpu.memory_space<vmem>>
      %swap3A_265 = arith.index_cast %swap3A_260 : i32 to index
      %swap3A_266 = arith.index_cast %multiple_of3A : i32 to index
      %swap3A_267 = tpu.vector_load %swap3A_264[%swap3A_265, %swap3A_266] {strides = array<i32>} : memref<16x1024xf32, #tpu.memory_space<vmem>>, vector<16xf32>,
      tpu.vector_store %swap3A_264[%swap3A_265, %swap3A_266], %broadcast_in_dim3A_1 {strides = array<i32>} : memref<16x1024xf32, #tpu.memory_space<vmem>>, vector<16xf32>,
      %swap3A_268 = arith.constant 9 : i32
      %swap3A_269 = arith.constant 0 : i32
      %swap3A_270 = arith.constant 0 : i32
      %swap3A_271 = tpu.memref_slice %arg5[%scan3A_88, %swap3A_269, %swap3A_270] : memref<2x16x1024xf32, #tpu.memory_space<vmem>> -> memref<1x16x1024xf32, #tpu.memory_space<vmem>>
      %swap3A_272 = tpu.memref_squeeze %swap3A_271 : memref<1x16x1024xf32, #tpu.memory_space<vmem>> -> memref<16x1024xf32, #tpu.memory_space<vmem>>
      %swap3A_273 = arith.index_cast %swap3A_268 : i32 to index
      %swap3A_274 = arith.index_cast %multiple_of3A : i32 to index
      %swap3A_275 = tpu.vector_load %swap3A_272[%swap3A_273, %swap3A_274] {strides = array<i32>} : memref<16x1024xf32, #tpu.memory_space<vmem>>, vector<16xf32>,
      tpu.vector_store %swap3A_272[%swap3A_273, %swap3A_274], %broadcast_in_dim3A_1 {strides = array<i32>} : memref<16x1024xf32, #tpu.memory_space<vmem>>, vector<16xf32>,
      %swap3A_276 = arith.constant 10 : i32
      %swap3A_277 = arith.constant 0 : i32
      %swap3A_278 = arith.constant 0 : i32
      %swap3A_279 = tpu.memref_slice %arg5[%scan3A_88, %swap3A_277, %swap3A_278] : memref<2x16x1024xf32, #tpu.memory_space<vmem>> -> memref<1x16x1024xf32, #tpu.memory_space<vmem>>
      %swap3A_280 = tpu.memref_squeeze %swap3A_279 : memref<1x16x1024xf32, #tpu.memory_space<vmem>> -> memref<16x1024xf32, #tpu.memory_space<vmem>>
      %swap3A_281 = arith.index_cast %swap3A_276 : i32 to index
      %swap3A_282 = arith.index_cast %multiple_of3A : i32 to index
      %swap3A_283 = tpu.vector_load %swap3A_280[%swap3A_281, %swap3A_282] {strides = array<i32>} : memref<16x1024xf32, #tpu.memory_space<vmem>>, vector<16xf32>,
      tpu.vector_store %swap3A_280[%swap3A_281, %swap3A_282], %broadcast_in_dim3A_1 {strides = array<i32>} : memref<16x1024xf32, #tpu.memory_space<vmem>>, vector<16xf32>,
      %swap3A_284 = arith.constant 11 : i32
      %swap3A_285 = arith.constant 0 : i32
      %swap3A_286 = arith.constant 0 : i32
      %swap3A_287 = tpu.memref_slice %arg5[%scan3A_88, %swap3A_285, %swap3A_286] : memref<2x16x1024xf32, #tpu.memory_space<vmem>> -> memref<1x16x1024xf32, #tpu.memory_space<vmem>>
      %swap3A_288 = tpu.memref_squeeze %swap3A_287 : memref<1x16x1024xf32, #tpu.memory_space<vmem>> -> memref<16x1024xf32, #tpu.memory_space<vmem>>
      %swap3A_289 = arith.index_cast %swap3A_284 : i32 to index
      %swap3A_290 = arith.index_cast %multiple_of3A : i32 to index
      %swap3A_291 = tpu.vector_load %swap3A_288[%swap3A_289, %swap3A_290] {strides = array<i32>} : memref<16x1024xf32, #tpu.memory_space<vmem>>, vector<16xf32>,
      tpu.vector_store %swap3A_288[%swap3A_289, %swap3A_290], %broadcast_in_dim3A_1 {strides = array<i32>} : memref<16x1024xf32, #tpu.memory_space<vmem>>, vector<16xf32>,
      %swap3A_292 = arith.constant 12 : i32
      %swap3A_293 = arith.constant 0 : i32
      %swap3A_294 = arith.constant 0 : i32
      %swap3A_295 = tpu.memref_slice %arg5[%scan3A_88, %swap3A_293, %swap3A_294] : memref<2x16x1024xf32, #tpu.memory_space<vmem>> -> memref<1x16x1024xf32, #tpu.memory_space<vmem>>
      %swap3A_296 = tpu.memref_squeeze %swap3A_295 : memref<1x16x1024xf32, #tpu.memory_space<vmem>> -> memref<16x1024xf32, #tpu.memory_space<vmem>>
      %swap3A_297 = arith.index_cast %swap3A_292 : i32 to index
      %swap3A_298 = arith.index_cast %multiple_of3A : i32 to index
      %swap3A_299 = tpu.vector_load %swap3A_296[%swap3A_297, %swap3A_298] {strides = array<i32>} : memref<16x1024xf32, #tpu.memory_space<vmem>>, vector<16xf32>,
      tpu.vector_store %swap3A_296[%swap3A_297, %swap3A_298], %broadcast_in_dim3A_1 {strides = array<i32>} : memref<16x1024xf32, #tpu.memory_space<vmem>>, vector<16xf32>,
      %swap3A_300 = arith.constant 13 : i32
      %swap3A_301 = arith.constant 0 : i32
      %swap3A_302 = arith.constant 0 : i32
      %swap3A_303 = tpu.memref_slice %arg5[%scan3A_88, %swap3A_301, %swap3A_302] : memref<2x16x1024xf32, #tpu.memory_space<vmem>> -> memref<1x16x1024xf32, #tpu.memory_space<vmem>>
      %swap3A_304 = tpu.memref_squeeze %swap3A_303 : memref<1x16x1024xf32, #tpu.memory_space<vmem>> -> memref<16x1024xf32, #tpu.memory_space<vmem>>
      %swap3A_305 = arith.index_cast %swap3A_300 : i32 to index
      %swap3A_306 = arith.index_cast %multiple_of3A : i32 to index
      %swap3A_307 = tpu.vector_load %swap3A_304[%swap3A_305, %swap3A_306] {strides = array<i32>} : memref<16x1024xf32, #tpu.memory_space<vmem>>, vector<16xf32>,
      tpu.vector_store %swap3A_304[%swap3A_305, %swap3A_306], %broadcast_in_dim3A_1 {strides = array<i32>} : memref<16x1024xf32, #tpu.memory_space<vmem>>, vector<16xf32>,
      %swap3A_308 = arith.constant 14 : i32
      %swap3A_309 = arith.constant 0 : i32
      %swap3A_310 = arith.constant 0 : i32
      %swap3A_311 = tpu.memref_slice %arg5[%scan3A_88, %swap3A_309, %swap3A_310] : memref<2x16x1024xf32, #tpu.memory_space<vmem>> -> memref<1x16x1024xf32, #tpu.memory_space<vmem>>
      %swap3A_312 = tpu.memref_squeeze %swap3A_311 : memref<1x16x1024xf32, #tpu.memory_space<vmem>> -> memref<16x1024xf32, #tpu.memory_space<vmem>>
      %swap3A_313 = arith.index_cast %swap3A_308 : i32 to index
      %swap3A_314 = arith.index_cast %multiple_of3A : i32 to index
      %swap3A_315 = tpu.vector_load %swap3A_312[%swap3A_313, %swap3A_314] {strides = array<i32>} : memref<16x1024xf32, #tpu.memory_space<vmem>>, vector<16xf32>,
      tpu.vector_store %swap3A_312[%swap3A_313, %swap3A_314], %broadcast_in_dim3A_1 {strides = array<i32>} : memref<16x1024xf32, #tpu.memory_space<vmem>>, vector<16xf32>,
      %swap3A_316 = arith.constant 15 : i32
      %swap3A_317 = arith.constant 0 : i32
      %swap3A_318 = arith.constant 0 : i32
      %swap3A_319 = tpu.memref_slice %arg5[%scan3A_88, %swap3A_317, %swap3A_318] : memref<2x16x1024xf32, #tpu.memory_space<vmem>> -> memref<1x16x1024xf32, #tpu.memory_space<vmem>>
      %swap3A_320 = tpu.memref_squeeze %swap3A_319 : memref<1x16x1024xf32, #tpu.memory_space<vmem>> -> memref<16x1024xf32, #tpu.memory_space<vmem>>
      %swap3A_321 = arith.index_cast %swap3A_316 : i32 to index
      %swap3A_322 = arith.index_cast %multiple_of3A : i32 to index
      %swap3A_323 = tpu.vector_load %swap3A_320[%swap3A_321, %swap3A_322] {strides = array<i32>} : memref<16x1024xf32, #tpu.memory_space<vmem>>, vector<16xf32>,
      tpu.vector_store %swap3A_320[%swap3A_321, %swap3A_322], %broadcast_in_dim3A_1 {strides = array<i32>} : memref<16x1024xf32, #tpu.memory_space<vmem>>, vector<16xf32>,
      %scan3A_324 = arith.constant 0 : i32
      scf.yield %scan3A_324 : i32
    }
    %scan3A_95 = arith.constant 64 : i32
    %scan3A_96 = arith.constant 0 : i32
    %scan3A_97 = arith.constant 0 : i32
    %scan3A_98 = arith.constant 0 : i32
    %scan3A_99 = arith.constant 64 : i32
    %scan3A_100 = arith.addi %scan3A_98, %scan3A_99 : i32
    %scan3A_101 = arith.constant 4 : i32
    %scan3A_102 = scf.for %scan3A_193 = %scan3A_98 to %scan3A_100 step %scan3A_101 iter_args(%scan3A_194 = %scan3A_97) -> (i32)  : i32 {
      %mul3A_195 = arith.constant 16 : i32
      %mul3A_196 = arith.muli %scan3A_193, %mul3A_195 : i32
      %multiple_of3A = tpu.assume_multiple %mul3A_196, 16 : i32
      %get3A = arith.index_cast %multiple_of3A : i32 to index
      %get3A_197 = tpu.vector_load %arg4[%get3A] {strides = array<i32>} : memref<1024xi32, #tpu.memory_space<vmem>>, vector<16xi32>,
      %scatter3A = arith.constant 0 : i32
      %scatter3A_198 = arith.constant 0 : i32
      %scatter3A_199 = tpu.memref_slice %arg5[%scan3A_96, %scatter3A, %scatter3A_198] : memref<2x16x1024xf32, #tpu.memory_space<vmem>> -> memref<1x16x1024xf32, #tpu.memory_space<vmem>>
      %scatter3A_200 = tpu.memref_squeeze %scatter3A_199 : memref<1x16x1024xf32, #tpu.memory_space<vmem>> -> memref<16x1024xf32, #tpu.memory_space<vmem>>
      tpu.vector_store_idx %scatter3A_200[%iota3A, %get3A_197], %broadcast_in_dim3A_3 {add = true} : memref<16x1024xf32, #tpu.memory_space<vmem>>[vector<16xi32>, vector<16xi32>], vector<16xf32>,
      %scan3A_201 = arith.constant 0 : i32
      %scan3A_202 = arith.constant 1 : i32
      %scan3A_203 = arith.addi %scan3A_193, %scan3A_202 : i32
      %mul3A_204 = arith.constant 16 : i32
      %mul3A_205 = arith.muli %scan3A_203, %mul3A_204 : i32
      %multiple_of3A_206 = tpu.assume_multiple %mul3A_205, 16 : i32
      %get3A_207 = arith.index_cast %multiple_of3A_206 : i32 to index
      %get3A_208 = tpu.vector_load %arg4[%get3A_207] {strides = array<i32>} : memref<1024xi32, #tpu.memory_space<vmem>>, vector<16xi32>,
      %scatter3A_209 = arith.constant 0 : i32
      %scatter3A_210 = arith.constant 0 : i32
      %scatter3A_211 = tpu.memref_slice %arg5[%scan3A_96, %scatter3A_209, %scatter3A_210] : memref<2x16x1024xf32, #tpu.memory_space<vmem>> -> memref<1x16x1024xf32, #tpu.memory_space<vmem>>
      %scatter3A_212 = tpu.memref_squeeze %scatter3A_211 : memref<1x16x1024xf32, #tpu.memory_space<vmem>> -> memref<16x1024xf32, #tpu.memory_space<vmem>>
      tpu.vector_store_idx %scatter3A_212[%iota3A, %get3A_208], %broadcast_in_dim3A_3 {add = true} : memref<16x1024xf32, #tpu.memory_space<vmem>>[vector<16xi32>, vector<16xi32>], vector<16xf32>,
      %scan3A_213 = arith.constant 0 : i32
      %scan3A_214 = arith.constant 2 : i32
      %scan3A_215 = arith.addi %scan3A_193, %scan3A_214 : i32
      %mul3A_216 = arith.constant 16 : i32
      %mul3A_217 = arith.muli %scan3A_215, %mul3A_216 : i32
      %multiple_of3A_218 = tpu.assume_multiple %mul3A_217, 16 : i32
      %get3A_219 = arith.index_cast %multiple_of3A_218 : i32 to index
      %get3A_220 = tpu.vector_load %arg4[%get3A_219] {strides = array<i32>} : memref<1024xi32, #tpu.memory_space<vmem>>, vector<16xi32>,
      %scatter3A_221 = arith.constant 0 : i32
      %scatter3A_222 = arith.constant 0 : i32
      %scatter3A_223 = tpu.memref_slice %arg5[%scan3A_96, %scatter3A_221, %scatter3A_222] : memref<2x16x1024xf32, #tpu.memory_space<vmem>> -> memref<1x16x1024xf32, #tpu.memory_space<vmem>>
      %scatter3A_224 = tpu.memref_squeeze %scatter3A_223 : memref<1x16x1024xf32, #tpu.memory_space<vmem>> -> memref<16x1024xf32, #tpu.memory_space<vmem>>
      tpu.vector_store_idx %scatter3A_224[%iota3A, %get3A_220], %broadcast_in_dim3A_3 {add = true} : memref<16x1024xf32, #tpu.memory_space<vmem>>[vector<16xi32>, vector<16xi32>], vector<16xf32>,
      %scan3A_225 = arith.constant 0 : i32
      %scan3A_226 = arith.constant 3 : i32
      %scan3A_227 = arith.addi %scan3A_193, %scan3A_226 : i32
      %mul3A_228 = arith.constant 16 : i32
      %mul3A_229 = arith.muli %scan3A_227, %mul3A_228 : i32
      %multiple_of3A_230 = tpu.assume_multiple %mul3A_229, 16 : i32
      %get3A_231 = arith.index_cast %multiple_of3A_230 : i32 to index
      %get3A_232 = tpu.vector_load %arg4[%get3A_231] {strides = array<i32>} : memref<1024xi32, #tpu.memory_space<vmem>>, vector<16xi32>,
      %scatter3A_233 = arith.constant 0 : i32
      %scatter3A_234 = arith.constant 0 : i32
      %scatter3A_235 = tpu.memref_slice %arg5[%scan3A_96, %scatter3A_233, %scatter3A_234] : memref<2x16x1024xf32, #tpu.memory_space<vmem>> -> memref<1x16x1024xf32, #tpu.memory_space<vmem>>
      %scatter3A_236 = tpu.memref_squeeze %scatter3A_235 : memref<1x16x1024xf32, #tpu.memory_space<vmem>> -> memref<16x1024xf32, #tpu.memory_space<vmem>>
      tpu.vector_store_idx %scatter3A_236[%iota3A, %get3A_232], %broadcast_in_dim3A_3 {add = true} : memref<16x1024xf32, #tpu.memory_space<vmem>>[vector<16xi32>, vector<16xi32>], vector<16xf32>,
      %scan3A_237 = arith.constant 0 : i32
      scf.yield %scan3A_237 : i32
    }
    %scan3A_103 = arith.constant 64 : i32
    %mul3A_104 = arith.constant 16 : i32
    %mul3A_105 = arith.muli %add3A_87, %mul3A_104 : i32
    %dma_start3A_106 = arith.constant 0 : i32
    %dma_start3A_107 = arith.constant 0 : i32
    %dma_start3A_108 = arith.constant 0 : i32
    %dma_start3A_109 = tpu.memref_slice %arg5[%dma_start3A_106, %dma_start3A_107, %dma_start3A_108] : memref<2x16x1024xf32, #tpu.memory_space<vmem>> -> memref<1x16x1024xf32, #tpu.memory_space<vmem>>
    %dma_start3A_110 = tpu.memref_squeeze %dma_start3A_109 : memref<1x16x1024xf32, #tpu.memory_space<vmem>> -> memref<16x1024xf32, #tpu.memory_space<vmem>>
    %dma_start3A_111 = arith.constant 0 : i32
    %dma_start3A_112 = tpu.memref_slice %arg3[%mul3A_105, %dma_start3A_111] : memref<2048x1024xf32, #tpu.memory_space<hbm>> -> memref<16x1024xf32, #tpu.memory_space<hbm>>
    %dma_start3A_113 = arith.constant 0 : i32
    %dma_start3A_114 = tpu.memref_slice %arg3[%mul3A_105, %dma_start3A_113] : memref<2048x1024xf32, #tpu.memory_space<hbm>> -> memref<16x1024xf32, #tpu.memory_space<hbm>>
    %dma_start3A_115 = arith.constant 0 : i32
    %dma_start3A_116 = arith.constant 0 : i32
    %dma_start3A_117 = tpu.memref_slice %arg5[%dma_start3A_106, %dma_start3A_115, %dma_start3A_116] : memref<2x16x1024xf32, #tpu.memory_space<vmem>> -> memref<1x16x1024xf32, #tpu.memory_space<vmem>>
    %dma_start3A_118 = tpu.memref_squeeze %dma_start3A_117 : memref<1x16x1024xf32, #tpu.memory_space<vmem>> -> memref<16x1024xf32, #tpu.memory_space<vmem>>
    tpu.enqueue_dma source(%dma_start3A_118 : memref<16x1024xf32, #tpu.memory_space<vmem>>) target(%dma_start3A_114 : memref<16x1024xf32, #tpu.memory_space<hbm>>) target_semaphore(%arg6 : memref<!tpu.dma_semaphore, #tpu.memory_space<semaphore_mem>>)
    %dma_wait3A_119 = arith.constant 1 : i32
    %dma_wait3A_120 = arith.constant 0 : i32
    %dma_wait3A_121 = arith.constant 0 : i32
    %dma_wait3A_122 = tpu.memref_slice %arg5[%dma_wait3A_119, %dma_wait3A_120, %dma_wait3A_121] : memref<2x16x1024xf32, #tpu.memory_space<vmem>> -> memref<1x16x1024xf32, #tpu.memory_space<vmem>>
    %dma_wait3A_123 = tpu.memref_squeeze %dma_wait3A_122 : memref<1x16x1024xf32, #tpu.memory_space<vmem>> -> memref<16x1024xf32, #tpu.memory_space<vmem>>
    %dma_wait3A_124 = arith.constant 0 : i32
    %dma_wait3A_125 = tpu.memref_slice %arg3[%mul3A_58, %dma_wait3A_124] : memref<2048x1024xf32, #tpu.memory_space<hbm>> -> memref<16x1024xf32, #tpu.memory_space<hbm>>
    %dma_wait3A_126 = arith.constant 0 : i32
    %dma_wait3A_127 = tpu.memref_slice %arg3[%mul3A_58, %dma_wait3A_126] : memref<2048x1024xf32, #tpu.memory_space<hbm>> -> memref<16x1024xf32, #tpu.memory_space<hbm>>
    %dma_wait3A_128 = arith.constant 0 : i32
    %dma_wait3A_129 = arith.constant 0 : i32
    %dma_wait3A_130 = tpu.memref_slice %arg5[%dma_wait3A_119, %dma_wait3A_128, %dma_wait3A_129] : memref<2x16x1024xf32, #tpu.memory_space<vmem>> -> memref<1x16x1024xf32, #tpu.memory_space<vmem>>
    %dma_wait3A_131 = tpu.memref_squeeze %dma_wait3A_130 : memref<1x16x1024xf32, #tpu.memory_space<vmem>> -> memref<16x1024xf32, #tpu.memory_space<vmem>>
    tpu.wait_dma2 semaphore(%arg7 : memref<!tpu.dma_semaphore, #tpu.memory_space<semaphore_mem>>) src(%dma_wait3A_131 : memref<16x1024xf32, #tpu.memory_space<vmem>>) dst(%dma_wait3A_127 : memref<16x1024xf32, #tpu.memory_space<hbm>>)
    %mul3A_132 = arith.constant 4 : i32
    %mul3A_133 = arith.muli %add3A, %mul3A_132 : i32
    %add3A_134 = arith.constant 3 : i32
    %add3A_135 = arith.addi %mul3A_133, %add3A_134 : i32
    "tpu.region"() ({
      %run_scoped3A = tpu.sem_alloc : memref<!tpu.dma_semaphore, #tpu.memory_space<semaphore_mem>>
      %dma_start3A_193 = arith.constant 0 : i32
      %dma_start3A_194 = tpu.memref_slice %arg2[%add3A_135, %dma_start3A_193] : memref<128x1024xi32, #tpu.memory_space<hbm>> -> memref<1x1024xi32, #tpu.memory_space<hbm>>
      %dma_start3A_195 = tpu.memref_squeeze %dma_start3A_194 : memref<1x1024xi32, #tpu.memory_space<hbm>> -> memref<1024xi32, #tpu.memory_space<hbm>>
      %dma_start3A_196 = arith.constant 0 : i32
      %dma_start3A_197 = tpu.memref_slice %arg2[%add3A_135, %dma_start3A_196] : memref<128x1024xi32, #tpu.memory_space<hbm>> -> memref<1x1024xi32, #tpu.memory_space<hbm>>
      %dma_start3A_198 = tpu.memref_squeeze %dma_start3A_197 : memref<1x1024xi32, #tpu.memory_space<hbm>> -> memref<1024xi32, #tpu.memory_space<hbm>>
      tpu.enqueue_dma source(%dma_start3A_198 : memref<1024xi32, #tpu.memory_space<hbm>>) target(%arg4 : memref<1024xi32, #tpu.memory_space<vmem>>) target_semaphore(%run_scoped3A : memref<!tpu.dma_semaphore, #tpu.memory_space<semaphore_mem>>)
      %dma_wait3A_199 = arith.constant 0 : i32
      %dma_wait3A_200 = tpu.memref_slice %arg2[%add3A_135, %dma_wait3A_199] : memref<128x1024xi32, #tpu.memory_space<hbm>> -> memref<1x1024xi32, #tpu.memory_space<hbm>>
      %dma_wait3A_201 = tpu.memref_squeeze %dma_wait3A_200 : memref<1x1024xi32, #tpu.memory_space<hbm>> -> memref<1024xi32, #tpu.memory_space<hbm>>
      %dma_wait3A_202 = arith.constant 0 : i32
      %dma_wait3A_203 = tpu.memref_slice %arg2[%add3A_135, %dma_wait3A_202] : memref<128x1024xi32, #tpu.memory_space<hbm>> -> memref<1x1024xi32, #tpu.memory_space<hbm>>
      %dma_wait3A_204 = tpu.memref_squeeze %dma_wait3A_203 : memref<1x1024xi32, #tpu.memory_space<hbm>> -> memref<1024xi32, #tpu.memory_space<hbm>>
      tpu.wait_dma2 semaphore(%run_scoped3A : memref<!tpu.dma_semaphore, #tpu.memory_space<semaphore_mem>>) src(%dma_wait3A_204 : memref<1024xi32, #tpu.memory_space<hbm>>) dst(%arg4 : memref<1024xi32, #tpu.memory_space<vmem>>)
      tpu.yield
    }) : () -> ()
    %scan3A_136 = arith.constant 1 : i32
    %scan3A_137 = arith.constant 0 : i32
    %scan3A_138 = arith.constant 0 : i32
    %scan3A_139 = arith.constant 64 : i32
    %scan3A_140 = arith.addi %scan3A_138, %scan3A_139 : i32
    %scan3A_141 = arith.constant 1 : i32
    %scan3A_142 = scf.for %scan3A_193 = %scan3A_138 to %scan3A_140 step %scan3A_141 iter_args(%scan3A_194 = %scan3A_137) -> (i32)  : i32 {
      %mul3A_195 = arith.constant 16 : i32
      %mul3A_196 = arith.muli %scan3A_193, %mul3A_195 : i32
      %multiple_of3A = tpu.assume_multiple %mul3A_196, 16 : i32
      %swap3A = arith.constant 0 : i32
      %swap3A_197 = arith.constant 0 : i32
      %swap3A_198 = arith.constant 0 : i32
      %swap3A_199 = tpu.memref_slice %arg5[%scan3A_136, %swap3A_197, %swap3A_198] : memref<2x16x1024xf32, #tpu.memory_space<vmem>> -> memref<1x16x1024xf32, #tpu.memory_space<vmem>>
      %swap3A_200 = tpu.memref_squeeze %swap3A_199 : memref<1x16x1024xf32, #tpu.memory_space<vmem>> -> memref<16x1024xf32, #tpu.memory_space<vmem>>
      %swap3A_201 = arith.index_cast %swap3A : i32 to index
      %swap3A_202 = arith.index_cast %multiple_of3A : i32 to index
      %swap3A_203 = tpu.vector_load %swap3A_200[%swap3A_201, %swap3A_202] {strides = array<i32>} : memref<16x1024xf32, #tpu.memory_space<vmem>>, vector<16xf32>,
      tpu.vector_store %swap3A_200[%swap3A_201, %swap3A_202], %broadcast_in_dim3A_1 {strides = array<i32>} : memref<16x1024xf32, #tpu.memory_space<vmem>>, vector<16xf32>,
      %swap3A_204 = arith.constant 1 : i32
      %swap3A_205 = arith.constant 0 : i32
      %swap3A_206 = arith.constant 0 : i32
      %swap3A_207 = tpu.memref_slice %arg5[%scan3A_136, %swap3A_205, %swap3A_206] : memref<2x16x1024xf32, #tpu.memory_space<vmem>> -> memref<1x16x1024xf32, #tpu.memory_space<vmem>>
      %swap3A_208 = tpu.memref_squeeze %swap3A_207 : memref<1x16x1024xf32, #tpu.memory_space<vmem>> -> memref<16x1024xf32, #tpu.memory_space<vmem>>
      %swap3A_209 = arith.index_cast %swap3A_204 : i32 to index
      %swap3A_210 = arith.index_cast %multiple_of3A : i32 to index
      %swap3A_211 = tpu.vector_load %swap3A_208[%swap3A_209, %swap3A_210] {strides = array<i32>} : memref<16x1024xf32, #tpu.memory_space<vmem>>, vector<16xf32>,
      tpu.vector_store %swap3A_208[%swap3A_209, %swap3A_210], %broadcast_in_dim3A_1 {strides = array<i32>} : memref<16x1024xf32, #tpu.memory_space<vmem>>, vector<16xf32>,
      %swap3A_212 = arith.constant 2 : i32
      %swap3A_213 = arith.constant 0 : i32
      %swap3A_214 = arith.constant 0 : i32
      %swap3A_215 = tpu.memref_slice %arg5[%scan3A_136, %swap3A_213, %swap3A_214] : memref<2x16x1024xf32, #tpu.memory_space<vmem>> -> memref<1x16x1024xf32, #tpu.memory_space<vmem>>
      %swap3A_216 = tpu.memref_squeeze %swap3A_215 : memref<1x16x1024xf32, #tpu.memory_space<vmem>> -> memref<16x1024xf32, #tpu.memory_space<vmem>>
      %swap3A_217 = arith.index_cast %swap3A_212 : i32 to index
      %swap3A_218 = arith.index_cast %multiple_of3A : i32 to index
      %swap3A_219 = tpu.vector_load %swap3A_216[%swap3A_217, %swap3A_218] {strides = array<i32>} : memref<16x1024xf32, #tpu.memory_space<vmem>>, vector<16xf32>,
      tpu.vector_store %swap3A_216[%swap3A_217, %swap3A_218], %broadcast_in_dim3A_1 {strides = array<i32>} : memref<16x1024xf32, #tpu.memory_space<vmem>>, vector<16xf32>,
      %swap3A_220 = arith.constant 3 : i32
      %swap3A_221 = arith.constant 0 : i32
      %swap3A_222 = arith.constant 0 : i32
      %swap3A_223 = tpu.memref_slice %arg5[%scan3A_136, %swap3A_221, %swap3A_222] : memref<2x16x1024xf32, #tpu.memory_space<vmem>> -> memref<1x16x1024xf32, #tpu.memory_space<vmem>>
      %swap3A_224 = tpu.memref_squeeze %swap3A_223 : memref<1x16x1024xf32, #tpu.memory_space<vmem>> -> memref<16x1024xf32, #tpu.memory_space<vmem>>
      %swap3A_225 = arith.index_cast %swap3A_220 : i32 to index
      %swap3A_226 = arith.index_cast %multiple_of3A : i32 to index
      %swap3A_227 = tpu.vector_load %swap3A_224[%swap3A_225, %swap3A_226] {strides = array<i32>} : memref<16x1024xf32, #tpu.memory_space<vmem>>, vector<16xf32>,
      tpu.vector_store %swap3A_224[%swap3A_225, %swap3A_226], %broadcast_in_dim3A_1 {strides = array<i32>} : memref<16x1024xf32, #tpu.memory_space<vmem>>, vector<16xf32>,
      %swap3A_228 = arith.constant 4 : i32
      %swap3A_229 = arith.constant 0 : i32
      %swap3A_230 = arith.constant 0 : i32
      %swap3A_231 = tpu.memref_slice %arg5[%scan3A_136, %swap3A_229, %swap3A_230] : memref<2x16x1024xf32, #tpu.memory_space<vmem>> -> memref<1x16x1024xf32, #tpu.memory_space<vmem>>
      %swap3A_232 = tpu.memref_squeeze %swap3A_231 : memref<1x16x1024xf32, #tpu.memory_space<vmem>> -> memref<16x1024xf32, #tpu.memory_space<vmem>>
      %swap3A_233 = arith.index_cast %swap3A_228 : i32 to index
      %swap3A_234 = arith.index_cast %multiple_of3A : i32 to index
      %swap3A_235 = tpu.vector_load %swap3A_232[%swap3A_233, %swap3A_234] {strides = array<i32>} : memref<16x1024xf32, #tpu.memory_space<vmem>>, vector<16xf32>,
      tpu.vector_store %swap3A_232[%swap3A_233, %swap3A_234], %broadcast_in_dim3A_1 {strides = array<i32>} : memref<16x1024xf32, #tpu.memory_space<vmem>>, vector<16xf32>,
      %swap3A_236 = arith.constant 5 : i32
      %swap3A_237 = arith.constant 0 : i32
      %swap3A_238 = arith.constant 0 : i32
      %swap3A_239 = tpu.memref_slice %arg5[%scan3A_136, %swap3A_237, %swap3A_238] : memref<2x16x1024xf32, #tpu.memory_space<vmem>> -> memref<1x16x1024xf32, #tpu.memory_space<vmem>>
      %swap3A_240 = tpu.memref_squeeze %swap3A_239 : memref<1x16x1024xf32, #tpu.memory_space<vmem>> -> memref<16x1024xf32, #tpu.memory_space<vmem>>
      %swap3A_241 = arith.index_cast %swap3A_236 : i32 to index
      %swap3A_242 = arith.index_cast %multiple_of3A : i32 to index
      %swap3A_243 = tpu.vector_load %swap3A_240[%swap3A_241, %swap3A_242] {strides = array<i32>} : memref<16x1024xf32, #tpu.memory_space<vmem>>, vector<16xf32>,
      tpu.vector_store %swap3A_240[%swap3A_241, %swap3A_242], %broadcast_in_dim3A_1 {strides = array<i32>} : memref<16x1024xf32, #tpu.memory_space<vmem>>, vector<16xf32>,
      %swap3A_244 = arith.constant 6 : i32
      %swap3A_245 = arith.constant 0 : i32
      %swap3A_246 = arith.constant 0 : i32
      %swap3A_247 = tpu.memref_slice %arg5[%scan3A_136, %swap3A_245, %swap3A_246] : memref<2x16x1024xf32, #tpu.memory_space<vmem>> -> memref<1x16x1024xf32, #tpu.memory_space<vmem>>
      %swap3A_248 = tpu.memref_squeeze %swap3A_247 : memref<1x16x1024xf32, #tpu.memory_space<vmem>> -> memref<16x1024xf32, #tpu.memory_space<vmem>>
      %swap3A_249 = arith.index_cast %swap3A_244 : i32 to index
      %swap3A_250 = arith.index_cast %multiple_of3A : i32 to index
      %swap3A_251 = tpu.vector_load %swap3A_248[%swap3A_249, %swap3A_250] {strides = array<i32>} : memref<16x1024xf32, #tpu.memory_space<vmem>>, vector<16xf32>,
      tpu.vector_store %swap3A_248[%swap3A_249, %swap3A_250], %broadcast_in_dim3A_1 {strides = array<i32>} : memref<16x1024xf32, #tpu.memory_space<vmem>>, vector<16xf32>,
      %swap3A_252 = arith.constant 7 : i32
      %swap3A_253 = arith.constant 0 : i32
      %swap3A_254 = arith.constant 0 : i32
      %swap3A_255 = tpu.memref_slice %arg5[%scan3A_136, %swap3A_253, %swap3A_254] : memref<2x16x1024xf32, #tpu.memory_space<vmem>> -> memref<1x16x1024xf32, #tpu.memory_space<vmem>>
      %swap3A_256 = tpu.memref_squeeze %swap3A_255 : memref<1x16x1024xf32, #tpu.memory_space<vmem>> -> memref<16x1024xf32, #tpu.memory_space<vmem>>
      %swap3A_257 = arith.index_cast %swap3A_252 : i32 to index
      %swap3A_258 = arith.index_cast %multiple_of3A : i32 to index
      %swap3A_259 = tpu.vector_load %swap3A_256[%swap3A_257, %swap3A_258] {strides = array<i32>} : memref<16x1024xf32, #tpu.memory_space<vmem>>, vector<16xf32>,
      tpu.vector_store %swap3A_256[%swap3A_257, %swap3A_258], %broadcast_in_dim3A_1 {strides = array<i32>} : memref<16x1024xf32, #tpu.memory_space<vmem>>, vector<16xf32>,
      %swap3A_260 = arith.constant 8 : i32
      %swap3A_261 = arith.constant 0 : i32
      %swap3A_262 = arith.constant 0 : i32
      %swap3A_263 = tpu.memref_slice %arg5[%scan3A_136, %swap3A_261, %swap3A_262] : memref<2x16x1024xf32, #tpu.memory_space<vmem>> -> memref<1x16x1024xf32, #tpu.memory_space<vmem>>
      %swap3A_264 = tpu.memref_squeeze %swap3A_263 : memref<1x16x1024xf32, #tpu.memory_space<vmem>> -> memref<16x1024xf32, #tpu.memory_space<vmem>>
      %swap3A_265 = arith.index_cast %swap3A_260 : i32 to index
      %swap3A_266 = arith.index_cast %multiple_of3A : i32 to index
      %swap3A_267 = tpu.vector_load %swap3A_264[%swap3A_265, %swap3A_266] {strides = array<i32>} : memref<16x1024xf32, #tpu.memory_space<vmem>>, vector<16xf32>,
      tpu.vector_store %swap3A_264[%swap3A_265, %swap3A_266], %broadcast_in_dim3A_1 {strides = array<i32>} : memref<16x1024xf32, #tpu.memory_space<vmem>>, vector<16xf32>,
      %swap3A_268 = arith.constant 9 : i32
      %swap3A_269 = arith.constant 0 : i32
      %swap3A_270 = arith.constant 0 : i32
      %swap3A_271 = tpu.memref_slice %arg5[%scan3A_136, %swap3A_269, %swap3A_270] : memref<2x16x1024xf32, #tpu.memory_space<vmem>> -> memref<1x16x1024xf32, #tpu.memory_space<vmem>>
      %swap3A_272 = tpu.memref_squeeze %swap3A_271 : memref<1x16x1024xf32, #tpu.memory_space<vmem>> -> memref<16x1024xf32, #tpu.memory_space<vmem>>
      %swap3A_273 = arith.index_cast %swap3A_268 : i32 to index
      %swap3A_274 = arith.index_cast %multiple_of3A : i32 to index
      %swap3A_275 = tpu.vector_load %swap3A_272[%swap3A_273, %swap3A_274] {strides = array<i32>} : memref<16x1024xf32, #tpu.memory_space<vmem>>, vector<16xf32>,
      tpu.vector_store %swap3A_272[%swap3A_273, %swap3A_274], %broadcast_in_dim3A_1 {strides = array<i32>} : memref<16x1024xf32, #tpu.memory_space<vmem>>, vector<16xf32>,
      %swap3A_276 = arith.constant 10 : i32
      %swap3A_277 = arith.constant 0 : i32
      %swap3A_278 = arith.constant 0 : i32
      %swap3A_279 = tpu.memref_slice %arg5[%scan3A_136, %swap3A_277, %swap3A_278] : memref<2x16x1024xf32, #tpu.memory_space<vmem>> -> memref<1x16x1024xf32, #tpu.memory_space<vmem>>
      %swap3A_280 = tpu.memref_squeeze %swap3A_279 : memref<1x16x1024xf32, #tpu.memory_space<vmem>> -> memref<16x1024xf32, #tpu.memory_space<vmem>>
      %swap3A_281 = arith.index_cast %swap3A_276 : i32 to index
      %swap3A_282 = arith.index_cast %multiple_of3A : i32 to index
      %swap3A_283 = tpu.vector_load %swap3A_280[%swap3A_281, %swap3A_282] {strides = array<i32>} : memref<16x1024xf32, #tpu.memory_space<vmem>>, vector<16xf32>,
      tpu.vector_store %swap3A_280[%swap3A_281, %swap3A_282], %broadcast_in_dim3A_1 {strides = array<i32>} : memref<16x1024xf32, #tpu.memory_space<vmem>>, vector<16xf32>,
      %swap3A_284 = arith.constant 11 : i32
      %swap3A_285 = arith.constant 0 : i32
      %swap3A_286 = arith.constant 0 : i32
      %swap3A_287 = tpu.memref_slice %arg5[%scan3A_136, %swap3A_285, %swap3A_286] : memref<2x16x1024xf32, #tpu.memory_space<vmem>> -> memref<1x16x1024xf32, #tpu.memory_space<vmem>>
      %swap3A_288 = tpu.memref_squeeze %swap3A_287 : memref<1x16x1024xf32, #tpu.memory_space<vmem>> -> memref<16x1024xf32, #tpu.memory_space<vmem>>
      %swap3A_289 = arith.index_cast %swap3A_284 : i32 to index
      %swap3A_290 = arith.index_cast %multiple_of3A : i32 to index
      %swap3A_291 = tpu.vector_load %swap3A_288[%swap3A_289, %swap3A_290] {strides = array<i32>} : memref<16x1024xf32, #tpu.memory_space<vmem>>, vector<16xf32>,
      tpu.vector_store %swap3A_288[%swap3A_289, %swap3A_290], %broadcast_in_dim3A_1 {strides = array<i32>} : memref<16x1024xf32, #tpu.memory_space<vmem>>, vector<16xf32>,
      %swap3A_292 = arith.constant 12 : i32
      %swap3A_293 = arith.constant 0 : i32
      %swap3A_294 = arith.constant 0 : i32
      %swap3A_295 = tpu.memref_slice %arg5[%scan3A_136, %swap3A_293, %swap3A_294] : memref<2x16x1024xf32, #tpu.memory_space<vmem>> -> memref<1x16x1024xf32, #tpu.memory_space<vmem>>
      %swap3A_296 = tpu.memref_squeeze %swap3A_295 : memref<1x16x1024xf32, #tpu.memory_space<vmem>> -> memref<16x1024xf32, #tpu.memory_space<vmem>>
      %swap3A_297 = arith.index_cast %swap3A_292 : i32 to index
      %swap3A_298 = arith.index_cast %multiple_of3A : i32 to index
      %swap3A_299 = tpu.vector_load %swap3A_296[%swap3A_297, %swap3A_298] {strides = array<i32>} : memref<16x1024xf32, #tpu.memory_space<vmem>>, vector<16xf32>,
      tpu.vector_store %swap3A_296[%swap3A_297, %swap3A_298], %broadcast_in_dim3A_1 {strides = array<i32>} : memref<16x1024xf32, #tpu.memory_space<vmem>>, vector<16xf32>,
      %swap3A_300 = arith.constant 13 : i32
      %swap3A_301 = arith.constant 0 : i32
      %swap3A_302 = arith.constant 0 : i32
      %swap3A_303 = tpu.memref_slice %arg5[%scan3A_136, %swap3A_301, %swap3A_302] : memref<2x16x1024xf32, #tpu.memory_space<vmem>> -> memref<1x16x1024xf32, #tpu.memory_space<vmem>>
      %swap3A_304 = tpu.memref_squeeze %swap3A_303 : memref<1x16x1024xf32, #tpu.memory_space<vmem>> -> memref<16x1024xf32, #tpu.memory_space<vmem>>
      %swap3A_305 = arith.index_cast %swap3A_300 : i32 to index
      %swap3A_306 = arith.index_cast %multiple_of3A : i32 to index
      %swap3A_307 = tpu.vector_load %swap3A_304[%swap3A_305, %swap3A_306] {strides = array<i32>} : memref<16x1024xf32, #tpu.memory_space<vmem>>, vector<16xf32>,
      tpu.vector_store %swap3A_304[%swap3A_305, %swap3A_306], %broadcast_in_dim3A_1 {strides = array<i32>} : memref<16x1024xf32, #tpu.memory_space<vmem>>, vector<16xf32>,
      %swap3A_308 = arith.constant 14 : i32
      %swap3A_309 = arith.constant 0 : i32
      %swap3A_310 = arith.constant 0 : i32
      %swap3A_311 = tpu.memref_slice %arg5[%scan3A_136, %swap3A_309, %swap3A_310] : memref<2x16x1024xf32, #tpu.memory_space<vmem>> -> memref<1x16x1024xf32, #tpu.memory_space<vmem>>
      %swap3A_312 = tpu.memref_squeeze %swap3A_311 : memref<1x16x1024xf32, #tpu.memory_space<vmem>> -> memref<16x1024xf32, #tpu.memory_space<vmem>>
      %swap3A_313 = arith.index_cast %swap3A_308 : i32 to index
      %swap3A_314 = arith.index_cast %multiple_of3A : i32 to index
      %swap3A_315 = tpu.vector_load %swap3A_312[%swap3A_313, %swap3A_314] {strides = array<i32>} : memref<16x1024xf32, #tpu.memory_space<vmem>>, vector<16xf32>,
      tpu.vector_store %swap3A_312[%swap3A_313, %swap3A_314], %broadcast_in_dim3A_1 {strides = array<i32>} : memref<16x1024xf32, #tpu.memory_space<vmem>>, vector<16xf32>,
      %swap3A_316 = arith.constant 15 : i32
      %swap3A_317 = arith.constant 0 : i32
      %swap3A_318 = arith.constant 0 : i32
      %swap3A_319 = tpu.memref_slice %arg5[%scan3A_136, %swap3A_317, %swap3A_318] : memref<2x16x1024xf32, #tpu.memory_space<vmem>> -> memref<1x16x1024xf32, #tpu.memory_space<vmem>>
      %swap3A_320 = tpu.memref_squeeze %swap3A_319 : memref<1x16x1024xf32, #tpu.memory_space<vmem>> -> memref<16x1024xf32, #tpu.memory_space<vmem>>
      %swap3A_321 = arith.index_cast %swap3A_316 : i32 to index
      %swap3A_322 = arith.index_cast %multiple_of3A : i32 to index
      %swap3A_323 = tpu.vector_load %swap3A_320[%swap3A_321, %swap3A_322] {strides = array<i32>} : memref<16x1024xf32, #tpu.memory_space<vmem>>, vector<16xf32>,
      tpu.vector_store %swap3A_320[%swap3A_321, %swap3A_322], %broadcast_in_dim3A_1 {strides = array<i32>} : memref<16x1024xf32, #tpu.memory_space<vmem>>, vector<16xf32>,
      %scan3A_324 = arith.constant 0 : i32
      scf.yield %scan3A_324 : i32
    }
    %scan3A_143 = arith.constant 64 : i32
    %scan3A_144 = arith.constant 1 : i32
    %scan3A_145 = arith.constant 0 : i32
    %scan3A_146 = arith.constant 0 : i32
    %scan3A_147 = arith.constant 64 : i32
    %scan3A_148 = arith.addi %scan3A_146, %scan3A_147 : i32
    %scan3A_149 = arith.constant 4 : i32
    %scan3A_150 = scf.for %scan3A_193 = %scan3A_146 to %scan3A_148 step %scan3A_149 iter_args(%scan3A_194 = %scan3A_145) -> (i32)  : i32 {
      %mul3A_195 = arith.constant 16 : i32
      %mul3A_196 = arith.muli %scan3A_193, %mul3A_195 : i32
      %multiple_of3A = tpu.assume_multiple %mul3A_196, 16 : i32
      %get3A = arith.index_cast %multiple_of3A : i32 to index
      %get3A_197 = tpu.vector_load %arg4[%get3A] {strides = array<i32>} : memref<1024xi32, #tpu.memory_space<vmem>>, vector<16xi32>,
      %scatter3A = arith.constant 0 : i32
      %scatter3A_198 = arith.constant 0 : i32
      %scatter3A_199 = tpu.memref_slice %arg5[%scan3A_144, %scatter3A, %scatter3A_198] : memref<2x16x1024xf32, #tpu.memory_space<vmem>> -> memref<1x16x1024xf32, #tpu.memory_space<vmem>>
      %scatter3A_200 = tpu.memref_squeeze %scatter3A_199 : memref<1x16x1024xf32, #tpu.memory_space<vmem>> -> memref<16x1024xf32, #tpu.memory_space<vmem>>
      tpu.vector_store_idx %scatter3A_200[%iota3A, %get3A_197], %broadcast_in_dim3A_3 {add = true} : memref<16x1024xf32, #tpu.memory_space<vmem>>[vector<16xi32>, vector<16xi32>], vector<16xf32>,
      %scan3A_201 = arith.constant 0 : i32
      %scan3A_202 = arith.constant 1 : i32
      %scan3A_203 = arith.addi %scan3A_193, %scan3A_202 : i32
      %mul3A_204 = arith.constant 16 : i32
      %mul3A_205 = arith.muli %scan3A_203, %mul3A_204 : i32
      %multiple_of3A_206 = tpu.assume_multiple %mul3A_205, 16 : i32
      %get3A_207 = arith.index_cast %multiple_of3A_206 : i32 to index
      %get3A_208 = tpu.vector_load %arg4[%get3A_207] {strides = array<i32>} : memref<1024xi32, #tpu.memory_space<vmem>>, vector<16xi32>,
      %scatter3A_209 = arith.constant 0 : i32
      %scatter3A_210 = arith.constant 0 : i32
      %scatter3A_211 = tpu.memref_slice %arg5[%scan3A_144, %scatter3A_209, %scatter3A_210] : memref<2x16x1024xf32, #tpu.memory_space<vmem>> -> memref<1x16x1024xf32, #tpu.memory_space<vmem>>
      %scatter3A_212 = tpu.memref_squeeze %scatter3A_211 : memref<1x16x1024xf32, #tpu.memory_space<vmem>> -> memref<16x1024xf32, #tpu.memory_space<vmem>>
      tpu.vector_store_idx %scatter3A_212[%iota3A, %get3A_208], %broadcast_in_dim3A_3 {add = true} : memref<16x1024xf32, #tpu.memory_space<vmem>>[vector<16xi32>, vector<16xi32>], vector<16xf32>,
      %scan3A_213 = arith.constant 0 : i32
      %scan3A_214 = arith.constant 2 : i32
      %scan3A_215 = arith.addi %scan3A_193, %scan3A_214 : i32
      %mul3A_216 = arith.constant 16 : i32
      %mul3A_217 = arith.muli %scan3A_215, %mul3A_216 : i32
      %multiple_of3A_218 = tpu.assume_multiple %mul3A_217, 16 : i32
      %get3A_219 = arith.index_cast %multiple_of3A_218 : i32 to index
      %get3A_220 = tpu.vector_load %arg4[%get3A_219] {strides = array<i32>} : memref<1024xi32, #tpu.memory_space<vmem>>, vector<16xi32>,
      %scatter3A_221 = arith.constant 0 : i32
      %scatter3A_222 = arith.constant 0 : i32
      %scatter3A_223 = tpu.memref_slice %arg5[%scan3A_144, %scatter3A_221, %scatter3A_222] : memref<2x16x1024xf32, #tpu.memory_space<vmem>> -> memref<1x16x1024xf32, #tpu.memory_space<vmem>>
      %scatter3A_224 = tpu.memref_squeeze %scatter3A_223 : memref<1x16x1024xf32, #tpu.memory_space<vmem>> -> memref<16x1024xf32, #tpu.memory_space<vmem>>
      tpu.vector_store_idx %scatter3A_224[%iota3A, %get3A_220], %broadcast_in_dim3A_3 {add = true} : memref<16x1024xf32, #tpu.memory_space<vmem>>[vector<16xi32>, vector<16xi32>], vector<16xf32>,
      %scan3A_225 = arith.constant 0 : i32
      %scan3A_226 = arith.constant 3 : i32
      %scan3A_227 = arith.addi %scan3A_193, %scan3A_226 : i32
      %mul3A_228 = arith.constant 16 : i32
      %mul3A_229 = arith.muli %scan3A_227, %mul3A_228 : i32
      %multiple_of3A_230 = tpu.assume_multiple %mul3A_229, 16 : i32
      %get3A_231 = arith.index_cast %multiple_of3A_230 : i32 to index
      %get3A_232 = tpu.vector_load %arg4[%get3A_231] {strides = array<i32>} : memref<1024xi32, #tpu.memory_space<vmem>>, vector<16xi32>,
      %scatter3A_233 = arith.constant 0 : i32
      %scatter3A_234 = arith.constant 0 : i32
      %scatter3A_235 = tpu.memref_slice %arg5[%scan3A_144, %scatter3A_233, %scatter3A_234] : memref<2x16x1024xf32, #tpu.memory_space<vmem>> -> memref<1x16x1024xf32, #tpu.memory_space<vmem>>
      %scatter3A_236 = tpu.memref_squeeze %scatter3A_235 : memref<1x16x1024xf32, #tpu.memory_space<vmem>> -> memref<16x1024xf32, #tpu.memory_space<vmem>>
      tpu.vector_store_idx %scatter3A_236[%iota3A, %get3A_232], %broadcast_in_dim3A_3 {add = true} : memref<16x1024xf32, #tpu.memory_space<vmem>>[vector<16xi32>, vector<16xi32>], vector<16xf32>,
      %scan3A_237 = arith.constant 0 : i32
      scf.yield %scan3A_237 : i32
    }
    %scan3A_151 = arith.constant 64 : i32
    %mul3A_152 = arith.constant 16 : i32
    %mul3A_153 = arith.muli %add3A_135, %mul3A_152 : i32
    %dma_start3A_154 = arith.constant 1 : i32
    %dma_start3A_155 = arith.constant 0 : i32
    %dma_start3A_156 = arith.constant 0 : i32
    %dma_start3A_157 = tpu.memref_slice %arg5[%dma_start3A_154, %dma_start3A_155, %dma_start3A_156] : memref<2x16x1024xf32, #tpu.memory_space<vmem>> -> memref<1x16x1024xf32, #tpu.memory_space<vmem>>
    %dma_start3A_158 = tpu.memref_squeeze %dma_start3A_157 : memref<1x16x1024xf32, #tpu.memory_space<vmem>> -> memref<16x1024xf32, #tpu.memory_space<vmem>>
    %dma_start3A_159 = arith.constant 0 : i32
    %dma_start3A_160 = tpu.memref_slice %arg3[%mul3A_153, %dma_start3A_159] : memref<2048x1024xf32, #tpu.memory_space<hbm>> -> memref<16x1024xf32, #tpu.memory_space<hbm>>
    %dma_start3A_161 = arith.constant 0 : i32
    %dma_start3A_162 = tpu.memref_slice %arg3[%mul3A_153, %dma_start3A_161] : memref<2048x1024xf32, #tpu.memory_space<hbm>> -> memref<16x1024xf32, #tpu.memory_space<hbm>>
    %dma_start3A_163 = arith.constant 0 : i32
    %dma_start3A_164 = arith.constant 0 : i32
    %dma_start3A_165 = tpu.memref_slice %arg5[%dma_start3A_154, %dma_start3A_163, %dma_start3A_164] : memref<2x16x1024xf32, #tpu.memory_space<vmem>> -> memref<1x16x1024xf32, #tpu.memory_space<vmem>>
    %dma_start3A_166 = tpu.memref_squeeze %dma_start3A_165 : memref<1x16x1024xf32, #tpu.memory_space<vmem>> -> memref<16x1024xf32, #tpu.memory_space<vmem>>
    tpu.enqueue_dma source(%dma_start3A_166 : memref<16x1024xf32, #tpu.memory_space<vmem>>) target(%dma_start3A_162 : memref<16x1024xf32, #tpu.memory_space<hbm>>) target_semaphore(%arg7 : memref<!tpu.dma_semaphore, #tpu.memory_space<semaphore_mem>>)
    %dma_wait3A_167 = arith.constant 0 : i32
    %dma_wait3A_168 = arith.constant 0 : i32
    %dma_wait3A_169 = arith.constant 0 : i32
    %dma_wait3A_170 = tpu.memref_slice %arg5[%dma_wait3A_167, %dma_wait3A_168, %dma_wait3A_169] : memref<2x16x1024xf32, #tpu.memory_space<vmem>> -> memref<1x16x1024xf32, #tpu.memory_space<vmem>>
    %dma_wait3A_171 = tpu.memref_squeeze %dma_wait3A_170 : memref<1x16x1024xf32, #tpu.memory_space<vmem>> -> memref<16x1024xf32, #tpu.memory_space<vmem>>
    %dma_wait3A_172 = arith.constant 0 : i32
    %dma_wait3A_173 = tpu.memref_slice %arg3[%mul3A_105, %dma_wait3A_172] : memref<2048x1024xf32, #tpu.memory_space<hbm>> -> memref<16x1024xf32, #tpu.memory_space<hbm>>
    %dma_wait3A_174 = arith.constant 0 : i32
    %dma_wait3A_175 = tpu.memref_slice %arg3[%mul3A_105, %dma_wait3A_174] : memref<2048x1024xf32, #tpu.memory_space<hbm>> -> memref<16x1024xf32, #tpu.memory_space<hbm>>
    %dma_wait3A_176 = arith.constant 0 : i32
    %dma_wait3A_177 = arith.constant 0 : i32
    %dma_wait3A_178 = tpu.memref_slice %arg5[%dma_wait3A_167, %dma_wait3A_176, %dma_wait3A_177] : memref<2x16x1024xf32, #tpu.memory_space<vmem>> -> memref<1x16x1024xf32, #tpu.memory_space<vmem>>
    %dma_wait3A_179 = tpu.memref_squeeze %dma_wait3A_178 : memref<1x16x1024xf32, #tpu.memory_space<vmem>> -> memref<16x1024xf32, #tpu.memory_space<vmem>>
    tpu.wait_dma2 semaphore(%arg6 : memref<!tpu.dma_semaphore, #tpu.memory_space<semaphore_mem>>) src(%dma_wait3A_179 : memref<16x1024xf32, #tpu.memory_space<vmem>>) dst(%dma_wait3A_175 : memref<16x1024xf32, #tpu.memory_space<hbm>>)
    %dma_wait3A_180 = arith.constant 1 : i32
    %dma_wait3A_181 = arith.constant 0 : i32
    %dma_wait3A_182 = arith.constant 0 : i32
    %dma_wait3A_183 = tpu.memref_slice %arg5[%dma_wait3A_180, %dma_wait3A_181, %dma_wait3A_182] : memref<2x16x1024xf32, #tpu.memory_space<vmem>> -> memref<1x16x1024xf32, #tpu.memory_space<vmem>>
    %dma_wait3A_184 = tpu.memref_squeeze %dma_wait3A_183 : memref<1x16x1024xf32, #tpu.memory_space<vmem>> -> memref<16x1024xf32, #tpu.memory_space<vmem>>
    %dma_wait3A_185 = arith.constant 0 : i32
    %dma_wait3A_186 = tpu.memref_slice %arg3[%mul3A_153, %dma_wait3A_185] : memref<2048x1024xf32, #tpu.memory_space<hbm>> -> memref<16x1024xf32, #tpu.memory_space<hbm>>
    %dma_wait3A_187 = arith.constant 0 : i32
    %dma_wait3A_188 = tpu.memref_slice %arg3[%mul3A_153, %dma_wait3A_187] : memref<2048x1024xf32, #tpu.memory_space<hbm>> -> memref<16x1024xf32, #tpu.memory_space<hbm>>
    %dma_wait3A_189 = arith.constant 0 : i32
    %dma_wait3A_190 = arith.constant 0 : i32
    %dma_wait3A_191 = tpu.memref_slice %arg5[%dma_wait3A_180, %dma_wait3A_189, %dma_wait3A_190] : memref<2x16x1024xf32, #tpu.memory_space<vmem>> -> memref<1x16x1024xf32, #tpu.memory_space<vmem>>
    %dma_wait3A_192 = tpu.memref_squeeze %dma_wait3A_191 : memref<1x16x1024xf32, #tpu.memory_space<vmem>> -> memref<16x1024xf32, #tpu.memory_space<vmem>>
    tpu.wait_dma2 semaphore(%arg7 : memref<!tpu.dma_semaphore, #tpu.memory_space<semaphore_mem>>) src(%dma_wait3A_192 : memref<16x1024xf32, #tpu.memory_space<vmem>>) dst(%dma_wait3A_188 : memref<16x1024xf32, #tpu.memory_space<hbm>>)
    return
  }
}

#map = affine_map<(d0, d1) -> (0, 0)>
module attributes {stable_mosaic.version = 14 : i64} {
  func.func @_hist_sc_kernel(%arg0: i32, %arg1: i32, %arg2: memref<128x1024xi32, #tpu.memory_space<hbm>>, %arg3: memref<2048x1024xf32, #tpu.memory_space<hbm>>, %arg4: memref<1024xi32, #tpu.memory_space<vmem>>, %arg5: memref<2x16x1024xf32, #tpu.memory_space<vmem>>, %arg6: memref<!tpu.dma_semaphore, #tpu.memory_space<semaphore_mem>>, %arg7: memref<!tpu.dma_semaphore, #tpu.memory_space<semaphore_mem>>) attributes {dimension_semantics = [#tpu.dimension_semantics<core_parallel>, #tpu.dimension_semantics<subcore_parallel>], iteration_bounds = array<i64: 2, 16>, scalar_prefetch = 0 : i64, scratch_operands = 4 : i64, tpu.core_type = #tpu.core_type<sc_vector_subcore>, window_params = [{transform_indices = #map}, {transform_indices = #map}]} {
    %mul3A = arith.constant 2 : i32
    %mul3A_0 = arith.muli %arg1, %mul3A : i32
    %add3A = arith.addi %mul3A_0, %arg0 : i32
    %iota3A = tpu.iota {dimensions = array<i32: 0>} : vector<16xi32>
    %broadcast_in_dim3A = arith.constant 0.000000e+00 : f32
    %broadcast_in_dim3A_1 = vector.broadcast %broadcast_in_dim3A : f32 to vector<16xf32>
    %broadcast_in_dim3A_2 = arith.constant 1.000000e+00 : f32
    %broadcast_in_dim3A_3 = vector.broadcast %broadcast_in_dim3A_2 : f32 to vector<16xf32>
    %mul3A_4 = arith.constant 4 : i32
    %mul3A_5 = arith.muli %add3A, %mul3A_4 : i32
    %add3A_6 = arith.constant 0 : i32
    %add3A_7 = arith.addi %mul3A_5, %add3A_6 : i32
    "tpu.region"() ({
      %run_scoped3A = tpu.sem_alloc : memref<!tpu.dma_semaphore, #tpu.memory_space<semaphore_mem>>
      %dma_start3A_193 = arith.constant 0 : i32
      %dma_start3A_194 = tpu.memref_slice %arg2[%add3A_7, %dma_start3A_193] : memref<128x1024xi32, #tpu.memory_space<hbm>> -> memref<1x1024xi32, #tpu.memory_space<hbm>>
      %dma_start3A_195 = tpu.memref_squeeze %dma_start3A_194 : memref<1x1024xi32, #tpu.memory_space<hbm>> -> memref<1024xi32, #tpu.memory_space<hbm>>
      %dma_start3A_196 = arith.constant 0 : i32
      %dma_start3A_197 = tpu.memref_slice %arg2[%add3A_7, %dma_start3A_196] : memref<128x1024xi32, #tpu.memory_space<hbm>> -> memref<1x1024xi32, #tpu.memory_space<hbm>>
      %dma_start3A_198 = tpu.memref_squeeze %dma_start3A_197 : memref<1x1024xi32, #tpu.memory_space<hbm>> -> memref<1024xi32, #tpu.memory_space<hbm>>
      tpu.enqueue_dma source(%dma_start3A_198 : memref<1024xi32, #tpu.memory_space<hbm>>) target(%arg4 : memref<1024xi32, #tpu.memory_space<vmem>>) target_semaphore(%run_scoped3A : memref<!tpu.dma_semaphore, #tpu.memory_space<semaphore_mem>>)
      %dma_wait3A_199 = arith.constant 0 : i32
      %dma_wait3A_200 = tpu.memref_slice %arg2[%add3A_7, %dma_wait3A_199] : memref<128x1024xi32, #tpu.memory_space<hbm>> -> memref<1x1024xi32, #tpu.memory_space<hbm>>
      %dma_wait3A_201 = tpu.memref_squeeze %dma_wait3A_200 : memref<1x1024xi32, #tpu.memory_space<hbm>> -> memref<1024xi32, #tpu.memory_space<hbm>>
      %dma_wait3A_202 = arith.constant 0 : i32
      %dma_wait3A_203 = tpu.memref_slice %arg2[%add3A_7, %dma_wait3A_202] : memref<128x1024xi32, #tpu.memory_space<hbm>> -> memref<1x1024xi32, #tpu.memory_space<hbm>>
      %dma_wait3A_204 = tpu.memref_squeeze %dma_wait3A_203 : memref<1x1024xi32, #tpu.memory_space<hbm>> -> memref<1024xi32, #tpu.memory_space<hbm>>
      tpu.wait_dma2 semaphore(%run_scoped3A : memref<!tpu.dma_semaphore, #tpu.memory_space<semaphore_mem>>) src(%dma_wait3A_204 : memref<1024xi32, #tpu.memory_space<hbm>>) dst(%arg4 : memref<1024xi32, #tpu.memory_space<vmem>>)
      tpu.yield
    }) : () -> ()
    %scan3A = arith.constant 0 : i32
    %scan3A_8 = arith.constant 0 : i32
    %scan3A_9 = arith.constant 0 : i32
    %scan3A_10 = arith.constant 64 : i32
    %scan3A_11 = arith.addi %scan3A_9, %scan3A_10 : i32
    %scan3A_12 = arith.constant 1 : i32
    %scan3A_13 = scf.for %scan3A_193 = %scan3A_9 to %scan3A_11 step %scan3A_12 iter_args(%scan3A_194 = %scan3A_8) -> (i32)  : i32 {
      %mul3A_195 = arith.constant 16 : i32
      %mul3A_196 = arith.muli %scan3A_193, %mul3A_195 : i32
      %multiple_of3A = tpu.assume_multiple %mul3A_196, 16 : i32
      %swap3A = arith.constant 0 : i32
      %swap3A_197 = arith.constant 0 : i32
      %swap3A_198 = arith.constant 0 : i32
      %swap3A_199 = tpu.memref_slice %arg5[%scan3A, %swap3A_197, %swap3A_198] : memref<2x16x1024xf32, #tpu.memory_space<vmem>> -> memref<1x16x1024xf32, #tpu.memory_space<vmem>>
      %swap3A_200 = tpu.memref_squeeze %swap3A_199 : memref<1x16x1024xf32, #tpu.memory_space<vmem>> -> memref<16x1024xf32, #tpu.memory_space<vmem>>
      %swap3A_201 = arith.index_cast %swap3A : i32 to index
      %swap3A_202 = arith.index_cast %multiple_of3A : i32 to index
      %swap3A_203 = tpu.vector_load %swap3A_200[%swap3A_201, %swap3A_202] {strides = array<i32>} : memref<16x1024xf32, #tpu.memory_space<vmem>>, vector<16xf32>,
      tpu.vector_store %swap3A_200[%swap3A_201, %swap3A_202], %broadcast_in_dim3A_1 {strides = array<i32>} : memref<16x1024xf32, #tpu.memory_space<vmem>>, vector<16xf32>,
      %swap3A_204 = arith.constant 1 : i32
      %swap3A_205 = arith.constant 0 : i32
      %swap3A_206 = arith.constant 0 : i32
      %swap3A_207 = tpu.memref_slice %arg5[%scan3A, %swap3A_205, %swap3A_206] : memref<2x16x1024xf32, #tpu.memory_space<vmem>> -> memref<1x16x1024xf32, #tpu.memory_space<vmem>>
      %swap3A_208 = tpu.memref_squeeze %swap3A_207 : memref<1x16x1024xf32, #tpu.memory_space<vmem>> -> memref<16x1024xf32, #tpu.memory_space<vmem>>
      %swap3A_209 = arith.index_cast %swap3A_204 : i32 to index
      %swap3A_210 = arith.index_cast %multiple_of3A : i32 to index
      %swap3A_211 = tpu.vector_load %swap3A_208[%swap3A_209, %swap3A_210] {strides = array<i32>} : memref<16x1024xf32, #tpu.memory_space<vmem>>, vector<16xf32>,
      tpu.vector_store %swap3A_208[%swap3A_209, %swap3A_210], %broadcast_in_dim3A_1 {strides = array<i32>} : memref<16x1024xf32, #tpu.memory_space<vmem>>, vector<16xf32>,
      %swap3A_212 = arith.constant 2 : i32
      %swap3A_213 = arith.constant 0 : i32
      %swap3A_214 = arith.constant 0 : i32
      %swap3A_215 = tpu.memref_slice %arg5[%scan3A, %swap3A_213, %swap3A_214] : memref<2x16x1024xf32, #tpu.memory_space<vmem>> -> memref<1x16x1024xf32, #tpu.memory_space<vmem>>
      %swap3A_216 = tpu.memref_squeeze %swap3A_215 : memref<1x16x1024xf32, #tpu.memory_space<vmem>> -> memref<16x1024xf32, #tpu.memory_space<vmem>>
      %swap3A_217 = arith.index_cast %swap3A_212 : i32 to index
      %swap3A_218 = arith.index_cast %multiple_of3A : i32 to index
      %swap3A_219 = tpu.vector_load %swap3A_216[%swap3A_217, %swap3A_218] {strides = array<i32>} : memref<16x1024xf32, #tpu.memory_space<vmem>>, vector<16xf32>,
      tpu.vector_store %swap3A_216[%swap3A_217, %swap3A_218], %broadcast_in_dim3A_1 {strides = array<i32>} : memref<16x1024xf32, #tpu.memory_space<vmem>>, vector<16xf32>,
      %swap3A_220 = arith.constant 3 : i32
      %swap3A_221 = arith.constant 0 : i32
      %swap3A_222 = arith.constant 0 : i32
      %swap3A_223 = tpu.memref_slice %arg5[%scan3A, %swap3A_221, %swap3A_222] : memref<2x16x1024xf32, #tpu.memory_space<vmem>> -> memref<1x16x1024xf32, #tpu.memory_space<vmem>>
      %swap3A_224 = tpu.memref_squeeze %swap3A_223 : memref<1x16x1024xf32, #tpu.memory_space<vmem>> -> memref<16x1024xf32, #tpu.memory_space<vmem>>
      %swap3A_225 = arith.index_cast %swap3A_220 : i32 to index
      %swap3A_226 = arith.index_cast %multiple_of3A : i32 to index
      %swap3A_227 = tpu.vector_load %swap3A_224[%swap3A_225, %swap3A_226] {strides = array<i32>} : memref<16x1024xf32, #tpu.memory_space<vmem>>, vector<16xf32>,
      tpu.vector_store %swap3A_224[%swap3A_225, %swap3A_226], %broadcast_in_dim3A_1 {strides = array<i32>} : memref<16x1024xf32, #tpu.memory_space<vmem>>, vector<16xf32>,
      %swap3A_228 = arith.constant 4 : i32
      %swap3A_229 = arith.constant 0 : i32
      %swap3A_230 = arith.constant 0 : i32
      %swap3A_231 = tpu.memref_slice %arg5[%scan3A, %swap3A_229, %swap3A_230] : memref<2x16x1024xf32, #tpu.memory_space<vmem>> -> memref<1x16x1024xf32, #tpu.memory_space<vmem>>
      %swap3A_232 = tpu.memref_squeeze %swap3A_231 : memref<1x16x1024xf32, #tpu.memory_space<vmem>> -> memref<16x1024xf32, #tpu.memory_space<vmem>>
      %swap3A_233 = arith.index_cast %swap3A_228 : i32 to index
      %swap3A_234 = arith.index_cast %multiple_of3A : i32 to index
      %swap3A_235 = tpu.vector_load %swap3A_232[%swap3A_233, %swap3A_234] {strides = array<i32>} : memref<16x1024xf32, #tpu.memory_space<vmem>>, vector<16xf32>,
      tpu.vector_store %swap3A_232[%swap3A_233, %swap3A_234], %broadcast_in_dim3A_1 {strides = array<i32>} : memref<16x1024xf32, #tpu.memory_space<vmem>>, vector<16xf32>,
      %swap3A_236 = arith.constant 5 : i32
      %swap3A_237 = arith.constant 0 : i32
      %swap3A_238 = arith.constant 0 : i32
      %swap3A_239 = tpu.memref_slice %arg5[%scan3A, %swap3A_237, %swap3A_238] : memref<2x16x1024xf32, #tpu.memory_space<vmem>> -> memref<1x16x1024xf32, #tpu.memory_space<vmem>>
      %swap3A_240 = tpu.memref_squeeze %swap3A_239 : memref<1x16x1024xf32, #tpu.memory_space<vmem>> -> memref<16x1024xf32, #tpu.memory_space<vmem>>
      %swap3A_241 = arith.index_cast %swap3A_236 : i32 to index
      %swap3A_242 = arith.index_cast %multiple_of3A : i32 to index
      %swap3A_243 = tpu.vector_load %swap3A_240[%swap3A_241, %swap3A_242] {strides = array<i32>} : memref<16x1024xf32, #tpu.memory_space<vmem>>, vector<16xf32>,
      tpu.vector_store %swap3A_240[%swap3A_241, %swap3A_242], %broadcast_in_dim3A_1 {strides = array<i32>} : memref<16x1024xf32, #tpu.memory_space<vmem>>, vector<16xf32>,
      %swap3A_244 = arith.constant 6 : i32
      %swap3A_245 = arith.constant 0 : i32
      %swap3A_246 = arith.constant 0 : i32
      %swap3A_247 = tpu.memref_slice %arg5[%scan3A, %swap3A_245, %swap3A_246] : memref<2x16x1024xf32, #tpu.memory_space<vmem>> -> memref<1x16x1024xf32, #tpu.memory_space<vmem>>
      %swap3A_248 = tpu.memref_squeeze %swap3A_247 : memref<1x16x1024xf32, #tpu.memory_space<vmem>> -> memref<16x1024xf32, #tpu.memory_space<vmem>>
      %swap3A_249 = arith.index_cast %swap3A_244 : i32 to index
      %swap3A_250 = arith.index_cast %multiple_of3A : i32 to index
      %swap3A_251 = tpu.vector_load %swap3A_248[%swap3A_249, %swap3A_250] {strides = array<i32>} : memref<16x1024xf32, #tpu.memory_space<vmem>>, vector<16xf32>,
      tpu.vector_store %swap3A_248[%swap3A_249, %swap3A_250], %broadcast_in_dim3A_1 {strides = array<i32>} : memref<16x1024xf32, #tpu.memory_space<vmem>>, vector<16xf32>,
      %swap3A_252 = arith.constant 7 : i32
      %swap3A_253 = arith.constant 0 : i32
      %swap3A_254 = arith.constant 0 : i32
      %swap3A_255 = tpu.memref_slice %arg5[%scan3A, %swap3A_253, %swap3A_254] : memref<2x16x1024xf32, #tpu.memory_space<vmem>> -> memref<1x16x1024xf32, #tpu.memory_space<vmem>>
      %swap3A_256 = tpu.memref_squeeze %swap3A_255 : memref<1x16x1024xf32, #tpu.memory_space<vmem>> -> memref<16x1024xf32, #tpu.memory_space<vmem>>
      %swap3A_257 = arith.index_cast %swap3A_252 : i32 to index
      %swap3A_258 = arith.index_cast %multiple_of3A : i32 to index
      %swap3A_259 = tpu.vector_load %swap3A_256[%swap3A_257, %swap3A_258] {strides = array<i32>} : memref<16x1024xf32, #tpu.memory_space<vmem>>, vector<16xf32>,
      tpu.vector_store %swap3A_256[%swap3A_257, %swap3A_258], %broadcast_in_dim3A_1 {strides = array<i32>} : memref<16x1024xf32, #tpu.memory_space<vmem>>, vector<16xf32>,
      %swap3A_260 = arith.constant 8 : i32
      %swap3A_261 = arith.constant 0 : i32
      %swap3A_262 = arith.constant 0 : i32
      %swap3A_263 = tpu.memref_slice %arg5[%scan3A, %swap3A_261, %swap3A_262] : memref<2x16x1024xf32, #tpu.memory_space<vmem>> -> memref<1x16x1024xf32, #tpu.memory_space<vmem>>
      %swap3A_264 = tpu.memref_squeeze %swap3A_263 : memref<1x16x1024xf32, #tpu.memory_space<vmem>> -> memref<16x1024xf32, #tpu.memory_space<vmem>>
      %swap3A_265 = arith.index_cast %swap3A_260 : i32 to index
      %swap3A_266 = arith.index_cast %multiple_of3A : i32 to index
      %swap3A_267 = tpu.vector_load %swap3A_264[%swap3A_265, %swap3A_266] {strides = array<i32>} : memref<16x1024xf32, #tpu.memory_space<vmem>>, vector<16xf32>,
      tpu.vector_store %swap3A_264[%swap3A_265, %swap3A_266], %broadcast_in_dim3A_1 {strides = array<i32>} : memref<16x1024xf32, #tpu.memory_space<vmem>>, vector<16xf32>,
      %swap3A_268 = arith.constant 9 : i32
      %swap3A_269 = arith.constant 0 : i32
      %swap3A_270 = arith.constant 0 : i32
      %swap3A_271 = tpu.memref_slice %arg5[%scan3A, %swap3A_269, %swap3A_270] : memref<2x16x1024xf32, #tpu.memory_space<vmem>> -> memref<1x16x1024xf32, #tpu.memory_space<vmem>>
      %swap3A_272 = tpu.memref_squeeze %swap3A_271 : memref<1x16x1024xf32, #tpu.memory_space<vmem>> -> memref<16x1024xf32, #tpu.memory_space<vmem>>
      %swap3A_273 = arith.index_cast %swap3A_268 : i32 to index
      %swap3A_274 = arith.index_cast %multiple_of3A : i32 to index
      %swap3A_275 = tpu.vector_load %swap3A_272[%swap3A_273, %swap3A_274] {strides = array<i32>} : memref<16x1024xf32, #tpu.memory_space<vmem>>, vector<16xf32>,
      tpu.vector_store %swap3A_272[%swap3A_273, %swap3A_274], %broadcast_in_dim3A_1 {strides = array<i32>} : memref<16x1024xf32, #tpu.memory_space<vmem>>, vector<16xf32>,
      %swap3A_276 = arith.constant 10 : i32
      %swap3A_277 = arith.constant 0 : i32
      %swap3A_278 = arith.constant 0 : i32
      %swap3A_279 = tpu.memref_slice %arg5[%scan3A, %swap3A_277, %swap3A_278] : memref<2x16x1024xf32, #tpu.memory_space<vmem>> -> memref<1x16x1024xf32, #tpu.memory_space<vmem>>
      %swap3A_280 = tpu.memref_squeeze %swap3A_279 : memref<1x16x1024xf32, #tpu.memory_space<vmem>> -> memref<16x1024xf32, #tpu.memory_space<vmem>>
      %swap3A_281 = arith.index_cast %swap3A_276 : i32 to index
      %swap3A_282 = arith.index_cast %multiple_of3A : i32 to index
      %swap3A_283 = tpu.vector_load %swap3A_280[%swap3A_281, %swap3A_282] {strides = array<i32>} : memref<16x1024xf32, #tpu.memory_space<vmem>>, vector<16xf32>,
      tpu.vector_store %swap3A_280[%swap3A_281, %swap3A_282], %broadcast_in_dim3A_1 {strides = array<i32>} : memref<16x1024xf32, #tpu.memory_space<vmem>>, vector<16xf32>,
      %swap3A_284 = arith.constant 11 : i32
      %swap3A_285 = arith.constant 0 : i32
      %swap3A_286 = arith.constant 0 : i32
      %swap3A_287 = tpu.memref_slice %arg5[%scan3A, %swap3A_285, %swap3A_286] : memref<2x16x1024xf32, #tpu.memory_space<vmem>> -> memref<1x16x1024xf32, #tpu.memory_space<vmem>>
      %swap3A_288 = tpu.memref_squeeze %swap3A_287 : memref<1x16x1024xf32, #tpu.memory_space<vmem>> -> memref<16x1024xf32, #tpu.memory_space<vmem>>
      %swap3A_289 = arith.index_cast %swap3A_284 : i32 to index
      %swap3A_290 = arith.index_cast %multiple_of3A : i32 to index
      %swap3A_291 = tpu.vector_load %swap3A_288[%swap3A_289, %swap3A_290] {strides = array<i32>} : memref<16x1024xf32, #tpu.memory_space<vmem>>, vector<16xf32>,
      tpu.vector_store %swap3A_288[%swap3A_289, %swap3A_290], %broadcast_in_dim3A_1 {strides = array<i32>} : memref<16x1024xf32, #tpu.memory_space<vmem>>, vector<16xf32>,
      %swap3A_292 = arith.constant 12 : i32
      %swap3A_293 = arith.constant 0 : i32
      %swap3A_294 = arith.constant 0 : i32
      %swap3A_295 = tpu.memref_slice %arg5[%scan3A, %swap3A_293, %swap3A_294] : memref<2x16x1024xf32, #tpu.memory_space<vmem>> -> memref<1x16x1024xf32, #tpu.memory_space<vmem>>
      %swap3A_296 = tpu.memref_squeeze %swap3A_295 : memref<1x16x1024xf32, #tpu.memory_space<vmem>> -> memref<16x1024xf32, #tpu.memory_space<vmem>>
      %swap3A_297 = arith.index_cast %swap3A_292 : i32 to index
      %swap3A_298 = arith.index_cast %multiple_of3A : i32 to index
      %swap3A_299 = tpu.vector_load %swap3A_296[%swap3A_297, %swap3A_298] {strides = array<i32>} : memref<16x1024xf32, #tpu.memory_space<vmem>>, vector<16xf32>,
      tpu.vector_store %swap3A_296[%swap3A_297, %swap3A_298], %broadcast_in_dim3A_1 {strides = array<i32>} : memref<16x1024xf32, #tpu.memory_space<vmem>>, vector<16xf32>,
      %swap3A_300 = arith.constant 13 : i32
      %swap3A_301 = arith.constant 0 : i32
      %swap3A_302 = arith.constant 0 : i32
      %swap3A_303 = tpu.memref_slice %arg5[%scan3A, %swap3A_301, %swap3A_302] : memref<2x16x1024xf32, #tpu.memory_space<vmem>> -> memref<1x16x1024xf32, #tpu.memory_space<vmem>>
      %swap3A_304 = tpu.memref_squeeze %swap3A_303 : memref<1x16x1024xf32, #tpu.memory_space<vmem>> -> memref<16x1024xf32, #tpu.memory_space<vmem>>
      %swap3A_305 = arith.index_cast %swap3A_300 : i32 to index
      %swap3A_306 = arith.index_cast %multiple_of3A : i32 to index
      %swap3A_307 = tpu.vector_load %swap3A_304[%swap3A_305, %swap3A_306] {strides = array<i32>} : memref<16x1024xf32, #tpu.memory_space<vmem>>, vector<16xf32>,
      tpu.vector_store %swap3A_304[%swap3A_305, %swap3A_306], %broadcast_in_dim3A_1 {strides = array<i32>} : memref<16x1024xf32, #tpu.memory_space<vmem>>, vector<16xf32>,
      %swap3A_308 = arith.constant 14 : i32
      %swap3A_309 = arith.constant 0 : i32
      %swap3A_310 = arith.constant 0 : i32
      %swap3A_311 = tpu.memref_slice %arg5[%scan3A, %swap3A_309, %swap3A_310] : memref<2x16x1024xf32, #tpu.memory_space<vmem>> -> memref<1x16x1024xf32, #tpu.memory_space<vmem>>
      %swap3A_312 = tpu.memref_squeeze %swap3A_311 : memref<1x16x1024xf32, #tpu.memory_space<vmem>> -> memref<16x1024xf32, #tpu.memory_space<vmem>>
      %swap3A_313 = arith.index_cast %swap3A_308 : i32 to index
      %swap3A_314 = arith.index_cast %multiple_of3A : i32 to index
      %swap3A_315 = tpu.vector_load %swap3A_312[%swap3A_313, %swap3A_314] {strides = array<i32>} : memref<16x1024xf32, #tpu.memory_space<vmem>>, vector<16xf32>,
      tpu.vector_store %swap3A_312[%swap3A_313, %swap3A_314], %broadcast_in_dim3A_1 {strides = array<i32>} : memref<16x1024xf32, #tpu.memory_space<vmem>>, vector<16xf32>,
      %swap3A_316 = arith.constant 15 : i32
      %swap3A_317 = arith.constant 0 : i32
      %swap3A_318 = arith.constant 0 : i32
      %swap3A_319 = tpu.memref_slice %arg5[%scan3A, %swap3A_317, %swap3A_318] : memref<2x16x1024xf32, #tpu.memory_space<vmem>> -> memref<1x16x1024xf32, #tpu.memory_space<vmem>>
      %swap3A_320 = tpu.memref_squeeze %swap3A_319 : memref<1x16x1024xf32, #tpu.memory_space<vmem>> -> memref<16x1024xf32, #tpu.memory_space<vmem>>
      %swap3A_321 = arith.index_cast %swap3A_316 : i32 to index
      %swap3A_322 = arith.index_cast %multiple_of3A : i32 to index
      %swap3A_323 = tpu.vector_load %swap3A_320[%swap3A_321, %swap3A_322] {strides = array<i32>} : memref<16x1024xf32, #tpu.memory_space<vmem>>, vector<16xf32>,
      tpu.vector_store %swap3A_320[%swap3A_321, %swap3A_322], %broadcast_in_dim3A_1 {strides = array<i32>} : memref<16x1024xf32, #tpu.memory_space<vmem>>, vector<16xf32>,
      %scan3A_324 = arith.constant 0 : i32
      scf.yield %scan3A_324 : i32
    }
    %scan3A_14 = arith.constant 64 : i32
    %scan3A_15 = arith.constant 0 : i32
    %scan3A_16 = arith.constant 0 : i32
    %scan3A_17 = arith.constant 0 : i32
    %scan3A_18 = arith.constant 64 : i32
    %scan3A_19 = arith.addi %scan3A_17, %scan3A_18 : i32
    %scan3A_20 = arith.constant 4 : i32
    %scan3A_21 = scf.for %scan3A_193 = %scan3A_17 to %scan3A_19 step %scan3A_20 iter_args(%scan3A_194 = %scan3A_16) -> (i32)  : i32 {
      %mul3A_195 = arith.constant 16 : i32
      %mul3A_196 = arith.muli %scan3A_193, %mul3A_195 : i32
      %multiple_of3A = tpu.assume_multiple %mul3A_196, 16 : i32
      %get3A = arith.index_cast %multiple_of3A : i32 to index
      %get3A_197 = tpu.vector_load %arg4[%get3A] {strides = array<i32>} : memref<1024xi32, #tpu.memory_space<vmem>>, vector<16xi32>,
      %scatter3A = arith.constant 0 : i32
      %scatter3A_198 = arith.constant 0 : i32
      %scatter3A_199 = tpu.memref_slice %arg5[%scan3A_15, %scatter3A, %scatter3A_198] : memref<2x16x1024xf32, #tpu.memory_space<vmem>> -> memref<1x16x1024xf32, #tpu.memory_space<vmem>>
      %scatter3A_200 = tpu.memref_squeeze %scatter3A_199 : memref<1x16x1024xf32, #tpu.memory_space<vmem>> -> memref<16x1024xf32, #tpu.memory_space<vmem>>
      tpu.vector_store_idx %scatter3A_200[%iota3A, %get3A_197], %broadcast_in_dim3A_3 {add = true} : memref<16x1024xf32, #tpu.memory_space<vmem>>[vector<16xi32>, vector<16xi32>], vector<16xf32>,
      %scan3A_201 = arith.constant 0 : i32
      %scan3A_202 = arith.constant 1 : i32
      %scan3A_203 = arith.addi %scan3A_193, %scan3A_202 : i32
      %mul3A_204 = arith.constant 16 : i32
      %mul3A_205 = arith.muli %scan3A_203, %mul3A_204 : i32
      %multiple_of3A_206 = tpu.assume_multiple %mul3A_205, 16 : i32
      %get3A_207 = arith.index_cast %multiple_of3A_206 : i32 to index
      %get3A_208 = tpu.vector_load %arg4[%get3A_207] {strides = array<i32>} : memref<1024xi32, #tpu.memory_space<vmem>>, vector<16xi32>,
      %scatter3A_209 = arith.constant 0 : i32
      %scatter3A_210 = arith.constant 0 : i32
      %scatter3A_211 = tpu.memref_slice %arg5[%scan3A_15, %scatter3A_209, %scatter3A_210] : memref<2x16x1024xf32, #tpu.memory_space<vmem>> -> memref<1x16x1024xf32, #tpu.memory_space<vmem>>
      %scatter3A_212 = tpu.memref_squeeze %scatter3A_211 : memref<1x16x1024xf32, #tpu.memory_space<vmem>> -> memref<16x1024xf32, #tpu.memory_space<vmem>>
      tpu.vector_store_idx %scatter3A_212[%iota3A, %get3A_208], %broadcast_in_dim3A_3 {add = true} : memref<16x1024xf32, #tpu.memory_space<vmem>>[vector<16xi32>, vector<16xi32>], vector<16xf32>,
      %scan3A_213 = arith.constant 0 : i32
      %scan3A_214 = arith.constant 2 : i32
      %scan3A_215 = arith.addi %scan3A_193, %scan3A_214 : i32
      %mul3A_216 = arith.constant 16 : i32
      %mul3A_217 = arith.muli %scan3A_215, %mul3A_216 : i32
      %multiple_of3A_218 = tpu.assume_multiple %mul3A_217, 16 : i32
      %get3A_219 = arith.index_cast %multiple_of3A_218 : i32 to index
      %get3A_220 = tpu.vector_load %arg4[%get3A_219] {strides = array<i32>} : memref<1024xi32, #tpu.memory_space<vmem>>, vector<16xi32>,
      %scatter3A_221 = arith.constant 0 : i32
      %scatter3A_222 = arith.constant 0 : i32
      %scatter3A_223 = tpu.memref_slice %arg5[%scan3A_15, %scatter3A_221, %scatter3A_222] : memref<2x16x1024xf32, #tpu.memory_space<vmem>> -> memref<1x16x1024xf32, #tpu.memory_space<vmem>>
      %scatter3A_224 = tpu.memref_squeeze %scatter3A_223 : memref<1x16x1024xf32, #tpu.memory_space<vmem>> -> memref<16x1024xf32, #tpu.memory_space<vmem>>
      tpu.vector_store_idx %scatter3A_224[%iota3A, %get3A_220], %broadcast_in_dim3A_3 {add = true} : memref<16x1024xf32, #tpu.memory_space<vmem>>[vector<16xi32>, vector<16xi32>], vector<16xf32>,
      %scan3A_225 = arith.constant 0 : i32
      %scan3A_226 = arith.constant 3 : i32
      %scan3A_227 = arith.addi %scan3A_193, %scan3A_226 : i32
      %mul3A_228 = arith.constant 16 : i32
      %mul3A_229 = arith.muli %scan3A_227, %mul3A_228 : i32
      %multiple_of3A_230 = tpu.assume_multiple %mul3A_229, 16 : i32
      %get3A_231 = arith.index_cast %multiple_of3A_230 : i32 to index
      %get3A_232 = tpu.vector_load %arg4[%get3A_231] {strides = array<i32>} : memref<1024xi32, #tpu.memory_space<vmem>>, vector<16xi32>,
      %scatter3A_233 = arith.constant 0 : i32
      %scatter3A_234 = arith.constant 0 : i32
      %scatter3A_235 = tpu.memref_slice %arg5[%scan3A_15, %scatter3A_233, %scatter3A_234] : memref<2x16x1024xf32, #tpu.memory_space<vmem>> -> memref<1x16x1024xf32, #tpu.memory_space<vmem>>
      %scatter3A_236 = tpu.memref_squeeze %scatter3A_235 : memref<1x16x1024xf32, #tpu.memory_space<vmem>> -> memref<16x1024xf32, #tpu.memory_space<vmem>>
      tpu.vector_store_idx %scatter3A_236[%iota3A, %get3A_232], %broadcast_in_dim3A_3 {add = true} : memref<16x1024xf32, #tpu.memory_space<vmem>>[vector<16xi32>, vector<16xi32>], vector<16xf32>,
      %scan3A_237 = arith.constant 0 : i32
      scf.yield %scan3A_237 : i32
    }
    %scan3A_22 = arith.constant 64 : i32
    %mul3A_23 = arith.constant 16 : i32
    %mul3A_24 = arith.muli %add3A_7, %mul3A_23 : i32
    %dma_start3A = arith.constant 0 : i32
    %dma_start3A_25 = arith.constant 0 : i32
    %dma_start3A_26 = arith.constant 0 : i32
    %dma_start3A_27 = tpu.memref_slice %arg5[%dma_start3A, %dma_start3A_25, %dma_start3A_26] : memref<2x16x1024xf32, #tpu.memory_space<vmem>> -> memref<1x16x1024xf32, #tpu.memory_space<vmem>>
    %dma_start3A_28 = tpu.memref_squeeze %dma_start3A_27 : memref<1x16x1024xf32, #tpu.memory_space<vmem>> -> memref<16x1024xf32, #tpu.memory_space<vmem>>
    %dma_start3A_29 = arith.constant 0 : i32
    %dma_start3A_30 = tpu.memref_slice %arg3[%mul3A_24, %dma_start3A_29] : memref<2048x1024xf32, #tpu.memory_space<hbm>> -> memref<16x1024xf32, #tpu.memory_space<hbm>>
    %dma_start3A_31 = arith.constant 0 : i32
    %dma_start3A_32 = tpu.memref_slice %arg3[%mul3A_24, %dma_start3A_31] : memref<2048x1024xf32, #tpu.memory_space<hbm>> -> memref<16x1024xf32, #tpu.memory_space<hbm>>
    %dma_start3A_33 = arith.constant 0 : i32
    %dma_start3A_34 = arith.constant 0 : i32
    %dma_start3A_35 = tpu.memref_slice %arg5[%dma_start3A, %dma_start3A_33, %dma_start3A_34] : memref<2x16x1024xf32, #tpu.memory_space<vmem>> -> memref<1x16x1024xf32, #tpu.memory_space<vmem>>
    %dma_start3A_36 = tpu.memref_squeeze %dma_start3A_35 : memref<1x16x1024xf32, #tpu.memory_space<vmem>> -> memref<16x1024xf32, #tpu.memory_space<vmem>>
    tpu.enqueue_dma source(%dma_start3A_36 : memref<16x1024xf32, #tpu.memory_space<vmem>>) target(%dma_start3A_32 : memref<16x1024xf32, #tpu.memory_space<hbm>>) target_semaphore(%arg6 : memref<!tpu.dma_semaphore, #tpu.memory_space<semaphore_mem>>)
    %mul3A_37 = arith.constant 4 : i32
    %mul3A_38 = arith.muli %add3A, %mul3A_37 : i32
    %add3A_39 = arith.constant 1 : i32
    %add3A_40 = arith.addi %mul3A_38, %add3A_39 : i32
    "tpu.region"() ({
      %run_scoped3A = tpu.sem_alloc : memref<!tpu.dma_semaphore, #tpu.memory_space<semaphore_mem>>
      %dma_start3A_193 = arith.constant 0 : i32
      %dma_start3A_194 = tpu.memref_slice %arg2[%add3A_40, %dma_start3A_193] : memref<128x1024xi32, #tpu.memory_space<hbm>> -> memref<1x1024xi32, #tpu.memory_space<hbm>>
      %dma_start3A_195 = tpu.memref_squeeze %dma_start3A_194 : memref<1x1024xi32, #tpu.memory_space<hbm>> -> memref<1024xi32, #tpu.memory_space<hbm>>
      %dma_start3A_196 = arith.constant 0 : i32
      %dma_start3A_197 = tpu.memref_slice %arg2[%add3A_40, %dma_start3A_196] : memref<128x1024xi32, #tpu.memory_space<hbm>> -> memref<1x1024xi32, #tpu.memory_space<hbm>>
      %dma_start3A_198 = tpu.memref_squeeze %dma_start3A_197 : memref<1x1024xi32, #tpu.memory_space<hbm>> -> memref<1024xi32, #tpu.memory_space<hbm>>
      tpu.enqueue_dma source(%dma_start3A_198 : memref<1024xi32, #tpu.memory_space<hbm>>) target(%arg4 : memref<1024xi32, #tpu.memory_space<vmem>>) target_semaphore(%run_scoped3A : memref<!tpu.dma_semaphore, #tpu.memory_space<semaphore_mem>>)
      %dma_wait3A_199 = arith.constant 0 : i32
      %dma_wait3A_200 = tpu.memref_slice %arg2[%add3A_40, %dma_wait3A_199] : memref<128x1024xi32, #tpu.memory_space<hbm>> -> memref<1x1024xi32, #tpu.memory_space<hbm>>
      %dma_wait3A_201 = tpu.memref_squeeze %dma_wait3A_200 : memref<1x1024xi32, #tpu.memory_space<hbm>> -> memref<1024xi32, #tpu.memory_space<hbm>>
      %dma_wait3A_202 = arith.constant 0 : i32
      %dma_wait3A_203 = tpu.memref_slice %arg2[%add3A_40, %dma_wait3A_202] : memref<128x1024xi32, #tpu.memory_space<hbm>> -> memref<1x1024xi32, #tpu.memory_space<hbm>>
      %dma_wait3A_204 = tpu.memref_squeeze %dma_wait3A_203 : memref<1x1024xi32, #tpu.memory_space<hbm>> -> memref<1024xi32, #tpu.memory_space<hbm>>
      tpu.wait_dma2 semaphore(%run_scoped3A : memref<!tpu.dma_semaphore, #tpu.memory_space<semaphore_mem>>) src(%dma_wait3A_204 : memref<1024xi32, #tpu.memory_space<hbm>>) dst(%arg4 : memref<1024xi32, #tpu.memory_space<vmem>>)
      tpu.yield
    }) : () -> ()
    %scan3A_41 = arith.constant 1 : i32
    %scan3A_42 = arith.constant 0 : i32
    %scan3A_43 = arith.constant 0 : i32
    %scan3A_44 = arith.constant 64 : i32
    %scan3A_45 = arith.addi %scan3A_43, %scan3A_44 : i32
    %scan3A_46 = arith.constant 1 : i32
    %scan3A_47 = scf.for %scan3A_193 = %scan3A_43 to %scan3A_45 step %scan3A_46 iter_args(%scan3A_194 = %scan3A_42) -> (i32)  : i32 {
      %mul3A_195 = arith.constant 16 : i32
      %mul3A_196 = arith.muli %scan3A_193, %mul3A_195 : i32
      %multiple_of3A = tpu.assume_multiple %mul3A_196, 16 : i32
      %swap3A = arith.constant 0 : i32
      %swap3A_197 = arith.constant 0 : i32
      %swap3A_198 = arith.constant 0 : i32
      %swap3A_199 = tpu.memref_slice %arg5[%scan3A_41, %swap3A_197, %swap3A_198] : memref<2x16x1024xf32, #tpu.memory_space<vmem>> -> memref<1x16x1024xf32, #tpu.memory_space<vmem>>
      %swap3A_200 = tpu.memref_squeeze %swap3A_199 : memref<1x16x1024xf32, #tpu.memory_space<vmem>> -> memref<16x1024xf32, #tpu.memory_space<vmem>>
      %swap3A_201 = arith.index_cast %swap3A : i32 to index
      %swap3A_202 = arith.index_cast %multiple_of3A : i32 to index
      %swap3A_203 = tpu.vector_load %swap3A_200[%swap3A_201, %swap3A_202] {strides = array<i32>} : memref<16x1024xf32, #tpu.memory_space<vmem>>, vector<16xf32>,
      tpu.vector_store %swap3A_200[%swap3A_201, %swap3A_202], %broadcast_in_dim3A_1 {strides = array<i32>} : memref<16x1024xf32, #tpu.memory_space<vmem>>, vector<16xf32>,
      %swap3A_204 = arith.constant 1 : i32
      %swap3A_205 = arith.constant 0 : i32
      %swap3A_206 = arith.constant 0 : i32
      %swap3A_207 = tpu.memref_slice %arg5[%scan3A_41, %swap3A_205, %swap3A_206] : memref<2x16x1024xf32, #tpu.memory_space<vmem>> -> memref<1x16x1024xf32, #tpu.memory_space<vmem>>
      %swap3A_208 = tpu.memref_squeeze %swap3A_207 : memref<1x16x1024xf32, #tpu.memory_space<vmem>> -> memref<16x1024xf32, #tpu.memory_space<vmem>>
      %swap3A_209 = arith.index_cast %swap3A_204 : i32 to index
      %swap3A_210 = arith.index_cast %multiple_of3A : i32 to index
      %swap3A_211 = tpu.vector_load %swap3A_208[%swap3A_209, %swap3A_210] {strides = array<i32>} : memref<16x1024xf32, #tpu.memory_space<vmem>>, vector<16xf32>,
      tpu.vector_store %swap3A_208[%swap3A_209, %swap3A_210], %broadcast_in_dim3A_1 {strides = array<i32>} : memref<16x1024xf32, #tpu.memory_space<vmem>>, vector<16xf32>,
      %swap3A_212 = arith.constant 2 : i32
      %swap3A_213 = arith.constant 0 : i32
      %swap3A_214 = arith.constant 0 : i32
      %swap3A_215 = tpu.memref_slice %arg5[%scan3A_41, %swap3A_213, %swap3A_214] : memref<2x16x1024xf32, #tpu.memory_space<vmem>> -> memref<1x16x1024xf32, #tpu.memory_space<vmem>>
      %swap3A_216 = tpu.memref_squeeze %swap3A_215 : memref<1x16x1024xf32, #tpu.memory_space<vmem>> -> memref<16x1024xf32, #tpu.memory_space<vmem>>
      %swap3A_217 = arith.index_cast %swap3A_212 : i32 to index
      %swap3A_218 = arith.index_cast %multiple_of3A : i32 to index
      %swap3A_219 = tpu.vector_load %swap3A_216[%swap3A_217, %swap3A_218] {strides = array<i32>} : memref<16x1024xf32, #tpu.memory_space<vmem>>, vector<16xf32>,
      tpu.vector_store %swap3A_216[%swap3A_217, %swap3A_218], %broadcast_in_dim3A_1 {strides = array<i32>} : memref<16x1024xf32, #tpu.memory_space<vmem>>, vector<16xf32>,
      %swap3A_220 = arith.constant 3 : i32
      %swap3A_221 = arith.constant 0 : i32
      %swap3A_222 = arith.constant 0 : i32
      %swap3A_223 = tpu.memref_slice %arg5[%scan3A_41, %swap3A_221, %swap3A_222] : memref<2x16x1024xf32, #tpu.memory_space<vmem>> -> memref<1x16x1024xf32, #tpu.memory_space<vmem>>
      %swap3A_224 = tpu.memref_squeeze %swap3A_223 : memref<1x16x1024xf32, #tpu.memory_space<vmem>> -> memref<16x1024xf32, #tpu.memory_space<vmem>>
      %swap3A_225 = arith.index_cast %swap3A_220 : i32 to index
      %swap3A_226 = arith.index_cast %multiple_of3A : i32 to index
      %swap3A_227 = tpu.vector_load %swap3A_224[%swap3A_225, %swap3A_226] {strides = array<i32>} : memref<16x1024xf32, #tpu.memory_space<vmem>>, vector<16xf32>,
      tpu.vector_store %swap3A_224[%swap3A_225, %swap3A_226], %broadcast_in_dim3A_1 {strides = array<i32>} : memref<16x1024xf32, #tpu.memory_space<vmem>>, vector<16xf32>,
      %swap3A_228 = arith.constant 4 : i32
      %swap3A_229 = arith.constant 0 : i32
      %swap3A_230 = arith.constant 0 : i32
      %swap3A_231 = tpu.memref_slice %arg5[%scan3A_41, %swap3A_229, %swap3A_230] : memref<2x16x1024xf32, #tpu.memory_space<vmem>> -> memref<1x16x1024xf32, #tpu.memory_space<vmem>>
      %swap3A_232 = tpu.memref_squeeze %swap3A_231 : memref<1x16x1024xf32, #tpu.memory_space<vmem>> -> memref<16x1024xf32, #tpu.memory_space<vmem>>
      %swap3A_233 = arith.index_cast %swap3A_228 : i32 to index
      %swap3A_234 = arith.index_cast %multiple_of3A : i32 to index
      %swap3A_235 = tpu.vector_load %swap3A_232[%swap3A_233, %swap3A_234] {strides = array<i32>} : memref<16x1024xf32, #tpu.memory_space<vmem>>, vector<16xf32>,
      tpu.vector_store %swap3A_232[%swap3A_233, %swap3A_234], %broadcast_in_dim3A_1 {strides = array<i32>} : memref<16x1024xf32, #tpu.memory_space<vmem>>, vector<16xf32>,
      %swap3A_236 = arith.constant 5 : i32
      %swap3A_237 = arith.constant 0 : i32
      %swap3A_238 = arith.constant 0 : i32
      %swap3A_239 = tpu.memref_slice %arg5[%scan3A_41, %swap3A_237, %swap3A_238] : memref<2x16x1024xf32, #tpu.memory_space<vmem>> -> memref<1x16x1024xf32, #tpu.memory_space<vmem>>
      %swap3A_240 = tpu.memref_squeeze %swap3A_239 : memref<1x16x1024xf32, #tpu.memory_space<vmem>> -> memref<16x1024xf32, #tpu.memory_space<vmem>>
      %swap3A_241 = arith.index_cast %swap3A_236 : i32 to index
      %swap3A_242 = arith.index_cast %multiple_of3A : i32 to index
      %swap3A_243 = tpu.vector_load %swap3A_240[%swap3A_241, %swap3A_242] {strides = array<i32>} : memref<16x1024xf32, #tpu.memory_space<vmem>>, vector<16xf32>,
      tpu.vector_store %swap3A_240[%swap3A_241, %swap3A_242], %broadcast_in_dim3A_1 {strides = array<i32>} : memref<16x1024xf32, #tpu.memory_space<vmem>>, vector<16xf32>,
      %swap3A_244 = arith.constant 6 : i32
      %swap3A_245 = arith.constant 0 : i32
      %swap3A_246 = arith.constant 0 : i32
      %swap3A_247 = tpu.memref_slice %arg5[%scan3A_41, %swap3A_245, %swap3A_246] : memref<2x16x1024xf32, #tpu.memory_space<vmem>> -> memref<1x16x1024xf32, #tpu.memory_space<vmem>>
      %swap3A_248 = tpu.memref_squeeze %swap3A_247 : memref<1x16x1024xf32, #tpu.memory_space<vmem>> -> memref<16x1024xf32, #tpu.memory_space<vmem>>
      %swap3A_249 = arith.index_cast %swap3A_244 : i32 to index
      %swap3A_250 = arith.index_cast %multiple_of3A : i32 to index
      %swap3A_251 = tpu.vector_load %swap3A_248[%swap3A_249, %swap3A_250] {strides = array<i32>} : memref<16x1024xf32, #tpu.memory_space<vmem>>, vector<16xf32>,
      tpu.vector_store %swap3A_248[%swap3A_249, %swap3A_250], %broadcast_in_dim3A_1 {strides = array<i32>} : memref<16x1024xf32, #tpu.memory_space<vmem>>, vector<16xf32>,
      %swap3A_252 = arith.constant 7 : i32
      %swap3A_253 = arith.constant 0 : i32
      %swap3A_254 = arith.constant 0 : i32
      %swap3A_255 = tpu.memref_slice %arg5[%scan3A_41, %swap3A_253, %swap3A_254] : memref<2x16x1024xf32, #tpu.memory_space<vmem>> -> memref<1x16x1024xf32, #tpu.memory_space<vmem>>
      %swap3A_256 = tpu.memref_squeeze %swap3A_255 : memref<1x16x1024xf32, #tpu.memory_space<vmem>> -> memref<16x1024xf32, #tpu.memory_space<vmem>>
      %swap3A_257 = arith.index_cast %swap3A_252 : i32 to index
      %swap3A_258 = arith.index_cast %multiple_of3A : i32 to index
      %swap3A_259 = tpu.vector_load %swap3A_256[%swap3A_257, %swap3A_258] {strides = array<i32>} : memref<16x1024xf32, #tpu.memory_space<vmem>>, vector<16xf32>,
      tpu.vector_store %swap3A_256[%swap3A_257, %swap3A_258], %broadcast_in_dim3A_1 {strides = array<i32>} : memref<16x1024xf32, #tpu.memory_space<vmem>>, vector<16xf32>,
      %swap3A_260 = arith.constant 8 : i32
      %swap3A_261 = arith.constant 0 : i32
      %swap3A_262 = arith.constant 0 : i32
      %swap3A_263 = tpu.memref_slice %arg5[%scan3A_41, %swap3A_261, %swap3A_262] : memref<2x16x1024xf32, #tpu.memory_space<vmem>> -> memref<1x16x1024xf32, #tpu.memory_space<vmem>>
      %swap3A_264 = tpu.memref_squeeze %swap3A_263 : memref<1x16x1024xf32, #tpu.memory_space<vmem>> -> memref<16x1024xf32, #tpu.memory_space<vmem>>
      %swap3A_265 = arith.index_cast %swap3A_260 : i32 to index
      %swap3A_266 = arith.index_cast %multiple_of3A : i32 to index
      %swap3A_267 = tpu.vector_load %swap3A_264[%swap3A_265, %swap3A_266] {strides = array<i32>} : memref<16x1024xf32, #tpu.memory_space<vmem>>, vector<16xf32>,
      tpu.vector_store %swap3A_264[%swap3A_265, %swap3A_266], %broadcast_in_dim3A_1 {strides = array<i32>} : memref<16x1024xf32, #tpu.memory_space<vmem>>, vector<16xf32>,
      %swap3A_268 = arith.constant 9 : i32
      %swap3A_269 = arith.constant 0 : i32
      %swap3A_270 = arith.constant 0 : i32
      %swap3A_271 = tpu.memref_slice %arg5[%scan3A_41, %swap3A_269, %swap3A_270] : memref<2x16x1024xf32, #tpu.memory_space<vmem>> -> memref<1x16x1024xf32, #tpu.memory_space<vmem>>
      %swap3A_272 = tpu.memref_squeeze %swap3A_271 : memref<1x16x1024xf32, #tpu.memory_space<vmem>> -> memref<16x1024xf32, #tpu.memory_space<vmem>>
      %swap3A_273 = arith.index_cast %swap3A_268 : i32 to index
      %swap3A_274 = arith.index_cast %multiple_of3A : i32 to index
      %swap3A_275 = tpu.vector_load %swap3A_272[%swap3A_273, %swap3A_274] {strides = array<i32>} : memref<16x1024xf32, #tpu.memory_space<vmem>>, vector<16xf32>,
      tpu.vector_store %swap3A_272[%swap3A_273, %swap3A_274], %broadcast_in_dim3A_1 {strides = array<i32>} : memref<16x1024xf32, #tpu.memory_space<vmem>>, vector<16xf32>,
      %swap3A_276 = arith.constant 10 : i32
      %swap3A_277 = arith.constant 0 : i32
      %swap3A_278 = arith.constant 0 : i32
      %swap3A_279 = tpu.memref_slice %arg5[%scan3A_41, %swap3A_277, %swap3A_278] : memref<2x16x1024xf32, #tpu.memory_space<vmem>> -> memref<1x16x1024xf32, #tpu.memory_space<vmem>>
      %swap3A_280 = tpu.memref_squeeze %swap3A_279 : memref<1x16x1024xf32, #tpu.memory_space<vmem>> -> memref<16x1024xf32, #tpu.memory_space<vmem>>
      %swap3A_281 = arith.index_cast %swap3A_276 : i32 to index
      %swap3A_282 = arith.index_cast %multiple_of3A : i32 to index
      %swap3A_283 = tpu.vector_load %swap3A_280[%swap3A_281, %swap3A_282] {strides = array<i32>} : memref<16x1024xf32, #tpu.memory_space<vmem>>, vector<16xf32>,
      tpu.vector_store %swap3A_280[%swap3A_281, %swap3A_282], %broadcast_in_dim3A_1 {strides = array<i32>} : memref<16x1024xf32, #tpu.memory_space<vmem>>, vector<16xf32>,
      %swap3A_284 = arith.constant 11 : i32
      %swap3A_285 = arith.constant 0 : i32
      %swap3A_286 = arith.constant 0 : i32
      %swap3A_287 = tpu.memref_slice %arg5[%scan3A_41, %swap3A_285, %swap3A_286] : memref<2x16x1024xf32, #tpu.memory_space<vmem>> -> memref<1x16x1024xf32, #tpu.memory_space<vmem>>
      %swap3A_288 = tpu.memref_squeeze %swap3A_287 : memref<1x16x1024xf32, #tpu.memory_space<vmem>> -> memref<16x1024xf32, #tpu.memory_space<vmem>>
      %swap3A_289 = arith.index_cast %swap3A_284 : i32 to index
      %swap3A_290 = arith.index_cast %multiple_of3A : i32 to index
      %swap3A_291 = tpu.vector_load %swap3A_288[%swap3A_289, %swap3A_290] {strides = array<i32>} : memref<16x1024xf32, #tpu.memory_space<vmem>>, vector<16xf32>,
      tpu.vector_store %swap3A_288[%swap3A_289, %swap3A_290], %broadcast_in_dim3A_1 {strides = array<i32>} : memref<16x1024xf32, #tpu.memory_space<vmem>>, vector<16xf32>,
      %swap3A_292 = arith.constant 12 : i32
      %swap3A_293 = arith.constant 0 : i32
      %swap3A_294 = arith.constant 0 : i32
      %swap3A_295 = tpu.memref_slice %arg5[%scan3A_41, %swap3A_293, %swap3A_294] : memref<2x16x1024xf32, #tpu.memory_space<vmem>> -> memref<1x16x1024xf32, #tpu.memory_space<vmem>>
      %swap3A_296 = tpu.memref_squeeze %swap3A_295 : memref<1x16x1024xf32, #tpu.memory_space<vmem>> -> memref<16x1024xf32, #tpu.memory_space<vmem>>
      %swap3A_297 = arith.index_cast %swap3A_292 : i32 to index
      %swap3A_298 = arith.index_cast %multiple_of3A : i32 to index
      %swap3A_299 = tpu.vector_load %swap3A_296[%swap3A_297, %swap3A_298] {strides = array<i32>} : memref<16x1024xf32, #tpu.memory_space<vmem>>, vector<16xf32>,
      tpu.vector_store %swap3A_296[%swap3A_297, %swap3A_298], %broadcast_in_dim3A_1 {strides = array<i32>} : memref<16x1024xf32, #tpu.memory_space<vmem>>, vector<16xf32>,
      %swap3A_300 = arith.constant 13 : i32
      %swap3A_301 = arith.constant 0 : i32
      %swap3A_302 = arith.constant 0 : i32
      %swap3A_303 = tpu.memref_slice %arg5[%scan3A_41, %swap3A_301, %swap3A_302] : memref<2x16x1024xf32, #tpu.memory_space<vmem>> -> memref<1x16x1024xf32, #tpu.memory_space<vmem>>
      %swap3A_304 = tpu.memref_squeeze %swap3A_303 : memref<1x16x1024xf32, #tpu.memory_space<vmem>> -> memref<16x1024xf32, #tpu.memory_space<vmem>>
      %swap3A_305 = arith.index_cast %swap3A_300 : i32 to index
      %swap3A_306 = arith.index_cast %multiple_of3A : i32 to index
      %swap3A_307 = tpu.vector_load %swap3A_304[%swap3A_305, %swap3A_306] {strides = array<i32>} : memref<16x1024xf32, #tpu.memory_space<vmem>>, vector<16xf32>,
      tpu.vector_store %swap3A_304[%swap3A_305, %swap3A_306], %broadcast_in_dim3A_1 {strides = array<i32>} : memref<16x1024xf32, #tpu.memory_space<vmem>>, vector<16xf32>,
      %swap3A_308 = arith.constant 14 : i32
      %swap3A_309 = arith.constant 0 : i32
      %swap3A_310 = arith.constant 0 : i32
      %swap3A_311 = tpu.memref_slice %arg5[%scan3A_41, %swap3A_309, %swap3A_310] : memref<2x16x1024xf32, #tpu.memory_space<vmem>> -> memref<1x16x1024xf32, #tpu.memory_space<vmem>>
      %swap3A_312 = tpu.memref_squeeze %swap3A_311 : memref<1x16x1024xf32, #tpu.memory_space<vmem>> -> memref<16x1024xf32, #tpu.memory_space<vmem>>
      %swap3A_313 = arith.index_cast %swap3A_308 : i32 to index
      %swap3A_314 = arith.index_cast %multiple_of3A : i32 to index
      %swap3A_315 = tpu.vector_load %swap3A_312[%swap3A_313, %swap3A_314] {strides = array<i32>} : memref<16x1024xf32, #tpu.memory_space<vmem>>, vector<16xf32>,
      tpu.vector_store %swap3A_312[%swap3A_313, %swap3A_314], %broadcast_in_dim3A_1 {strides = array<i32>} : memref<16x1024xf32, #tpu.memory_space<vmem>>, vector<16xf32>,
      %swap3A_316 = arith.constant 15 : i32
      %swap3A_317 = arith.constant 0 : i32
      %swap3A_318 = arith.constant 0 : i32
      %swap3A_319 = tpu.memref_slice %arg5[%scan3A_41, %swap3A_317, %swap3A_318] : memref<2x16x1024xf32, #tpu.memory_space<vmem>> -> memref<1x16x1024xf32, #tpu.memory_space<vmem>>
      %swap3A_320 = tpu.memref_squeeze %swap3A_319 : memref<1x16x1024xf32, #tpu.memory_space<vmem>> -> memref<16x1024xf32, #tpu.memory_space<vmem>>
      %swap3A_321 = arith.index_cast %swap3A_316 : i32 to index
      %swap3A_322 = arith.index_cast %multiple_of3A : i32 to index
      %swap3A_323 = tpu.vector_load %swap3A_320[%swap3A_321, %swap3A_322] {strides = array<i32>} : memref<16x1024xf32, #tpu.memory_space<vmem>>, vector<16xf32>,
      tpu.vector_store %swap3A_320[%swap3A_321, %swap3A_322], %broadcast_in_dim3A_1 {strides = array<i32>} : memref<16x1024xf32, #tpu.memory_space<vmem>>, vector<16xf32>,
      %scan3A_324 = arith.constant 0 : i32
      scf.yield %scan3A_324 : i32
    }
    %scan3A_48 = arith.constant 64 : i32
    %scan3A_49 = arith.constant 1 : i32
    %scan3A_50 = arith.constant 0 : i32
    %scan3A_51 = arith.constant 0 : i32
    %scan3A_52 = arith.constant 64 : i32
    %scan3A_53 = arith.addi %scan3A_51, %scan3A_52 : i32
    %scan3A_54 = arith.constant 4 : i32
    %scan3A_55 = scf.for %scan3A_193 = %scan3A_51 to %scan3A_53 step %scan3A_54 iter_args(%scan3A_194 = %scan3A_50) -> (i32)  : i32 {
      %mul3A_195 = arith.constant 16 : i32
      %mul3A_196 = arith.muli %scan3A_193, %mul3A_195 : i32
      %multiple_of3A = tpu.assume_multiple %mul3A_196, 16 : i32
      %get3A = arith.index_cast %multiple_of3A : i32 to index
      %get3A_197 = tpu.vector_load %arg4[%get3A] {strides = array<i32>} : memref<1024xi32, #tpu.memory_space<vmem>>, vector<16xi32>,
      %scatter3A = arith.constant 0 : i32
      %scatter3A_198 = arith.constant 0 : i32
      %scatter3A_199 = tpu.memref_slice %arg5[%scan3A_49, %scatter3A, %scatter3A_198] : memref<2x16x1024xf32, #tpu.memory_space<vmem>> -> memref<1x16x1024xf32, #tpu.memory_space<vmem>>
      %scatter3A_200 = tpu.memref_squeeze %scatter3A_199 : memref<1x16x1024xf32, #tpu.memory_space<vmem>> -> memref<16x1024xf32, #tpu.memory_space<vmem>>
      tpu.vector_store_idx %scatter3A_200[%iota3A, %get3A_197], %broadcast_in_dim3A_3 {add = true} : memref<16x1024xf32, #tpu.memory_space<vmem>>[vector<16xi32>, vector<16xi32>], vector<16xf32>,
      %scan3A_201 = arith.constant 0 : i32
      %scan3A_202 = arith.constant 1 : i32
      %scan3A_203 = arith.addi %scan3A_193, %scan3A_202 : i32
      %mul3A_204 = arith.constant 16 : i32
      %mul3A_205 = arith.muli %scan3A_203, %mul3A_204 : i32
      %multiple_of3A_206 = tpu.assume_multiple %mul3A_205, 16 : i32
      %get3A_207 = arith.index_cast %multiple_of3A_206 : i32 to index
      %get3A_208 = tpu.vector_load %arg4[%get3A_207] {strides = array<i32>} : memref<1024xi32, #tpu.memory_space<vmem>>, vector<16xi32>,
      %scatter3A_209 = arith.constant 0 : i32
      %scatter3A_210 = arith.constant 0 : i32
      %scatter3A_211 = tpu.memref_slice %arg5[%scan3A_49, %scatter3A_209, %scatter3A_210] : memref<2x16x1024xf32, #tpu.memory_space<vmem>> -> memref<1x16x1024xf32, #tpu.memory_space<vmem>>
      %scatter3A_212 = tpu.memref_squeeze %scatter3A_211 : memref<1x16x1024xf32, #tpu.memory_space<vmem>> -> memref<16x1024xf32, #tpu.memory_space<vmem>>
      tpu.vector_store_idx %scatter3A_212[%iota3A, %get3A_208], %broadcast_in_dim3A_3 {add = true} : memref<16x1024xf32, #tpu.memory_space<vmem>>[vector<16xi32>, vector<16xi32>], vector<16xf32>,
      %scan3A_213 = arith.constant 0 : i32
      %scan3A_214 = arith.constant 2 : i32
      %scan3A_215 = arith.addi %scan3A_193, %scan3A_214 : i32
      %mul3A_216 = arith.constant 16 : i32
      %mul3A_217 = arith.muli %scan3A_215, %mul3A_216 : i32
      %multiple_of3A_218 = tpu.assume_multiple %mul3A_217, 16 : i32
      %get3A_219 = arith.index_cast %multiple_of3A_218 : i32 to index
      %get3A_220 = tpu.vector_load %arg4[%get3A_219] {strides = array<i32>} : memref<1024xi32, #tpu.memory_space<vmem>>, vector<16xi32>,
      %scatter3A_221 = arith.constant 0 : i32
      %scatter3A_222 = arith.constant 0 : i32
      %scatter3A_223 = tpu.memref_slice %arg5[%scan3A_49, %scatter3A_221, %scatter3A_222] : memref<2x16x1024xf32, #tpu.memory_space<vmem>> -> memref<1x16x1024xf32, #tpu.memory_space<vmem>>
      %scatter3A_224 = tpu.memref_squeeze %scatter3A_223 : memref<1x16x1024xf32, #tpu.memory_space<vmem>> -> memref<16x1024xf32, #tpu.memory_space<vmem>>
      tpu.vector_store_idx %scatter3A_224[%iota3A, %get3A_220], %broadcast_in_dim3A_3 {add = true} : memref<16x1024xf32, #tpu.memory_space<vmem>>[vector<16xi32>, vector<16xi32>], vector<16xf32>,
      %scan3A_225 = arith.constant 0 : i32
      %scan3A_226 = arith.constant 3 : i32
      %scan3A_227 = arith.addi %scan3A_193, %scan3A_226 : i32
      %mul3A_228 = arith.constant 16 : i32
      %mul3A_229 = arith.muli %scan3A_227, %mul3A_228 : i32
      %multiple_of3A_230 = tpu.assume_multiple %mul3A_229, 16 : i32
      %get3A_231 = arith.index_cast %multiple_of3A_230 : i32 to index
      %get3A_232 = tpu.vector_load %arg4[%get3A_231] {strides = array<i32>} : memref<1024xi32, #tpu.memory_space<vmem>>, vector<16xi32>,
      %scatter3A_233 = arith.constant 0 : i32
      %scatter3A_234 = arith.constant 0 : i32
      %scatter3A_235 = tpu.memref_slice %arg5[%scan3A_49, %scatter3A_233, %scatter3A_234] : memref<2x16x1024xf32, #tpu.memory_space<vmem>> -> memref<1x16x1024xf32, #tpu.memory_space<vmem>>
      %scatter3A_236 = tpu.memref_squeeze %scatter3A_235 : memref<1x16x1024xf32, #tpu.memory_space<vmem>> -> memref<16x1024xf32, #tpu.memory_space<vmem>>
      tpu.vector_store_idx %scatter3A_236[%iota3A, %get3A_232], %broadcast_in_dim3A_3 {add = true} : memref<16x1024xf32, #tpu.memory_space<vmem>>[vector<16xi32>, vector<16xi32>], vector<16xf32>,
      %scan3A_237 = arith.constant 0 : i32
      scf.yield %scan3A_237 : i32
    }
    %scan3A_56 = arith.constant 64 : i32
    %mul3A_57 = arith.constant 16 : i32
    %mul3A_58 = arith.muli %add3A_40, %mul3A_57 : i32
    %dma_start3A_59 = arith.constant 1 : i32
    %dma_start3A_60 = arith.constant 0 : i32
    %dma_start3A_61 = arith.constant 0 : i32
    %dma_start3A_62 = tpu.memref_slice %arg5[%dma_start3A_59, %dma_start3A_60, %dma_start3A_61] : memref<2x16x1024xf32, #tpu.memory_space<vmem>> -> memref<1x16x1024xf32, #tpu.memory_space<vmem>>
    %dma_start3A_63 = tpu.memref_squeeze %dma_start3A_62 : memref<1x16x1024xf32, #tpu.memory_space<vmem>> -> memref<16x1024xf32, #tpu.memory_space<vmem>>
    %dma_start3A_64 = arith.constant 0 : i32
    %dma_start3A_65 = tpu.memref_slice %arg3[%mul3A_58, %dma_start3A_64] : memref<2048x1024xf32, #tpu.memory_space<hbm>> -> memref<16x1024xf32, #tpu.memory_space<hbm>>
    %dma_start3A_66 = arith.constant 0 : i32
    %dma_start3A_67 = tpu.memref_slice %arg3[%mul3A_58, %dma_start3A_66] : memref<2048x1024xf32, #tpu.memory_space<hbm>> -> memref<16x1024xf32, #tpu.memory_space<hbm>>
    %dma_start3A_68 = arith.constant 0 : i32
    %dma_start3A_69 = arith.constant 0 : i32
    %dma_start3A_70 = tpu.memref_slice %arg5[%dma_start3A_59, %dma_start3A_68, %dma_start3A_69] : memref<2x16x1024xf32, #tpu.memory_space<vmem>> -> memref<1x16x1024xf32, #tpu.memory_space<vmem>>
    %dma_start3A_71 = tpu.memref_squeeze %dma_start3A_70 : memref<1x16x1024xf32, #tpu.memory_space<vmem>> -> memref<16x1024xf32, #tpu.memory_space<vmem>>
    tpu.enqueue_dma source(%dma_start3A_71 : memref<16x1024xf32, #tpu.memory_space<vmem>>) target(%dma_start3A_67 : memref<16x1024xf32, #tpu.memory_space<hbm>>) target_semaphore(%arg7 : memref<!tpu.dma_semaphore, #tpu.memory_space<semaphore_mem>>)
    %dma_wait3A = arith.constant 0 : i32
    %dma_wait3A_72 = arith.constant 0 : i32
    %dma_wait3A_73 = arith.constant 0 : i32
    %dma_wait3A_74 = tpu.memref_slice %arg5[%dma_wait3A, %dma_wait3A_72, %dma_wait3A_73] : memref<2x16x1024xf32, #tpu.memory_space<vmem>> -> memref<1x16x1024xf32, #tpu.memory_space<vmem>>
    %dma_wait3A_75 = tpu.memref_squeeze %dma_wait3A_74 : memref<1x16x1024xf32, #tpu.memory_space<vmem>> -> memref<16x1024xf32, #tpu.memory_space<vmem>>
    %dma_wait3A_76 = arith.constant 0 : i32
    %dma_wait3A_77 = tpu.memref_slice %arg3[%mul3A_24, %dma_wait3A_76] : memref<2048x1024xf32, #tpu.memory_space<hbm>> -> memref<16x1024xf32, #tpu.memory_space<hbm>>
    %dma_wait3A_78 = arith.constant 0 : i32
    %dma_wait3A_79 = tpu.memref_slice %arg3[%mul3A_24, %dma_wait3A_78] : memref<2048x1024xf32, #tpu.memory_space<hbm>> -> memref<16x1024xf32, #tpu.memory_space<hbm>>
    %dma_wait3A_80 = arith.constant 0 : i32
    %dma_wait3A_81 = arith.constant 0 : i32
    %dma_wait3A_82 = tpu.memref_slice %arg5[%dma_wait3A, %dma_wait3A_80, %dma_wait3A_81] : memref<2x16x1024xf32, #tpu.memory_space<vmem>> -> memref<1x16x1024xf32, #tpu.memory_space<vmem>>
    %dma_wait3A_83 = tpu.memref_squeeze %dma_wait3A_82 : memref<1x16x1024xf32, #tpu.memory_space<vmem>> -> memref<16x1024xf32, #tpu.memory_space<vmem>>
    tpu.wait_dma2 semaphore(%arg6 : memref<!tpu.dma_semaphore, #tpu.memory_space<semaphore_mem>>) src(%dma_wait3A_83 : memref<16x1024xf32, #tpu.memory_space<vmem>>) dst(%dma_wait3A_79 : memref<16x1024xf32, #tpu.memory_space<hbm>>)
    %mul3A_84 = arith.constant 4 : i32
    %mul3A_85 = arith.muli %add3A, %mul3A_84 : i32
    %add3A_86 = arith.constant 2 : i32
    %add3A_87 = arith.addi %mul3A_85, %add3A_86 : i32
    "tpu.region"() ({
      %run_scoped3A = tpu.sem_alloc : memref<!tpu.dma_semaphore, #tpu.memory_space<semaphore_mem>>
      %dma_start3A_193 = arith.constant 0 : i32
      %dma_start3A_194 = tpu.memref_slice %arg2[%add3A_87, %dma_start3A_193] : memref<128x1024xi32, #tpu.memory_space<hbm>> -> memref<1x1024xi32, #tpu.memory_space<hbm>>
      %dma_start3A_195 = tpu.memref_squeeze %dma_start3A_194 : memref<1x1024xi32, #tpu.memory_space<hbm>> -> memref<1024xi32, #tpu.memory_space<hbm>>
      %dma_start3A_196 = arith.constant 0 : i32
      %dma_start3A_197 = tpu.memref_slice %arg2[%add3A_87, %dma_start3A_196] : memref<128x1024xi32, #tpu.memory_space<hbm>> -> memref<1x1024xi32, #tpu.memory_space<hbm>>
      %dma_start3A_198 = tpu.memref_squeeze %dma_start3A_197 : memref<1x1024xi32, #tpu.memory_space<hbm>> -> memref<1024xi32, #tpu.memory_space<hbm>>
      tpu.enqueue_dma source(%dma_start3A_198 : memref<1024xi32, #tpu.memory_space<hbm>>) target(%arg4 : memref<1024xi32, #tpu.memory_space<vmem>>) target_semaphore(%run_scoped3A : memref<!tpu.dma_semaphore, #tpu.memory_space<semaphore_mem>>)
      %dma_wait3A_199 = arith.constant 0 : i32
      %dma_wait3A_200 = tpu.memref_slice %arg2[%add3A_87, %dma_wait3A_199] : memref<128x1024xi32, #tpu.memory_space<hbm>> -> memref<1x1024xi32, #tpu.memory_space<hbm>>
      %dma_wait3A_201 = tpu.memref_squeeze %dma_wait3A_200 : memref<1x1024xi32, #tpu.memory_space<hbm>> -> memref<1024xi32, #tpu.memory_space<hbm>>
      %dma_wait3A_202 = arith.constant 0 : i32
      %dma_wait3A_203 = tpu.memref_slice %arg2[%add3A_87, %dma_wait3A_202] : memref<128x1024xi32, #tpu.memory_space<hbm>> -> memref<1x1024xi32, #tpu.memory_space<hbm>>
      %dma_wait3A_204 = tpu.memref_squeeze %dma_wait3A_203 : memref<1x1024xi32, #tpu.memory_space<hbm>> -> memref<1024xi32, #tpu.memory_space<hbm>>
      tpu.wait_dma2 semaphore(%run_scoped3A : memref<!tpu.dma_semaphore, #tpu.memory_space<semaphore_mem>>) src(%dma_wait3A_204 : memref<1024xi32, #tpu.memory_space<hbm>>) dst(%arg4 : memref<1024xi32, #tpu.memory_space<vmem>>)
      tpu.yield
    }) : () -> ()
    %scan3A_88 = arith.constant 0 : i32
    %scan3A_89 = arith.constant 0 : i32
    %scan3A_90 = arith.constant 0 : i32
    %scan3A_91 = arith.constant 64 : i32
    %scan3A_92 = arith.addi %scan3A_90, %scan3A_91 : i32
    %scan3A_93 = arith.constant 1 : i32
    %scan3A_94 = scf.for %scan3A_193 = %scan3A_90 to %scan3A_92 step %scan3A_93 iter_args(%scan3A_194 = %scan3A_89) -> (i32)  : i32 {
      %mul3A_195 = arith.constant 16 : i32
      %mul3A_196 = arith.muli %scan3A_193, %mul3A_195 : i32
      %multiple_of3A = tpu.assume_multiple %mul3A_196, 16 : i32
      %swap3A = arith.constant 0 : i32
      %swap3A_197 = arith.constant 0 : i32
      %swap3A_198 = arith.constant 0 : i32
      %swap3A_199 = tpu.memref_slice %arg5[%scan3A_88, %swap3A_197, %swap3A_198] : memref<2x16x1024xf32, #tpu.memory_space<vmem>> -> memref<1x16x1024xf32, #tpu.memory_space<vmem>>
      %swap3A_200 = tpu.memref_squeeze %swap3A_199 : memref<1x16x1024xf32, #tpu.memory_space<vmem>> -> memref<16x1024xf32, #tpu.memory_space<vmem>>
      %swap3A_201 = arith.index_cast %swap3A : i32 to index
      %swap3A_202 = arith.index_cast %multiple_of3A : i32 to index
      %swap3A_203 = tpu.vector_load %swap3A_200[%swap3A_201, %swap3A_202] {strides = array<i32>} : memref<16x1024xf32, #tpu.memory_space<vmem>>, vector<16xf32>,
      tpu.vector_store %swap3A_200[%swap3A_201, %swap3A_202], %broadcast_in_dim3A_1 {strides = array<i32>} : memref<16x1024xf32, #tpu.memory_space<vmem>>, vector<16xf32>,
      %swap3A_204 = arith.constant 1 : i32
      %swap3A_205 = arith.constant 0 : i32
      %swap3A_206 = arith.constant 0 : i32
      %swap3A_207 = tpu.memref_slice %arg5[%scan3A_88, %swap3A_205, %swap3A_206] : memref<2x16x1024xf32, #tpu.memory_space<vmem>> -> memref<1x16x1024xf32, #tpu.memory_space<vmem>>
      %swap3A_208 = tpu.memref_squeeze %swap3A_207 : memref<1x16x1024xf32, #tpu.memory_space<vmem>> -> memref<16x1024xf32, #tpu.memory_space<vmem>>
      %swap3A_209 = arith.index_cast %swap3A_204 : i32 to index
      %swap3A_210 = arith.index_cast %multiple_of3A : i32 to index
      %swap3A_211 = tpu.vector_load %swap3A_208[%swap3A_209, %swap3A_210] {strides = array<i32>} : memref<16x1024xf32, #tpu.memory_space<vmem>>, vector<16xf32>,
      tpu.vector_store %swap3A_208[%swap3A_209, %swap3A_210], %broadcast_in_dim3A_1 {strides = array<i32>} : memref<16x1024xf32, #tpu.memory_space<vmem>>, vector<16xf32>,
      %swap3A_212 = arith.constant 2 : i32
      %swap3A_213 = arith.constant 0 : i32
      %swap3A_214 = arith.constant 0 : i32
      %swap3A_215 = tpu.memref_slice %arg5[%scan3A_88, %swap3A_213, %swap3A_214] : memref<2x16x1024xf32, #tpu.memory_space<vmem>> -> memref<1x16x1024xf32, #tpu.memory_space<vmem>>
      %swap3A_216 = tpu.memref_squeeze %swap3A_215 : memref<1x16x1024xf32, #tpu.memory_space<vmem>> -> memref<16x1024xf32, #tpu.memory_space<vmem>>
      %swap3A_217 = arith.index_cast %swap3A_212 : i32 to index
      %swap3A_218 = arith.index_cast %multiple_of3A : i32 to index
      %swap3A_219 = tpu.vector_load %swap3A_216[%swap3A_217, %swap3A_218] {strides = array<i32>} : memref<16x1024xf32, #tpu.memory_space<vmem>>, vector<16xf32>,
      tpu.vector_store %swap3A_216[%swap3A_217, %swap3A_218], %broadcast_in_dim3A_1 {strides = array<i32>} : memref<16x1024xf32, #tpu.memory_space<vmem>>, vector<16xf32>,
      %swap3A_220 = arith.constant 3 : i32
      %swap3A_221 = arith.constant 0 : i32
      %swap3A_222 = arith.constant 0 : i32
      %swap3A_223 = tpu.memref_slice %arg5[%scan3A_88, %swap3A_221, %swap3A_222] : memref<2x16x1024xf32, #tpu.memory_space<vmem>> -> memref<1x16x1024xf32, #tpu.memory_space<vmem>>
      %swap3A_224 = tpu.memref_squeeze %swap3A_223 : memref<1x16x1024xf32, #tpu.memory_space<vmem>> -> memref<16x1024xf32, #tpu.memory_space<vmem>>
      %swap3A_225 = arith.index_cast %swap3A_220 : i32 to index
      %swap3A_226 = arith.index_cast %multiple_of3A : i32 to index
      %swap3A_227 = tpu.vector_load %swap3A_224[%swap3A_225, %swap3A_226] {strides = array<i32>} : memref<16x1024xf32, #tpu.memory_space<vmem>>, vector<16xf32>,
      tpu.vector_store %swap3A_224[%swap3A_225, %swap3A_226], %broadcast_in_dim3A_1 {strides = array<i32>} : memref<16x1024xf32, #tpu.memory_space<vmem>>, vector<16xf32>,
      %swap3A_228 = arith.constant 4 : i32
      %swap3A_229 = arith.constant 0 : i32
      %swap3A_230 = arith.constant 0 : i32
      %swap3A_231 = tpu.memref_slice %arg5[%scan3A_88, %swap3A_229, %swap3A_230] : memref<2x16x1024xf32, #tpu.memory_space<vmem>> -> memref<1x16x1024xf32, #tpu.memory_space<vmem>>
      %swap3A_232 = tpu.memref_squeeze %swap3A_231 : memref<1x16x1024xf32, #tpu.memory_space<vmem>> -> memref<16x1024xf32, #tpu.memory_space<vmem>>
      %swap3A_233 = arith.index_cast %swap3A_228 : i32 to index
      %swap3A_234 = arith.index_cast %multiple_of3A : i32 to index
      %swap3A_235 = tpu.vector_load %swap3A_232[%swap3A_233, %swap3A_234] {strides = array<i32>} : memref<16x1024xf32, #tpu.memory_space<vmem>>, vector<16xf32>,
      tpu.vector_store %swap3A_232[%swap3A_233, %swap3A_234], %broadcast_in_dim3A_1 {strides = array<i32>} : memref<16x1024xf32, #tpu.memory_space<vmem>>, vector<16xf32>,
      %swap3A_236 = arith.constant 5 : i32
      %swap3A_237 = arith.constant 0 : i32
      %swap3A_238 = arith.constant 0 : i32
      %swap3A_239 = tpu.memref_slice %arg5[%scan3A_88, %swap3A_237, %swap3A_238] : memref<2x16x1024xf32, #tpu.memory_space<vmem>> -> memref<1x16x1024xf32, #tpu.memory_space<vmem>>
      %swap3A_240 = tpu.memref_squeeze %swap3A_239 : memref<1x16x1024xf32, #tpu.memory_space<vmem>> -> memref<16x1024xf32, #tpu.memory_space<vmem>>
      %swap3A_241 = arith.index_cast %swap3A_236 : i32 to index
      %swap3A_242 = arith.index_cast %multiple_of3A : i32 to index
      %swap3A_243 = tpu.vector_load %swap3A_240[%swap3A_241, %swap3A_242] {strides = array<i32>} : memref<16x1024xf32, #tpu.memory_space<vmem>>, vector<16xf32>,
      tpu.vector_store %swap3A_240[%swap3A_241, %swap3A_242], %broadcast_in_dim3A_1 {strides = array<i32>} : memref<16x1024xf32, #tpu.memory_space<vmem>>, vector<16xf32>,
      %swap3A_244 = arith.constant 6 : i32
      %swap3A_245 = arith.constant 0 : i32
      %swap3A_246 = arith.constant 0 : i32
      %swap3A_247 = tpu.memref_slice %arg5[%scan3A_88, %swap3A_245, %swap3A_246] : memref<2x16x1024xf32, #tpu.memory_space<vmem>> -> memref<1x16x1024xf32, #tpu.memory_space<vmem>>
      %swap3A_248 = tpu.memref_squeeze %swap3A_247 : memref<1x16x1024xf32, #tpu.memory_space<vmem>> -> memref<16x1024xf32, #tpu.memory_space<vmem>>
      %swap3A_249 = arith.index_cast %swap3A_244 : i32 to index
      %swap3A_250 = arith.index_cast %multiple_of3A : i32 to index
      %swap3A_251 = tpu.vector_load %swap3A_248[%swap3A_249, %swap3A_250] {strides = array<i32>} : memref<16x1024xf32, #tpu.memory_space<vmem>>, vector<16xf32>,
      tpu.vector_store %swap3A_248[%swap3A_249, %swap3A_250], %broadcast_in_dim3A_1 {strides = array<i32>} : memref<16x1024xf32, #tpu.memory_space<vmem>>, vector<16xf32>,
      %swap3A_252 = arith.constant 7 : i32
      %swap3A_253 = arith.constant 0 : i32
      %swap3A_254 = arith.constant 0 : i32
      %swap3A_255 = tpu.memref_slice %arg5[%scan3A_88, %swap3A_253, %swap3A_254] : memref<2x16x1024xf32, #tpu.memory_space<vmem>> -> memref<1x16x1024xf32, #tpu.memory_space<vmem>>
      %swap3A_256 = tpu.memref_squeeze %swap3A_255 : memref<1x16x1024xf32, #tpu.memory_space<vmem>> -> memref<16x1024xf32, #tpu.memory_space<vmem>>
      %swap3A_257 = arith.index_cast %swap3A_252 : i32 to index
      %swap3A_258 = arith.index_cast %multiple_of3A : i32 to index
      %swap3A_259 = tpu.vector_load %swap3A_256[%swap3A_257, %swap3A_258] {strides = array<i32>} : memref<16x1024xf32, #tpu.memory_space<vmem>>, vector<16xf32>,
      tpu.vector_store %swap3A_256[%swap3A_257, %swap3A_258], %broadcast_in_dim3A_1 {strides = array<i32>} : memref<16x1024xf32, #tpu.memory_space<vmem>>, vector<16xf32>,
      %swap3A_260 = arith.constant 8 : i32
      %swap3A_261 = arith.constant 0 : i32
      %swap3A_262 = arith.constant 0 : i32
      %swap3A_263 = tpu.memref_slice %arg5[%scan3A_88, %swap3A_261, %swap3A_262] : memref<2x16x1024xf32, #tpu.memory_space<vmem>> -> memref<1x16x1024xf32, #tpu.memory_space<vmem>>
      %swap3A_264 = tpu.memref_squeeze %swap3A_263 : memref<1x16x1024xf32, #tpu.memory_space<vmem>> -> memref<16x1024xf32, #tpu.memory_space<vmem>>
      %swap3A_265 = arith.index_cast %swap3A_260 : i32 to index
      %swap3A_266 = arith.index_cast %multiple_of3A : i32 to index
      %swap3A_267 = tpu.vector_load %swap3A_264[%swap3A_265, %swap3A_266] {strides = array<i32>} : memref<16x1024xf32, #tpu.memory_space<vmem>>, vector<16xf32>,
      tpu.vector_store %swap3A_264[%swap3A_265, %swap3A_266], %broadcast_in_dim3A_1 {strides = array<i32>} : memref<16x1024xf32, #tpu.memory_space<vmem>>, vector<16xf32>,
      %swap3A_268 = arith.constant 9 : i32
      %swap3A_269 = arith.constant 0 : i32
      %swap3A_270 = arith.constant 0 : i32
      %swap3A_271 = tpu.memref_slice %arg5[%scan3A_88, %swap3A_269, %swap3A_270] : memref<2x16x1024xf32, #tpu.memory_space<vmem>> -> memref<1x16x1024xf32, #tpu.memory_space<vmem>>
      %swap3A_272 = tpu.memref_squeeze %swap3A_271 : memref<1x16x1024xf32, #tpu.memory_space<vmem>> -> memref<16x1024xf32, #tpu.memory_space<vmem>>
      %swap3A_273 = arith.index_cast %swap3A_268 : i32 to index
      %swap3A_274 = arith.index_cast %multiple_of3A : i32 to index
      %swap3A_275 = tpu.vector_load %swap3A_272[%swap3A_273, %swap3A_274] {strides = array<i32>} : memref<16x1024xf32, #tpu.memory_space<vmem>>, vector<16xf32>,
      tpu.vector_store %swap3A_272[%swap3A_273, %swap3A_274], %broadcast_in_dim3A_1 {strides = array<i32>} : memref<16x1024xf32, #tpu.memory_space<vmem>>, vector<16xf32>,
      %swap3A_276 = arith.constant 10 : i32
      %swap3A_277 = arith.constant 0 : i32
      %swap3A_278 = arith.constant 0 : i32
      %swap3A_279 = tpu.memref_slice %arg5[%scan3A_88, %swap3A_277, %swap3A_278] : memref<2x16x1024xf32, #tpu.memory_space<vmem>> -> memref<1x16x1024xf32, #tpu.memory_space<vmem>>
      %swap3A_280 = tpu.memref_squeeze %swap3A_279 : memref<1x16x1024xf32, #tpu.memory_space<vmem>> -> memref<16x1024xf32, #tpu.memory_space<vmem>>
      %swap3A_281 = arith.index_cast %swap3A_276 : i32 to index
      %swap3A_282 = arith.index_cast %multiple_of3A : i32 to index
      %swap3A_283 = tpu.vector_load %swap3A_280[%swap3A_281, %swap3A_282] {strides = array<i32>} : memref<16x1024xf32, #tpu.memory_space<vmem>>, vector<16xf32>,
      tpu.vector_store %swap3A_280[%swap3A_281, %swap3A_282], %broadcast_in_dim3A_1 {strides = array<i32>} : memref<16x1024xf32, #tpu.memory_space<vmem>>, vector<16xf32>,
      %swap3A_284 = arith.constant 11 : i32
      %swap3A_285 = arith.constant 0 : i32
      %swap3A_286 = arith.constant 0 : i32
      %swap3A_287 = tpu.memref_slice %arg5[%scan3A_88, %swap3A_285, %swap3A_286] : memref<2x16x1024xf32, #tpu.memory_space<vmem>> -> memref<1x16x1024xf32, #tpu.memory_space<vmem>>
      %swap3A_288 = tpu.memref_squeeze %swap3A_287 : memref<1x16x1024xf32, #tpu.memory_space<vmem>> -> memref<16x1024xf32, #tpu.memory_space<vmem>>
      %swap3A_289 = arith.index_cast %swap3A_284 : i32 to index
      %swap3A_290 = arith.index_cast %multiple_of3A : i32 to index
      %swap3A_291 = tpu.vector_load %swap3A_288[%swap3A_289, %swap3A_290] {strides = array<i32>} : memref<16x1024xf32, #tpu.memory_space<vmem>>, vector<16xf32>,
      tpu.vector_store %swap3A_288[%swap3A_289, %swap3A_290], %broadcast_in_dim3A_1 {strides = array<i32>} : memref<16x1024xf32, #tpu.memory_space<vmem>>, vector<16xf32>,
      %swap3A_292 = arith.constant 12 : i32
      %swap3A_293 = arith.constant 0 : i32
      %swap3A_294 = arith.constant 0 : i32
      %swap3A_295 = tpu.memref_slice %arg5[%scan3A_88, %swap3A_293, %swap3A_294] : memref<2x16x1024xf32, #tpu.memory_space<vmem>> -> memref<1x16x1024xf32, #tpu.memory_space<vmem>>
      %swap3A_296 = tpu.memref_squeeze %swap3A_295 : memref<1x16x1024xf32, #tpu.memory_space<vmem>> -> memref<16x1024xf32, #tpu.memory_space<vmem>>
      %swap3A_297 = arith.index_cast %swap3A_292 : i32 to index
      %swap3A_298 = arith.index_cast %multiple_of3A : i32 to index
      %swap3A_299 = tpu.vector_load %swap3A_296[%swap3A_297, %swap3A_298] {strides = array<i32>} : memref<16x1024xf32, #tpu.memory_space<vmem>>, vector<16xf32>,
      tpu.vector_store %swap3A_296[%swap3A_297, %swap3A_298], %broadcast_in_dim3A_1 {strides = array<i32>} : memref<16x1024xf32, #tpu.memory_space<vmem>>, vector<16xf32>,
      %swap3A_300 = arith.constant 13 : i32
      %swap3A_301 = arith.constant 0 : i32
      %swap3A_302 = arith.constant 0 : i32
      %swap3A_303 = tpu.memref_slice %arg5[%scan3A_88, %swap3A_301, %swap3A_302] : memref<2x16x1024xf32, #tpu.memory_space<vmem>> -> memref<1x16x1024xf32, #tpu.memory_space<vmem>>
      %swap3A_304 = tpu.memref_squeeze %swap3A_303 : memref<1x16x1024xf32, #tpu.memory_space<vmem>> -> memref<16x1024xf32, #tpu.memory_space<vmem>>
      %swap3A_305 = arith.index_cast %swap3A_300 : i32 to index
      %swap3A_306 = arith.index_cast %multiple_of3A : i32 to index
      %swap3A_307 = tpu.vector_load %swap3A_304[%swap3A_305, %swap3A_306] {strides = array<i32>} : memref<16x1024xf32, #tpu.memory_space<vmem>>, vector<16xf32>,
      tpu.vector_store %swap3A_304[%swap3A_305, %swap3A_306], %broadcast_in_dim3A_1 {strides = array<i32>} : memref<16x1024xf32, #tpu.memory_space<vmem>>, vector<16xf32>,
      %swap3A_308 = arith.constant 14 : i32
      %swap3A_309 = arith.constant 0 : i32
      %swap3A_310 = arith.constant 0 : i32
      %swap3A_311 = tpu.memref_slice %arg5[%scan3A_88, %swap3A_309, %swap3A_310] : memref<2x16x1024xf32, #tpu.memory_space<vmem>> -> memref<1x16x1024xf32, #tpu.memory_space<vmem>>
      %swap3A_312 = tpu.memref_squeeze %swap3A_311 : memref<1x16x1024xf32, #tpu.memory_space<vmem>> -> memref<16x1024xf32, #tpu.memory_space<vmem>>
      %swap3A_313 = arith.index_cast %swap3A_308 : i32 to index
      %swap3A_314 = arith.index_cast %multiple_of3A : i32 to index
      %swap3A_315 = tpu.vector_load %swap3A_312[%swap3A_313, %swap3A_314] {strides = array<i32>} : memref<16x1024xf32, #tpu.memory_space<vmem>>, vector<16xf32>,
      tpu.vector_store %swap3A_312[%swap3A_313, %swap3A_314], %broadcast_in_dim3A_1 {strides = array<i32>} : memref<16x1024xf32, #tpu.memory_space<vmem>>, vector<16xf32>,
      %swap3A_316 = arith.constant 15 : i32
      %swap3A_317 = arith.constant 0 : i32
      %swap3A_318 = arith.constant 0 : i32
      %swap3A_319 = tpu.memref_slice %arg5[%scan3A_88, %swap3A_317, %swap3A_318] : memref<2x16x1024xf32, #tpu.memory_space<vmem>> -> memref<1x16x1024xf32, #tpu.memory_space<vmem>>
      %swap3A_320 = tpu.memref_squeeze %swap3A_319 : memref<1x16x1024xf32, #tpu.memory_space<vmem>> -> memref<16x1024xf32, #tpu.memory_space<vmem>>
      %swap3A_321 = arith.index_cast %swap3A_316 : i32 to index
      %swap3A_322 = arith.index_cast %multiple_of3A : i32 to index
      %swap3A_323 = tpu.vector_load %swap3A_320[%swap3A_321, %swap3A_322] {strides = array<i32>} : memref<16x1024xf32, #tpu.memory_space<vmem>>, vector<16xf32>,
      tpu.vector_store %swap3A_320[%swap3A_321, %swap3A_322], %broadcast_in_dim3A_1 {strides = array<i32>} : memref<16x1024xf32, #tpu.memory_space<vmem>>, vector<16xf32>,
      %scan3A_324 = arith.constant 0 : i32
      scf.yield %scan3A_324 : i32
    }
    %scan3A_95 = arith.constant 64 : i32
    %scan3A_96 = arith.constant 0 : i32
    %scan3A_97 = arith.constant 0 : i32
    %scan3A_98 = arith.constant 0 : i32
    %scan3A_99 = arith.constant 64 : i32
    %scan3A_100 = arith.addi %scan3A_98, %scan3A_99 : i32
    %scan3A_101 = arith.constant 4 : i32
    %scan3A_102 = scf.for %scan3A_193 = %scan3A_98 to %scan3A_100 step %scan3A_101 iter_args(%scan3A_194 = %scan3A_97) -> (i32)  : i32 {
      %mul3A_195 = arith.constant 16 : i32
      %mul3A_196 = arith.muli %scan3A_193, %mul3A_195 : i32
      %multiple_of3A = tpu.assume_multiple %mul3A_196, 16 : i32
      %get3A = arith.index_cast %multiple_of3A : i32 to index
      %get3A_197 = tpu.vector_load %arg4[%get3A] {strides = array<i32>} : memref<1024xi32, #tpu.memory_space<vmem>>, vector<16xi32>,
      %scatter3A = arith.constant 0 : i32
      %scatter3A_198 = arith.constant 0 : i32
      %scatter3A_199 = tpu.memref_slice %arg5[%scan3A_96, %scatter3A, %scatter3A_198] : memref<2x16x1024xf32, #tpu.memory_space<vmem>> -> memref<1x16x1024xf32, #tpu.memory_space<vmem>>
      %scatter3A_200 = tpu.memref_squeeze %scatter3A_199 : memref<1x16x1024xf32, #tpu.memory_space<vmem>> -> memref<16x1024xf32, #tpu.memory_space<vmem>>
      tpu.vector_store_idx %scatter3A_200[%iota3A, %get3A_197], %broadcast_in_dim3A_3 {add = true} : memref<16x1024xf32, #tpu.memory_space<vmem>>[vector<16xi32>, vector<16xi32>], vector<16xf32>,
      %scan3A_201 = arith.constant 0 : i32
      %scan3A_202 = arith.constant 1 : i32
      %scan3A_203 = arith.addi %scan3A_193, %scan3A_202 : i32
      %mul3A_204 = arith.constant 16 : i32
      %mul3A_205 = arith.muli %scan3A_203, %mul3A_204 : i32
      %multiple_of3A_206 = tpu.assume_multiple %mul3A_205, 16 : i32
      %get3A_207 = arith.index_cast %multiple_of3A_206 : i32 to index
      %get3A_208 = tpu.vector_load %arg4[%get3A_207] {strides = array<i32>} : memref<1024xi32, #tpu.memory_space<vmem>>, vector<16xi32>,
      %scatter3A_209 = arith.constant 0 : i32
      %scatter3A_210 = arith.constant 0 : i32
      %scatter3A_211 = tpu.memref_slice %arg5[%scan3A_96, %scatter3A_209, %scatter3A_210] : memref<2x16x1024xf32, #tpu.memory_space<vmem>> -> memref<1x16x1024xf32, #tpu.memory_space<vmem>>
      %scatter3A_212 = tpu.memref_squeeze %scatter3A_211 : memref<1x16x1024xf32, #tpu.memory_space<vmem>> -> memref<16x1024xf32, #tpu.memory_space<vmem>>
      tpu.vector_store_idx %scatter3A_212[%iota3A, %get3A_208], %broadcast_in_dim3A_3 {add = true} : memref<16x1024xf32, #tpu.memory_space<vmem>>[vector<16xi32>, vector<16xi32>], vector<16xf32>,
      %scan3A_213 = arith.constant 0 : i32
      %scan3A_214 = arith.constant 2 : i32
      %scan3A_215 = arith.addi %scan3A_193, %scan3A_214 : i32
      %mul3A_216 = arith.constant 16 : i32
      %mul3A_217 = arith.muli %scan3A_215, %mul3A_216 : i32
      %multiple_of3A_218 = tpu.assume_multiple %mul3A_217, 16 : i32
      %get3A_219 = arith.index_cast %multiple_of3A_218 : i32 to index
      %get3A_220 = tpu.vector_load %arg4[%get3A_219] {strides = array<i32>} : memref<1024xi32, #tpu.memory_space<vmem>>, vector<16xi32>,
      %scatter3A_221 = arith.constant 0 : i32
      %scatter3A_222 = arith.constant 0 : i32
      %scatter3A_223 = tpu.memref_slice %arg5[%scan3A_96, %scatter3A_221, %scatter3A_222] : memref<2x16x1024xf32, #tpu.memory_space<vmem>> -> memref<1x16x1024xf32, #tpu.memory_space<vmem>>
      %scatter3A_224 = tpu.memref_squeeze %scatter3A_223 : memref<1x16x1024xf32, #tpu.memory_space<vmem>> -> memref<16x1024xf32, #tpu.memory_space<vmem>>
      tpu.vector_store_idx %scatter3A_224[%iota3A, %get3A_220], %broadcast_in_dim3A_3 {add = true} : memref<16x1024xf32, #tpu.memory_space<vmem>>[vector<16xi32>, vector<16xi32>], vector<16xf32>,
      %scan3A_225 = arith.constant 0 : i32
      %scan3A_226 = arith.constant 3 : i32
      %scan3A_227 = arith.addi %scan3A_193, %scan3A_226 : i32
      %mul3A_228 = arith.constant 16 : i32
      %mul3A_229 = arith.muli %scan3A_227, %mul3A_228 : i32
      %multiple_of3A_230 = tpu.assume_multiple %mul3A_229, 16 : i32
      %get3A_231 = arith.index_cast %multiple_of3A_230 : i32 to index
      %get3A_232 = tpu.vector_load %arg4[%get3A_231] {strides = array<i32>} : memref<1024xi32, #tpu.memory_space<vmem>>, vector<16xi32>,
      %scatter3A_233 = arith.constant 0 : i32
      %scatter3A_234 = arith.constant 0 : i32
      %scatter3A_235 = tpu.memref_slice %arg5[%scan3A_96, %scatter3A_233, %scatter3A_234] : memref<2x16x1024xf32, #tpu.memory_space<vmem>> -> memref<1x16x1024xf32, #tpu.memory_space<vmem>>
      %scatter3A_236 = tpu.memref_squeeze %scatter3A_235 : memref<1x16x1024xf32, #tpu.memory_space<vmem>> -> memref<16x1024xf32, #tpu.memory_space<vmem>>
      tpu.vector_store_idx %scatter3A_236[%iota3A, %get3A_232], %broadcast_in_dim3A_3 {add = true} : memref<16x1024xf32, #tpu.memory_space<vmem>>[vector<16xi32>, vector<16xi32>], vector<16xf32>,
      %scan3A_237 = arith.constant 0 : i32
      scf.yield %scan3A_237 : i32
    }
    %scan3A_103 = arith.constant 64 : i32
    %mul3A_104 = arith.constant 16 : i32
    %mul3A_105 = arith.muli %add3A_87, %mul3A_104 : i32
    %dma_start3A_106 = arith.constant 0 : i32
    %dma_start3A_107 = arith.constant 0 : i32
    %dma_start3A_108 = arith.constant 0 : i32
    %dma_start3A_109 = tpu.memref_slice %arg5[%dma_start3A_106, %dma_start3A_107, %dma_start3A_108] : memref<2x16x1024xf32, #tpu.memory_space<vmem>> -> memref<1x16x1024xf32, #tpu.memory_space<vmem>>
    %dma_start3A_110 = tpu.memref_squeeze %dma_start3A_109 : memref<1x16x1024xf32, #tpu.memory_space<vmem>> -> memref<16x1024xf32, #tpu.memory_space<vmem>>
    %dma_start3A_111 = arith.constant 0 : i32
    %dma_start3A_112 = tpu.memref_slice %arg3[%mul3A_105, %dma_start3A_111] : memref<2048x1024xf32, #tpu.memory_space<hbm>> -> memref<16x1024xf32, #tpu.memory_space<hbm>>
    %dma_start3A_113 = arith.constant 0 : i32
    %dma_start3A_114 = tpu.memref_slice %arg3[%mul3A_105, %dma_start3A_113] : memref<2048x1024xf32, #tpu.memory_space<hbm>> -> memref<16x1024xf32, #tpu.memory_space<hbm>>
    %dma_start3A_115 = arith.constant 0 : i32
    %dma_start3A_116 = arith.constant 0 : i32
    %dma_start3A_117 = tpu.memref_slice %arg5[%dma_start3A_106, %dma_start3A_115, %dma_start3A_116] : memref<2x16x1024xf32, #tpu.memory_space<vmem>> -> memref<1x16x1024xf32, #tpu.memory_space<vmem>>
    %dma_start3A_118 = tpu.memref_squeeze %dma_start3A_117 : memref<1x16x1024xf32, #tpu.memory_space<vmem>> -> memref<16x1024xf32, #tpu.memory_space<vmem>>
    tpu.enqueue_dma source(%dma_start3A_118 : memref<16x1024xf32, #tpu.memory_space<vmem>>) target(%dma_start3A_114 : memref<16x1024xf32, #tpu.memory_space<hbm>>) target_semaphore(%arg6 : memref<!tpu.dma_semaphore, #tpu.memory_space<semaphore_mem>>)
    %dma_wait3A_119 = arith.constant 1 : i32
    %dma_wait3A_120 = arith.constant 0 : i32
    %dma_wait3A_121 = arith.constant 0 : i32
    %dma_wait3A_122 = tpu.memref_slice %arg5[%dma_wait3A_119, %dma_wait3A_120, %dma_wait3A_121] : memref<2x16x1024xf32, #tpu.memory_space<vmem>> -> memref<1x16x1024xf32, #tpu.memory_space<vmem>>
    %dma_wait3A_123 = tpu.memref_squeeze %dma_wait3A_122 : memref<1x16x1024xf32, #tpu.memory_space<vmem>> -> memref<16x1024xf32, #tpu.memory_space<vmem>>
    %dma_wait3A_124 = arith.constant 0 : i32
    %dma_wait3A_125 = tpu.memref_slice %arg3[%mul3A_58, %dma_wait3A_124] : memref<2048x1024xf32, #tpu.memory_space<hbm>> -> memref<16x1024xf32, #tpu.memory_space<hbm>>
    %dma_wait3A_126 = arith.constant 0 : i32
    %dma_wait3A_127 = tpu.memref_slice %arg3[%mul3A_58, %dma_wait3A_126] : memref<2048x1024xf32, #tpu.memory_space<hbm>> -> memref<16x1024xf32, #tpu.memory_space<hbm>>
    %dma_wait3A_128 = arith.constant 0 : i32
    %dma_wait3A_129 = arith.constant 0 : i32
    %dma_wait3A_130 = tpu.memref_slice %arg5[%dma_wait3A_119, %dma_wait3A_128, %dma_wait3A_129] : memref<2x16x1024xf32, #tpu.memory_space<vmem>> -> memref<1x16x1024xf32, #tpu.memory_space<vmem>>
    %dma_wait3A_131 = tpu.memref_squeeze %dma_wait3A_130 : memref<1x16x1024xf32, #tpu.memory_space<vmem>> -> memref<16x1024xf32, #tpu.memory_space<vmem>>
    tpu.wait_dma2 semaphore(%arg7 : memref<!tpu.dma_semaphore, #tpu.memory_space<semaphore_mem>>) src(%dma_wait3A_131 : memref<16x1024xf32, #tpu.memory_space<vmem>>) dst(%dma_wait3A_127 : memref<16x1024xf32, #tpu.memory_space<hbm>>)
    %mul3A_132 = arith.constant 4 : i32
    %mul3A_133 = arith.muli %add3A, %mul3A_132 : i32
    %add3A_134 = arith.constant 3 : i32
    %add3A_135 = arith.addi %mul3A_133, %add3A_134 : i32
    "tpu.region"() ({
      %run_scoped3A = tpu.sem_alloc : memref<!tpu.dma_semaphore, #tpu.memory_space<semaphore_mem>>
      %dma_start3A_193 = arith.constant 0 : i32
      %dma_start3A_194 = tpu.memref_slice %arg2[%add3A_135, %dma_start3A_193] : memref<128x1024xi32, #tpu.memory_space<hbm>> -> memref<1x1024xi32, #tpu.memory_space<hbm>>
      %dma_start3A_195 = tpu.memref_squeeze %dma_start3A_194 : memref<1x1024xi32, #tpu.memory_space<hbm>> -> memref<1024xi32, #tpu.memory_space<hbm>>
      %dma_start3A_196 = arith.constant 0 : i32
      %dma_start3A_197 = tpu.memref_slice %arg2[%add3A_135, %dma_start3A_196] : memref<128x1024xi32, #tpu.memory_space<hbm>> -> memref<1x1024xi32, #tpu.memory_space<hbm>>
      %dma_start3A_198 = tpu.memref_squeeze %dma_start3A_197 : memref<1x1024xi32, #tpu.memory_space<hbm>> -> memref<1024xi32, #tpu.memory_space<hbm>>
      tpu.enqueue_dma source(%dma_start3A_198 : memref<1024xi32, #tpu.memory_space<hbm>>) target(%arg4 : memref<1024xi32, #tpu.memory_space<vmem>>) target_semaphore(%run_scoped3A : memref<!tpu.dma_semaphore, #tpu.memory_space<semaphore_mem>>)
      %dma_wait3A_199 = arith.constant 0 : i32
      %dma_wait3A_200 = tpu.memref_slice %arg2[%add3A_135, %dma_wait3A_199] : memref<128x1024xi32, #tpu.memory_space<hbm>> -> memref<1x1024xi32, #tpu.memory_space<hbm>>
      %dma_wait3A_201 = tpu.memref_squeeze %dma_wait3A_200 : memref<1x1024xi32, #tpu.memory_space<hbm>> -> memref<1024xi32, #tpu.memory_space<hbm>>
      %dma_wait3A_202 = arith.constant 0 : i32
      %dma_wait3A_203 = tpu.memref_slice %arg2[%add3A_135, %dma_wait3A_202] : memref<128x1024xi32, #tpu.memory_space<hbm>> -> memref<1x1024xi32, #tpu.memory_space<hbm>>
      %dma_wait3A_204 = tpu.memref_squeeze %dma_wait3A_203 : memref<1x1024xi32, #tpu.memory_space<hbm>> -> memref<1024xi32, #tpu.memory_space<hbm>>
      tpu.wait_dma2 semaphore(%run_scoped3A : memref<!tpu.dma_semaphore, #tpu.memory_space<semaphore_mem>>) src(%dma_wait3A_204 : memref<1024xi32, #tpu.memory_space<hbm>>) dst(%arg4 : memref<1024xi32, #tpu.memory_space<vmem>>)
      tpu.yield
    }) : () -> ()
    %scan3A_136 = arith.constant 1 : i32
    %scan3A_137 = arith.constant 0 : i32
    %scan3A_138 = arith.constant 0 : i32
    %scan3A_139 = arith.constant 64 : i32
    %scan3A_140 = arith.addi %scan3A_138, %scan3A_139 : i32
    %scan3A_141 = arith.constant 1 : i32
    %scan3A_142 = scf.for %scan3A_193 = %scan3A_138 to %scan3A_140 step %scan3A_141 iter_args(%scan3A_194 = %scan3A_137) -> (i32)  : i32 {
      %mul3A_195 = arith.constant 16 : i32
      %mul3A_196 = arith.muli %scan3A_193, %mul3A_195 : i32
      %multiple_of3A = tpu.assume_multiple %mul3A_196, 16 : i32
      %swap3A = arith.constant 0 : i32
      %swap3A_197 = arith.constant 0 : i32
      %swap3A_198 = arith.constant 0 : i32
      %swap3A_199 = tpu.memref_slice %arg5[%scan3A_136, %swap3A_197, %swap3A_198] : memref<2x16x1024xf32, #tpu.memory_space<vmem>> -> memref<1x16x1024xf32, #tpu.memory_space<vmem>>
      %swap3A_200 = tpu.memref_squeeze %swap3A_199 : memref<1x16x1024xf32, #tpu.memory_space<vmem>> -> memref<16x1024xf32, #tpu.memory_space<vmem>>
      %swap3A_201 = arith.index_cast %swap3A : i32 to index
      %swap3A_202 = arith.index_cast %multiple_of3A : i32 to index
      %swap3A_203 = tpu.vector_load %swap3A_200[%swap3A_201, %swap3A_202] {strides = array<i32>} : memref<16x1024xf32, #tpu.memory_space<vmem>>, vector<16xf32>,
      tpu.vector_store %swap3A_200[%swap3A_201, %swap3A_202], %broadcast_in_dim3A_1 {strides = array<i32>} : memref<16x1024xf32, #tpu.memory_space<vmem>>, vector<16xf32>,
      %swap3A_204 = arith.constant 1 : i32
      %swap3A_205 = arith.constant 0 : i32
      %swap3A_206 = arith.constant 0 : i32
      %swap3A_207 = tpu.memref_slice %arg5[%scan3A_136, %swap3A_205, %swap3A_206] : memref<2x16x1024xf32, #tpu.memory_space<vmem>> -> memref<1x16x1024xf32, #tpu.memory_space<vmem>>
      %swap3A_208 = tpu.memref_squeeze %swap3A_207 : memref<1x16x1024xf32, #tpu.memory_space<vmem>> -> memref<16x1024xf32, #tpu.memory_space<vmem>>
      %swap3A_209 = arith.index_cast %swap3A_204 : i32 to index
      %swap3A_210 = arith.index_cast %multiple_of3A : i32 to index
      %swap3A_211 = tpu.vector_load %swap3A_208[%swap3A_209, %swap3A_210] {strides = array<i32>} : memref<16x1024xf32, #tpu.memory_space<vmem>>, vector<16xf32>,
      tpu.vector_store %swap3A_208[%swap3A_209, %swap3A_210], %broadcast_in_dim3A_1 {strides = array<i32>} : memref<16x1024xf32, #tpu.memory_space<vmem>>, vector<16xf32>,
      %swap3A_212 = arith.constant 2 : i32
      %swap3A_213 = arith.constant 0 : i32
      %swap3A_214 = arith.constant 0 : i32
      %swap3A_215 = tpu.memref_slice %arg5[%scan3A_136, %swap3A_213, %swap3A_214] : memref<2x16x1024xf32, #tpu.memory_space<vmem>> -> memref<1x16x1024xf32, #tpu.memory_space<vmem>>
      %swap3A_216 = tpu.memref_squeeze %swap3A_215 : memref<1x16x1024xf32, #tpu.memory_space<vmem>> -> memref<16x1024xf32, #tpu.memory_space<vmem>>
      %swap3A_217 = arith.index_cast %swap3A_212 : i32 to index
      %swap3A_218 = arith.index_cast %multiple_of3A : i32 to index
      %swap3A_219 = tpu.vector_load %swap3A_216[%swap3A_217, %swap3A_218] {strides = array<i32>} : memref<16x1024xf32, #tpu.memory_space<vmem>>, vector<16xf32>,
      tpu.vector_store %swap3A_216[%swap3A_217, %swap3A_218], %broadcast_in_dim3A_1 {strides = array<i32>} : memref<16x1024xf32, #tpu.memory_space<vmem>>, vector<16xf32>,
      %swap3A_220 = arith.constant 3 : i32
      %swap3A_221 = arith.constant 0 : i32
      %swap3A_222 = arith.constant 0 : i32
      %swap3A_223 = tpu.memref_slice %arg5[%scan3A_136, %swap3A_221, %swap3A_222] : memref<2x16x1024xf32, #tpu.memory_space<vmem>> -> memref<1x16x1024xf32, #tpu.memory_space<vmem>>
      %swap3A_224 = tpu.memref_squeeze %swap3A_223 : memref<1x16x1024xf32, #tpu.memory_space<vmem>> -> memref<16x1024xf32, #tpu.memory_space<vmem>>
      %swap3A_225 = arith.index_cast %swap3A_220 : i32 to index
      %swap3A_226 = arith.index_cast %multiple_of3A : i32 to index
      %swap3A_227 = tpu.vector_load %swap3A_224[%swap3A_225, %swap3A_226] {strides = array<i32>} : memref<16x1024xf32, #tpu.memory_space<vmem>>, vector<16xf32>,
      tpu.vector_store %swap3A_224[%swap3A_225, %swap3A_226], %broadcast_in_dim3A_1 {strides = array<i32>} : memref<16x1024xf32, #tpu.memory_space<vmem>>, vector<16xf32>,
      %swap3A_228 = arith.constant 4 : i32
      %swap3A_229 = arith.constant 0 : i32
      %swap3A_230 = arith.constant 0 : i32
      %swap3A_231 = tpu.memref_slice %arg5[%scan3A_136, %swap3A_229, %swap3A_230] : memref<2x16x1024xf32, #tpu.memory_space<vmem>> -> memref<1x16x1024xf32, #tpu.memory_space<vmem>>
      %swap3A_232 = tpu.memref_squeeze %swap3A_231 : memref<1x16x1024xf32, #tpu.memory_space<vmem>> -> memref<16x1024xf32, #tpu.memory_space<vmem>>
      %swap3A_233 = arith.index_cast %swap3A_228 : i32 to index
      %swap3A_234 = arith.index_cast %multiple_of3A : i32 to index
      %swap3A_235 = tpu.vector_load %swap3A_232[%swap3A_233, %swap3A_234] {strides = array<i32>} : memref<16x1024xf32, #tpu.memory_space<vmem>>, vector<16xf32>,
      tpu.vector_store %swap3A_232[%swap3A_233, %swap3A_234], %broadcast_in_dim3A_1 {strides = array<i32>} : memref<16x1024xf32, #tpu.memory_space<vmem>>, vector<16xf32>,
      %swap3A_236 = arith.constant 5 : i32
      %swap3A_237 = arith.constant 0 : i32
      %swap3A_238 = arith.constant 0 : i32
      %swap3A_239 = tpu.memref_slice %arg5[%scan3A_136, %swap3A_237, %swap3A_238] : memref<2x16x1024xf32, #tpu.memory_space<vmem>> -> memref<1x16x1024xf32, #tpu.memory_space<vmem>>
      %swap3A_240 = tpu.memref_squeeze %swap3A_239 : memref<1x16x1024xf32, #tpu.memory_space<vmem>> -> memref<16x1024xf32, #tpu.memory_space<vmem>>
      %swap3A_241 = arith.index_cast %swap3A_236 : i32 to index
      %swap3A_242 = arith.index_cast %multiple_of3A : i32 to index
      %swap3A_243 = tpu.vector_load %swap3A_240[%swap3A_241, %swap3A_242] {strides = array<i32>} : memref<16x1024xf32, #tpu.memory_space<vmem>>, vector<16xf32>,
      tpu.vector_store %swap3A_240[%swap3A_241, %swap3A_242], %broadcast_in_dim3A_1 {strides = array<i32>} : memref<16x1024xf32, #tpu.memory_space<vmem>>, vector<16xf32>,
      %swap3A_244 = arith.constant 6 : i32
      %swap3A_245 = arith.constant 0 : i32
      %swap3A_246 = arith.constant 0 : i32
      %swap3A_247 = tpu.memref_slice %arg5[%scan3A_136, %swap3A_245, %swap3A_246] : memref<2x16x1024xf32, #tpu.memory_space<vmem>> -> memref<1x16x1024xf32, #tpu.memory_space<vmem>>
      %swap3A_248 = tpu.memref_squeeze %swap3A_247 : memref<1x16x1024xf32, #tpu.memory_space<vmem>> -> memref<16x1024xf32, #tpu.memory_space<vmem>>
      %swap3A_249 = arith.index_cast %swap3A_244 : i32 to index
      %swap3A_250 = arith.index_cast %multiple_of3A : i32 to index
      %swap3A_251 = tpu.vector_load %swap3A_248[%swap3A_249, %swap3A_250] {strides = array<i32>} : memref<16x1024xf32, #tpu.memory_space<vmem>>, vector<16xf32>,
      tpu.vector_store %swap3A_248[%swap3A_249, %swap3A_250], %broadcast_in_dim3A_1 {strides = array<i32>} : memref<16x1024xf32, #tpu.memory_space<vmem>>, vector<16xf32>,
      %swap3A_252 = arith.constant 7 : i32
      %swap3A_253 = arith.constant 0 : i32
      %swap3A_254 = arith.constant 0 : i32
      %swap3A_255 = tpu.memref_slice %arg5[%scan3A_136, %swap3A_253, %swap3A_254] : memref<2x16x1024xf32, #tpu.memory_space<vmem>> -> memref<1x16x1024xf32, #tpu.memory_space<vmem>>
      %swap3A_256 = tpu.memref_squeeze %swap3A_255 : memref<1x16x1024xf32, #tpu.memory_space<vmem>> -> memref<16x1024xf32, #tpu.memory_space<vmem>>
      %swap3A_257 = arith.index_cast %swap3A_252 : i32 to index
      %swap3A_258 = arith.index_cast %multiple_of3A : i32 to index
      %swap3A_259 = tpu.vector_load %swap3A_256[%swap3A_257, %swap3A_258] {strides = array<i32>} : memref<16x1024xf32, #tpu.memory_space<vmem>>, vector<16xf32>,
      tpu.vector_store %swap3A_256[%swap3A_257, %swap3A_258], %broadcast_in_dim3A_1 {strides = array<i32>} : memref<16x1024xf32, #tpu.memory_space<vmem>>, vector<16xf32>,
      %swap3A_260 = arith.constant 8 : i32
      %swap3A_261 = arith.constant 0 : i32
      %swap3A_262 = arith.constant 0 : i32
      %swap3A_263 = tpu.memref_slice %arg5[%scan3A_136, %swap3A_261, %swap3A_262] : memref<2x16x1024xf32, #tpu.memory_space<vmem>> -> memref<1x16x1024xf32, #tpu.memory_space<vmem>>
      %swap3A_264 = tpu.memref_squeeze %swap3A_263 : memref<1x16x1024xf32, #tpu.memory_space<vmem>> -> memref<16x1024xf32, #tpu.memory_space<vmem>>
      %swap3A_265 = arith.index_cast %swap3A_260 : i32 to index
      %swap3A_266 = arith.index_cast %multiple_of3A : i32 to index
      %swap3A_267 = tpu.vector_load %swap3A_264[%swap3A_265, %swap3A_266] {strides = array<i32>} : memref<16x1024xf32, #tpu.memory_space<vmem>>, vector<16xf32>,
      tpu.vector_store %swap3A_264[%swap3A_265, %swap3A_266], %broadcast_in_dim3A_1 {strides = array<i32>} : memref<16x1024xf32, #tpu.memory_space<vmem>>, vector<16xf32>,
      %swap3A_268 = arith.constant 9 : i32
      %swap3A_269 = arith.constant 0 : i32
      %swap3A_270 = arith.constant 0 : i32
      %swap3A_271 = tpu.memref_slice %arg5[%scan3A_136, %swap3A_269, %swap3A_270] : memref<2x16x1024xf32, #tpu.memory_space<vmem>> -> memref<1x16x1024xf32, #tpu.memory_space<vmem>>
      %swap3A_272 = tpu.memref_squeeze %swap3A_271 : memref<1x16x1024xf32, #tpu.memory_space<vmem>> -> memref<16x1024xf32, #tpu.memory_space<vmem>>
      %swap3A_273 = arith.index_cast %swap3A_268 : i32 to index
      %swap3A_274 = arith.index_cast %multiple_of3A : i32 to index
      %swap3A_275 = tpu.vector_load %swap3A_272[%swap3A_273, %swap3A_274] {strides = array<i32>} : memref<16x1024xf32, #tpu.memory_space<vmem>>, vector<16xf32>,
      tpu.vector_store %swap3A_272[%swap3A_273, %swap3A_274], %broadcast_in_dim3A_1 {strides = array<i32>} : memref<16x1024xf32, #tpu.memory_space<vmem>>, vector<16xf32>,
      %swap3A_276 = arith.constant 10 : i32
      %swap3A_277 = arith.constant 0 : i32
      %swap3A_278 = arith.constant 0 : i32
      %swap3A_279 = tpu.memref_slice %arg5[%scan3A_136, %swap3A_277, %swap3A_278] : memref<2x16x1024xf32, #tpu.memory_space<vmem>> -> memref<1x16x1024xf32, #tpu.memory_space<vmem>>
      %swap3A_280 = tpu.memref_squeeze %swap3A_279 : memref<1x16x1024xf32, #tpu.memory_space<vmem>> -> memref<16x1024xf32, #tpu.memory_space<vmem>>
      %swap3A_281 = arith.index_cast %swap3A_276 : i32 to index
      %swap3A_282 = arith.index_cast %multiple_of3A : i32 to index
      %swap3A_283 = tpu.vector_load %swap3A_280[%swap3A_281, %swap3A_282] {strides = array<i32>} : memref<16x1024xf32, #tpu.memory_space<vmem>>, vector<16xf32>,
      tpu.vector_store %swap3A_280[%swap3A_281, %swap3A_282], %broadcast_in_dim3A_1 {strides = array<i32>} : memref<16x1024xf32, #tpu.memory_space<vmem>>, vector<16xf32>,
      %swap3A_284 = arith.constant 11 : i32
      %swap3A_285 = arith.constant 0 : i32
      %swap3A_286 = arith.constant 0 : i32
      %swap3A_287 = tpu.memref_slice %arg5[%scan3A_136, %swap3A_285, %swap3A_286] : memref<2x16x1024xf32, #tpu.memory_space<vmem>> -> memref<1x16x1024xf32, #tpu.memory_space<vmem>>
      %swap3A_288 = tpu.memref_squeeze %swap3A_287 : memref<1x16x1024xf32, #tpu.memory_space<vmem>> -> memref<16x1024xf32, #tpu.memory_space<vmem>>
      %swap3A_289 = arith.index_cast %swap3A_284 : i32 to index
      %swap3A_290 = arith.index_cast %multiple_of3A : i32 to index
      %swap3A_291 = tpu.vector_load %swap3A_288[%swap3A_289, %swap3A_290] {strides = array<i32>} : memref<16x1024xf32, #tpu.memory_space<vmem>>, vector<16xf32>,
      tpu.vector_store %swap3A_288[%swap3A_289, %swap3A_290], %broadcast_in_dim3A_1 {strides = array<i32>} : memref<16x1024xf32, #tpu.memory_space<vmem>>, vector<16xf32>,
      %swap3A_292 = arith.constant 12 : i32
      %swap3A_293 = arith.constant 0 : i32
      %swap3A_294 = arith.constant 0 : i32
      %swap3A_295 = tpu.memref_slice %arg5[%scan3A_136, %swap3A_293, %swap3A_294] : memref<2x16x1024xf32, #tpu.memory_space<vmem>> -> memref<1x16x1024xf32, #tpu.memory_space<vmem>>
      %swap3A_296 = tpu.memref_squeeze %swap3A_295 : memref<1x16x1024xf32, #tpu.memory_space<vmem>> -> memref<16x1024xf32, #tpu.memory_space<vmem>>
      %swap3A_297 = arith.index_cast %swap3A_292 : i32 to index
      %swap3A_298 = arith.index_cast %multiple_of3A : i32 to index
      %swap3A_299 = tpu.vector_load %swap3A_296[%swap3A_297, %swap3A_298] {strides = array<i32>} : memref<16x1024xf32, #tpu.memory_space<vmem>>, vector<16xf32>,
      tpu.vector_store %swap3A_296[%swap3A_297, %swap3A_298], %broadcast_in_dim3A_1 {strides = array<i32>} : memref<16x1024xf32, #tpu.memory_space<vmem>>, vector<16xf32>,
      %swap3A_300 = arith.constant 13 : i32
      %swap3A_301 = arith.constant 0 : i32
      %swap3A_302 = arith.constant 0 : i32
      %swap3A_303 = tpu.memref_slice %arg5[%scan3A_136, %swap3A_301, %swap3A_302] : memref<2x16x1024xf32, #tpu.memory_space<vmem>> -> memref<1x16x1024xf32, #tpu.memory_space<vmem>>
      %swap3A_304 = tpu.memref_squeeze %swap3A_303 : memref<1x16x1024xf32, #tpu.memory_space<vmem>> -> memref<16x1024xf32, #tpu.memory_space<vmem>>
      %swap3A_305 = arith.index_cast %swap3A_300 : i32 to index
      %swap3A_306 = arith.index_cast %multiple_of3A : i32 to index
      %swap3A_307 = tpu.vector_load %swap3A_304[%swap3A_305, %swap3A_306] {strides = array<i32>} : memref<16x1024xf32, #tpu.memory_space<vmem>>, vector<16xf32>,
      tpu.vector_store %swap3A_304[%swap3A_305, %swap3A_306], %broadcast_in_dim3A_1 {strides = array<i32>} : memref<16x1024xf32, #tpu.memory_space<vmem>>, vector<16xf32>,
      %swap3A_308 = arith.constant 14 : i32
      %swap3A_309 = arith.constant 0 : i32
      %swap3A_310 = arith.constant 0 : i32
      %swap3A_311 = tpu.memref_slice %arg5[%scan3A_136, %swap3A_309, %swap3A_310] : memref<2x16x1024xf32, #tpu.memory_space<vmem>> -> memref<1x16x1024xf32, #tpu.memory_space<vmem>>
      %swap3A_312 = tpu.memref_squeeze %swap3A_311 : memref<1x16x1024xf32, #tpu.memory_space<vmem>> -> memref<16x1024xf32, #tpu.memory_space<vmem>>
      %swap3A_313 = arith.index_cast %swap3A_308 : i32 to index
      %swap3A_314 = arith.index_cast %multiple_of3A : i32 to index
      %swap3A_315 = tpu.vector_load %swap3A_312[%swap3A_313, %swap3A_314] {strides = array<i32>} : memref<16x1024xf32, #tpu.memory_space<vmem>>, vector<16xf32>,
      tpu.vector_store %swap3A_312[%swap3A_313, %swap3A_314], %broadcast_in_dim3A_1 {strides = array<i32>} : memref<16x1024xf32, #tpu.memory_space<vmem>>, vector<16xf32>,
      %swap3A_316 = arith.constant 15 : i32
      %swap3A_317 = arith.constant 0 : i32
      %swap3A_318 = arith.constant 0 : i32
      %swap3A_319 = tpu.memref_slice %arg5[%scan3A_136, %swap3A_317, %swap3A_318] : memref<2x16x1024xf32, #tpu.memory_space<vmem>> -> memref<1x16x1024xf32, #tpu.memory_space<vmem>>
      %swap3A_320 = tpu.memref_squeeze %swap3A_319 : memref<1x16x1024xf32, #tpu.memory_space<vmem>> -> memref<16x1024xf32, #tpu.memory_space<vmem>>
      %swap3A_321 = arith.index_cast %swap3A_316 : i32 to index
      %swap3A_322 = arith.index_cast %multiple_of3A : i32 to index
      %swap3A_323 = tpu.vector_load %swap3A_320[%swap3A_321, %swap3A_322] {strides = array<i32>} : memref<16x1024xf32, #tpu.memory_space<vmem>>, vector<16xf32>,
      tpu.vector_store %swap3A_320[%swap3A_321, %swap3A_322], %broadcast_in_dim3A_1 {strides = array<i32>} : memref<16x1024xf32, #tpu.memory_space<vmem>>, vector<16xf32>,
      %scan3A_324 = arith.constant 0 : i32
      scf.yield %scan3A_324 : i32
    }
    %scan3A_143 = arith.constant 64 : i32
    %scan3A_144 = arith.constant 1 : i32
    %scan3A_145 = arith.constant 0 : i32
    %scan3A_146 = arith.constant 0 : i32
    %scan3A_147 = arith.constant 64 : i32
    %scan3A_148 = arith.addi %scan3A_146, %scan3A_147 : i32
    %scan3A_149 = arith.constant 4 : i32
    %scan3A_150 = scf.for %scan3A_193 = %scan3A_146 to %scan3A_148 step %scan3A_149 iter_args(%scan3A_194 = %scan3A_145) -> (i32)  : i32 {
      %mul3A_195 = arith.constant 16 : i32
      %mul3A_196 = arith.muli %scan3A_193, %mul3A_195 : i32
      %multiple_of3A = tpu.assume_multiple %mul3A_196, 16 : i32
      %get3A = arith.index_cast %multiple_of3A : i32 to index
      %get3A_197 = tpu.vector_load %arg4[%get3A] {strides = array<i32>} : memref<1024xi32, #tpu.memory_space<vmem>>, vector<16xi32>,
      %scatter3A = arith.constant 0 : i32
      %scatter3A_198 = arith.constant 0 : i32
      %scatter3A_199 = tpu.memref_slice %arg5[%scan3A_144, %scatter3A, %scatter3A_198] : memref<2x16x1024xf32, #tpu.memory_space<vmem>> -> memref<1x16x1024xf32, #tpu.memory_space<vmem>>
      %scatter3A_200 = tpu.memref_squeeze %scatter3A_199 : memref<1x16x1024xf32, #tpu.memory_space<vmem>> -> memref<16x1024xf32, #tpu.memory_space<vmem>>
      tpu.vector_store_idx %scatter3A_200[%iota3A, %get3A_197], %broadcast_in_dim3A_3 {add = true} : memref<16x1024xf32, #tpu.memory_space<vmem>>[vector<16xi32>, vector<16xi32>], vector<16xf32>,
      %scan3A_201 = arith.constant 0 : i32
      %scan3A_202 = arith.constant 1 : i32
      %scan3A_203 = arith.addi %scan3A_193, %scan3A_202 : i32
      %mul3A_204 = arith.constant 16 : i32
      %mul3A_205 = arith.muli %scan3A_203, %mul3A_204 : i32
      %multiple_of3A_206 = tpu.assume_multiple %mul3A_205, 16 : i32
      %get3A_207 = arith.index_cast %multiple_of3A_206 : i32 to index
      %get3A_208 = tpu.vector_load %arg4[%get3A_207] {strides = array<i32>} : memref<1024xi32, #tpu.memory_space<vmem>>, vector<16xi32>,
      %scatter3A_209 = arith.constant 0 : i32
      %scatter3A_210 = arith.constant 0 : i32
      %scatter3A_211 = tpu.memref_slice %arg5[%scan3A_144, %scatter3A_209, %scatter3A_210] : memref<2x16x1024xf32, #tpu.memory_space<vmem>> -> memref<1x16x1024xf32, #tpu.memory_space<vmem>>
      %scatter3A_212 = tpu.memref_squeeze %scatter3A_211 : memref<1x16x1024xf32, #tpu.memory_space<vmem>> -> memref<16x1024xf32, #tpu.memory_space<vmem>>
      tpu.vector_store_idx %scatter3A_212[%iota3A, %get3A_208], %broadcast_in_dim3A_3 {add = true} : memref<16x1024xf32, #tpu.memory_space<vmem>>[vector<16xi32>, vector<16xi32>], vector<16xf32>,
      %scan3A_213 = arith.constant 0 : i32
      %scan3A_214 = arith.constant 2 : i32
      %scan3A_215 = arith.addi %scan3A_193, %scan3A_214 : i32
      %mul3A_216 = arith.constant 16 : i32
      %mul3A_217 = arith.muli %scan3A_215, %mul3A_216 : i32
      %multiple_of3A_218 = tpu.assume_multiple %mul3A_217, 16 : i32
      %get3A_219 = arith.index_cast %multiple_of3A_218 : i32 to index
      %get3A_220 = tpu.vector_load %arg4[%get3A_219] {strides = array<i32>} : memref<1024xi32, #tpu.memory_space<vmem>>, vector<16xi32>,
      %scatter3A_221 = arith.constant 0 : i32
      %scatter3A_222 = arith.constant 0 : i32
      %scatter3A_223 = tpu.memref_slice %arg5[%scan3A_144, %scatter3A_221, %scatter3A_222] : memref<2x16x1024xf32, #tpu.memory_space<vmem>> -> memref<1x16x1024xf32, #tpu.memory_space<vmem>>
      %scatter3A_224 = tpu.memref_squeeze %scatter3A_223 : memref<1x16x1024xf32, #tpu.memory_space<vmem>> -> memref<16x1024xf32, #tpu.memory_space<vmem>>
      tpu.vector_store_idx %scatter3A_224[%iota3A, %get3A_220], %broadcast_in_dim3A_3 {add = true} : memref<16x1024xf32, #tpu.memory_space<vmem>>[vector<16xi32>, vector<16xi32>], vector<16xf32>,
      %scan3A_225 = arith.constant 0 : i32
      %scan3A_226 = arith.constant 3 : i32
      %scan3A_227 = arith.addi %scan3A_193, %scan3A_226 : i32
      %mul3A_228 = arith.constant 16 : i32
      %mul3A_229 = arith.muli %scan3A_227, %mul3A_228 : i32
      %multiple_of3A_230 = tpu.assume_multiple %mul3A_229, 16 : i32
      %get3A_231 = arith.index_cast %multiple_of3A_230 : i32 to index
      %get3A_232 = tpu.vector_load %arg4[%get3A_231] {strides = array<i32>} : memref<1024xi32, #tpu.memory_space<vmem>>, vector<16xi32>,
      %scatter3A_233 = arith.constant 0 : i32
      %scatter3A_234 = arith.constant 0 : i32
      %scatter3A_235 = tpu.memref_slice %arg5[%scan3A_144, %scatter3A_233, %scatter3A_234] : memref<2x16x1024xf32, #tpu.memory_space<vmem>> -> memref<1x16x1024xf32, #tpu.memory_space<vmem>>
      %scatter3A_236 = tpu.memref_squeeze %scatter3A_235 : memref<1x16x1024xf32, #tpu.memory_space<vmem>> -> memref<16x1024xf32, #tpu.memory_space<vmem>>
      tpu.vector_store_idx %scatter3A_236[%iota3A, %get3A_232], %broadcast_in_dim3A_3 {add = true} : memref<16x1024xf32, #tpu.memory_space<vmem>>[vector<16xi32>, vector<16xi32>], vector<16xf32>,
      %scan3A_237 = arith.constant 0 : i32
      scf.yield %scan3A_237 : i32
    }
    %scan3A_151 = arith.constant 64 : i32
    %mul3A_152 = arith.constant 16 : i32
    %mul3A_153 = arith.muli %add3A_135, %mul3A_152 : i32
    %dma_start3A_154 = arith.constant 1 : i32
    %dma_start3A_155 = arith.constant 0 : i32
    %dma_start3A_156 = arith.constant 0 : i32
    %dma_start3A_157 = tpu.memref_slice %arg5[%dma_start3A_154, %dma_start3A_155, %dma_start3A_156] : memref<2x16x1024xf32, #tpu.memory_space<vmem>> -> memref<1x16x1024xf32, #tpu.memory_space<vmem>>
    %dma_start3A_158 = tpu.memref_squeeze %dma_start3A_157 : memref<1x16x1024xf32, #tpu.memory_space<vmem>> -> memref<16x1024xf32, #tpu.memory_space<vmem>>
    %dma_start3A_159 = arith.constant 0 : i32
    %dma_start3A_160 = tpu.memref_slice %arg3[%mul3A_153, %dma_start3A_159] : memref<2048x1024xf32, #tpu.memory_space<hbm>> -> memref<16x1024xf32, #tpu.memory_space<hbm>>
    %dma_start3A_161 = arith.constant 0 : i32
    %dma_start3A_162 = tpu.memref_slice %arg3[%mul3A_153, %dma_start3A_161] : memref<2048x1024xf32, #tpu.memory_space<hbm>> -> memref<16x1024xf32, #tpu.memory_space<hbm>>
    %dma_start3A_163 = arith.constant 0 : i32
    %dma_start3A_164 = arith.constant 0 : i32
    %dma_start3A_165 = tpu.memref_slice %arg5[%dma_start3A_154, %dma_start3A_163, %dma_start3A_164] : memref<2x16x1024xf32, #tpu.memory_space<vmem>> -> memref<1x16x1024xf32, #tpu.memory_space<vmem>>
    %dma_start3A_166 = tpu.memref_squeeze %dma_start3A_165 : memref<1x16x1024xf32, #tpu.memory_space<vmem>> -> memref<16x1024xf32, #tpu.memory_space<vmem>>
    tpu.enqueue_dma source(%dma_start3A_166 : memref<16x1024xf32, #tpu.memory_space<vmem>>) target(%dma_start3A_162 : memref<16x1024xf32, #tpu.memory_space<hbm>>) target_semaphore(%arg7 : memref<!tpu.dma_semaphore, #tpu.memory_space<semaphore_mem>>)
    %dma_wait3A_167 = arith.constant 0 : i32
    %dma_wait3A_168 = arith.constant 0 : i32
    %dma_wait3A_169 = arith.constant 0 : i32
    %dma_wait3A_170 = tpu.memref_slice %arg5[%dma_wait3A_167, %dma_wait3A_168, %dma_wait3A_169] : memref<2x16x1024xf32, #tpu.memory_space<vmem>> -> memref<1x16x1024xf32, #tpu.memory_space<vmem>>
    %dma_wait3A_171 = tpu.memref_squeeze %dma_wait3A_170 : memref<1x16x1024xf32, #tpu.memory_space<vmem>> -> memref<16x1024xf32, #tpu.memory_space<vmem>>
    %dma_wait3A_172 = arith.constant 0 : i32
    %dma_wait3A_173 = tpu.memref_slice %arg3[%mul3A_105, %dma_wait3A_172] : memref<2048x1024xf32, #tpu.memory_space<hbm>> -> memref<16x1024xf32, #tpu.memory_space<hbm>>
    %dma_wait3A_174 = arith.constant 0 : i32
    %dma_wait3A_175 = tpu.memref_slice %arg3[%mul3A_105, %dma_wait3A_174] : memref<2048x1024xf32, #tpu.memory_space<hbm>> -> memref<16x1024xf32, #tpu.memory_space<hbm>>
    %dma_wait3A_176 = arith.constant 0 : i32
    %dma_wait3A_177 = arith.constant 0 : i32
    %dma_wait3A_178 = tpu.memref_slice %arg5[%dma_wait3A_167, %dma_wait3A_176, %dma_wait3A_177] : memref<2x16x1024xf32, #tpu.memory_space<vmem>> -> memref<1x16x1024xf32, #tpu.memory_space<vmem>>
    %dma_wait3A_179 = tpu.memref_squeeze %dma_wait3A_178 : memref<1x16x1024xf32, #tpu.memory_space<vmem>> -> memref<16x1024xf32, #tpu.memory_space<vmem>>
    tpu.wait_dma2 semaphore(%arg6 : memref<!tpu.dma_semaphore, #tpu.memory_space<semaphore_mem>>) src(%dma_wait3A_179 : memref<16x1024xf32, #tpu.memory_space<vmem>>) dst(%dma_wait3A_175 : memref<16x1024xf32, #tpu.memory_space<hbm>>)
    %dma_wait3A_180 = arith.constant 1 : i32
    %dma_wait3A_181 = arith.constant 0 : i32
    %dma_wait3A_182 = arith.constant 0 : i32
    %dma_wait3A_183 = tpu.memref_slice %arg5[%dma_wait3A_180, %dma_wait3A_181, %dma_wait3A_182] : memref<2x16x1024xf32, #tpu.memory_space<vmem>> -> memref<1x16x1024xf32, #tpu.memory_space<vmem>>
    %dma_wait3A_184 = tpu.memref_squeeze %dma_wait3A_183 : memref<1x16x1024xf32, #tpu.memory_space<vmem>> -> memref<16x1024xf32, #tpu.memory_space<vmem>>
    %dma_wait3A_185 = arith.constant 0 : i32
    %dma_wait3A_186 = tpu.memref_slice %arg3[%mul3A_153, %dma_wait3A_185] : memref<2048x1024xf32, #tpu.memory_space<hbm>> -> memref<16x1024xf32, #tpu.memory_space<hbm>>
    %dma_wait3A_187 = arith.constant 0 : i32
    %dma_wait3A_188 = tpu.memref_slice %arg3[%mul3A_153, %dma_wait3A_187] : memref<2048x1024xf32, #tpu.memory_space<hbm>> -> memref<16x1024xf32, #tpu.memory_space<hbm>>
    %dma_wait3A_189 = arith.constant 0 : i32
    %dma_wait3A_190 = arith.constant 0 : i32
    %dma_wait3A_191 = tpu.memref_slice %arg5[%dma_wait3A_180, %dma_wait3A_189, %dma_wait3A_190] : memref<2x16x1024xf32, #tpu.memory_space<vmem>> -> memref<1x16x1024xf32, #tpu.memory_space<vmem>>
    %dma_wait3A_192 = tpu.memref_squeeze %dma_wait3A_191 : memref<1x16x1024xf32, #tpu.memory_space<vmem>> -> memref<16x1024xf32, #tpu.memory_space<vmem>>
    tpu.wait_dma2 semaphore(%arg7 : memref<!tpu.dma_semaphore, #tpu.memory_space<semaphore_mem>>) src(%dma_wait3A_192 : memref<16x1024xf32, #tpu.memory_space<vmem>>) dst(%dma_wait3A_188 : memref<16x1024xf32, #tpu.memory_space<hbm>>)
    return
  }
}

module attributes {stable_mosaic.version = 14 : i64} {
  func.func @_qf_tc_kernel(%arg0: i32, %arg1: memref<256x1024xf32, #tpu.memory_space<vmem>>, %arg2: memref<1024x1024xf32, #tpu.memory_space<vmem>>, %arg3: memref<256xf32, #tpu.memory_space<vmem>>) attributes {dimension_semantics = [#tpu.dimension_semantics<arbitrary>], iteration_bounds = array<i64: 8>, scalar_prefetch = 0 : i64, scratch_operands = 0 : i64, tpu.core_type = #tpu.core_type<tc>, window_params = [{transform_indices = @transform_0, window_bounds = array<i64: 256, 1024>}, {pipeline_mode = #tpu.pipeline_mode<synchronous>, transform_indices = @transform_1, window_bounds = array<i64: 1024, 1024>}, {transform_indices = @transform_2, window_bounds = array<i64: 256>}]} {
    %get3A = arith.constant 0 : index
    %get3A_0 = arith.constant 0 : index
    %get3A_1 = vector.load %arg1[%get3A, %get3A_0] : memref<256x1024xf32, #tpu.memory_space<vmem>>, vector<256x1024xf32>
    %get3A_2 = arith.constant 0 : index
    %get3A_3 = arith.constant 0 : index
    %get3A_4 = vector.load %arg2[%get3A_2, %get3A_3] : memref<1024x1024xf32, #tpu.memory_space<vmem>>, vector<1024x1024xf32>
    %dot_general3A = arith.constant dense<0.000000e+00> : vector<256x1024xf32>
    %dot_general3A_5 = tpu.matmul %get3A_1, %get3A_4, %dot_general3A {dimension_numbers = #tpu.dot_dimension_numbers<[1], [0], [0], [1], [0, 0, 1, 1], [], []>, transpose_lhs_hint = false} : vector<256x1024xf32>, vector<1024x1024xf32>, vector<256x1024xf32> -> vector<256x1024xf32>
    %mul3A = arith.mulf %dot_general3A_5, %get3A_1 : vector<256x1024xf32>
    %reduce_sum3A = arith.constant dense<0.000000e+00> : vector<256xf32>
    %reduce_sum3A_6 = vector.multi_reduction <add>, %mul3A, %reduce_sum3A [1] : vector<256x1024xf32> to vector<256xf32>
    %swap3A = arith.constant 0 : index
    %swap3A_7 = vector.load %arg3[%swap3A] : memref<256xf32, #tpu.memory_space<vmem>>, vector<256xf32>
    tpu.vector_store %arg3[%swap3A], %reduce_sum3A_6 {strides = array<i32>} : memref<256xf32, #tpu.memory_space<vmem>>, vector<256xf32>,
    return
  }
  func.func @transform_0(%arg0: i32) -> (i32, i32) {
    %c0_i32 = arith.constant 0 : i32
    %c0_i32_0 = arith.constant 0 : i32
    return %arg0, %c0_i32 : i32, i32
  }
  func.func @transform_1(%arg0: i32) -> (i32, i32) {
    %c0_i32 = arith.constant 0 : i32
    %c0_i32_0 = arith.constant 0 : i32
    %c0_i32_1 = arith.constant 0 : i32
    return %c0_i32, %c0_i32_0 : i32, i32
  }
  func.func @transform_2(%arg0: i32) -> i32 {
    %c0_i32 = arith.constant 0 : i32
    return %arg0 : i32
  }
}

</mosaic_0001>

<sc_bundles>
// kernel: kernel.6.cloned.1.call-start
scs
__scs_entry_jumppad:
0x0: {  	(pc) =	sbr.rel $0x88, $3  }
0x1: {  	(tag) =	ssettag $0x0;
	lr =	simm.s32 $0x1  }
0x2: {  	[smem:$0x3F9F] =	sst lr;
	_ =	strace $0xD0000000  }
0x3: {  	_ = 	snop  }
0x4: {  	_ = 	snop  }
0x5: {  	_ = 	snop  }
0x6: {  	_ = 	snop  }
0x7: {  	_ = 	snop  }
__scs_overlays_trampoline_lowered:
0x8: {  	[smem:$0x3FAE] =	sst s0  }
0x9: {  	[smem:$0x3FAF] =	sst s1  }
0xa: {  	[smem:$0x3FB0] =	sst s2  }
0xb: {  	[smem:$0x3FB1] =	sst s3  }
0xc: {  	[smem:$0x3FB2] =	sst s4  }
0xd: {  	[smem:$0x3FB3] =	sst s5  }
0xe: {  	[smem:$0x3FB4] =	sst s6  }
0xf: {  	[smem:$0x3FB5] =	sst s7  }
0x10: {  	[smem:$0x3FB6] =	sst s8  }
0x11: {  	[smem:$0x3FB7] =	sst s9;
	s0 =	simm.s32 @!p0 $0x0  }
0x12: {  	s1 =	sld [smem:$0x3F9D];
	s0 =	simm.s32 @p0 $0x1  }
0x13: {  	[smem:$0x3FB8] =	sst s0;
	s0 =	simm.s32 @!p1 $0x0  }
0x14: {  	s2 =	sld [smem:$0x3F9C];
	s0 =	simm.s32 @p1 $0x1  }
0x15: {  	[smem:$0x3FB9] =	sst s0;
	s0 =	simm.s32 @!p2 $0x0  }
0x16: {  	s3 =	sld [smem:$0x3FDB];
	s0 =	simm.s32 @p2 $0x1  }
0x17: {  	s4 =	simm.s32 $0x1BF5;
	[smem:$0x3FBB] =	sst s0  }
0x18: {  	s0 =	sld [smem:$0x3F9E];
	_ =	swait.ge [sflag:s4], $0x0  }
0x19: {  	s7 =	sld [smem:$0x3F9F]  }
0x1a: {  	s8 =	sadd.s32 $0xFFFFE003, lr  }
0x1b: {  	s9 =	sadd.s32 $0xFFFFFEF7, lr;
	s5 =	simm.s32 $0xFFFFFFFF;
	p2 =	slt.u32 s8, $0xFFFFF086  }
0x1c: {  	p1 =	slt.u32 s9, $0xF7A;
	s5 =	simm.s32 @!p2 $0x0  }
0x1d: {  	s5 =	simm.s32 @p1 $0x1;
	p0 =	seq.s32 s7, s2  }
0x1e: {  	s7 =	smul.u32 @!p0 $0xF7A, s2;
	p2 =	seq.s32 @!p0 s5, $0x0  }
0x1f: {  	s9 =	smul.u32 $0xF7A, s1;
	s8 =	simm.s32 @!p0 $0x1BF5;
	p2 =	por !p2, p0  }
0x20: {  	[sflag:s8] =	ssyncset.s32 @!p0 $0xFFFFF086;
	s6 =	sadd.s32 @!p0 s3, s7;
	s7 =	simm.s32 @!p0 $0x108  }
0x21: {  	s3 =	sadd.s32 s3, s9;
	s6 =	sadd.s32 @!p0 $0x88, s6;
	s7 =	simm.s32 @p2 $0x1082  }
0x22: {  	[simem:s7], [sflag:s8] =	dma.local @!p0 [hbm:s6], $0xF7A  }
0x23: {  	s9 =	sor.u32 $0xD0000000, s2;
	s6 =	simm.s32 $0x108;
	_ =	swait.ge @!p0 [sflag:s8], $0x0  }
0x24: {  	s3 =	sadd.s32 $0x88, s3;
	s6 =	simm.s32 @!p1 $0x1082;
	[sflag:s4] =	ssyncset.s32 $0xFFFFF086  }
0x25: {  	[simem:s6], [sflag:s4] =	dma.local [hbm:s3], $0xF7A  }
0x26: {  	[smem:$0x3F9F] =	sst s1;
	(tag) =	ssettag s2;
	_ =	strace s9  }
0x27: {  	s1 =	sld [smem:$0x3FAF]  }
0x28: {  	s2 =	sld [smem:$0x3FB0]  }
0x29: {  	s4 =	sld [smem:$0x3FB2]  }
0x2a: {  	p0 =	seq.s32 s5, $0x0;
	s5 =	sld [smem:$0x3FB3]  }
0x2b: {  	s6 =	sld [smem:$0x3FB4]  }
0x2c: {  	s7 =	sld [smem:$0x3FB5]  }
0x2d: {  	s3 =	simm.s32 $0x108;
	s8 =	sld [smem:$0x3FB6]  }
0x2e: {  	s3 =	simm.s32 @!p0 $0x1082;
	s9 =	sld [smem:$0x3FB7]  }
0x2f: {  	lr =	sadd.s32 s0, s3;
	s0 =	sld [smem:$0x3FAE]  }
0x30: {  	s3 =	sld [smem:$0x3FB1]  }
0x31: {  	[smem:$0x3FBA] =	sst s10  }
0x32: {  	s10 =	sld [smem:$0x3FB8];
	_ =	sdelay $0x3  }
0x33: {  	p0 =	seq.s32 s10, $0x1;
	s10 =	sld [smem:$0x3FBA];
	_ =	sdelay $0x3  }
0x34: {  	[smem:$0x3FBA] =	sst s10  }
0x35: {  	s10 =	sld [smem:$0x3FB9];
	_ =	sdelay $0x3  }
0x36: {  	p1 =	seq.s32 s10, $0x1;
	s10 =	sld [smem:$0x3FBA];
	_ =	sdelay $0x3  }
0x37: {  	[smem:$0x3FBA] =	sst s10  }
0x38: {  	s10 =	sld [smem:$0x3FBB]  }
0x39: {  	_ = 	snop;
	(pc) =	sbr.ind lr, $3  }
0x3a: {  	_ = 	snop  }
0x3b: {  	_ = 	snop  }
0x3c: {  	p2 =	seq.s32 s10, $0x1;
	s10 =	sld [smem:$0x3FBA]  }
0x3d: {  	_ =	shalt  }
0x3e: {  	_ =	shalt  }
0x3f: {  	_ =	shalt  }
0x40: {  	_ =	shalt  }
0x41: {  	_ =	shalt  }
0x42: {  	_ =	shalt  }
0x43: {  	_ =	shalt  }
0x44: {  	_ =	shalt  }
0x45: {  	_ =	shalt  }
0x46: {  	_ =	shalt  }
0x47: {  	_ =	shalt  }
0x48: {  	_ =	shalt  }
0x49: {  	_ =	shalt  }
0x4a: {  	_ =	shalt  }
0x4b: {  	_ =	shalt  }
0x4c: {  	_ =	shalt  }
0x4d: {  	_ =	shalt  }
0x4e: {  	_ =	shalt  }
0x4f: {  	_ =	shalt  }
0x50: {  	_ =	shalt  }
0x51: {  	_ =	shalt  }
0x52: {  	_ =	shalt  }
0x53: {  	_ =	shalt  }
0x54: {  	_ =	shalt  }
0x55: {  	_ =	shalt  }
0x56: {  	_ =	shalt  }
0x57: {  	_ =	shalt  }
0x58: {  	_ =	shalt  }
0x59: {  	_ =	shalt  }
0x5a: {  	_ =	shalt  }
0x5b: {  	_ =	shalt  }
0x5c: {  	_ =	shalt  }
0x5d: {  	_ =	shalt  }
0x5e: {  	_ =	shalt  }
0x5f: {  	_ =	shalt  }
0x60: {  	_ =	shalt  }
0x61: {  	_ =	shalt  }
0x62: {  	_ =	shalt  }
0x63: {  	_ =	shalt  }
0x64: {  	_ =	shalt  }
0x65: {  	_ =	shalt  }
0x66: {  	_ =	shalt  }
0x67: {  	_ =	shalt  }
0x68: {  	_ =	shalt  }
0x69: {  	_ =	shalt  }
0x6a: {  	_ =	shalt  }
0x6b: {  	_ =	shalt  }
0x6c: {  	_ =	shalt  }
0x6d: {  	_ =	shalt  }
0x6e: {  	_ =	shalt  }
0x6f: {  	_ =	shalt  }
0x70: {  	_ =	shalt  }
0x71: {  	_ =	shalt  }
0x72: {  	_ =	shalt  }
0x73: {  	_ =	shalt  }
0x74: {  	_ =	shalt  }
0x75: {  	_ =	shalt  }
0x76: {  	_ =	shalt  }
0x77: {  	_ =	shalt  }
0x78: {  	_ =	shalt  }
0x79: {  	_ =	shalt  }
0x7a: {  	_ =	shalt  }
0x7b: {  	_ =	shalt  }
0x7c: {  	_ =	shalt  }
0x7d: {  	_ =	shalt  }
0x7e: {  	_ =	shalt  }
0x7f: {  	_ =	shalt  }
0x80: {  	_ =	shalt  }
0x81: {  	_ =	shalt  }
0x82: {  	_ =	shalt  }
0x83: {  	_ =	shalt  }
0x84: {  	_ =	shalt  }
0x85: {  	_ =	shalt  }
0x86: {  	_ =	shalt  }
0x87: {  	_ =	shalt  }
.Lfunc_end0:
.L_simem_size_0:
called_computation_lowered:
.L_overlay_start_0:
0x88: {  	s2 =	sld [smem:$0x3FD9]  }
0x89: {  	s3 =	sld [smem:$0x3FFE];
	_ =	sdelay $0x1  }
0x8a: {  	s1 =	srdreg.scid  }
0x8b: {  	s0 =	sand.u32 $0x1, s1  }
0x8c: {  	s17 =	sshll.u32 s0, $0xA;
	s2 =	sadd.s32 s3, s2  }
0x8d: {  	s2 =	sadd.s32 s2, s17  }
0x8e: {  	[smem:$0x3FC6] =	sst s2  }
0x8f: {  	_ = 	snop  }
0x90: {  	(tm) =	ssettm $0x1  }
0x91: {  	s18 =	sld [smem:$0x3FFB];
	_ =	sdelay $0x3  }
0x92: {  	_ =	strace s18  }
0x93: {  	s2 =	sld [smem:$0x3FFC];
	_ =	sdelay $0x3  }
0x94: {  	_ =	strace s2  }
0x95: {  	s2 =	sld [smem:$0x3FFD];
	_ =	sdelay $0x3  }
0x96: {  	_ =	strace s2  }
0x97: {  	_ =	strace $0x8FFFFFFF  }
0x98: {  	s19 =	sld [smem:$0x3FDB];
	_ =	sdelay $0x1  }
0x99: {  	s20 =	simm.s32 $_scs_section_size  }
0x9a: {  	s4 =	simm.s32 $_size__tile_overlayer_lowered;
	s5 =	simm.s32 $_tile_overlayer_lowered  }
0x9b: {  	s6 =	simm.s32 $0x1BFF;
	s21 =	sshll.u32 s5, $0x1;
	s3 =	sadd.s32 s20, s19  }
0x9c: {  	s22 =	simm.s32 $0x0;
	s4 =	sshll.u32 s4, $0x1;
	s5 =	sadd.s32 s21, s3  }
0x9d: {  	[timem:s22], [sflag:s6] =	dma.local [hbm:s5], s4  }
0x9e: {  	_ =	swait.ge [sflag:s6], s4  }
0x9f: {  	s4 =	ssub.s32 $0x0, s4;
	[sflag:s6] =	ssyncset.done $0x0  }
0xa0: {  	[sflag:s6] =	ssyncadd.s32 s4;
	_ =	sdelay $0x1  }
0xa1: {  	s23 =	simm.s32 $0x1B8B  }
0xa2: {  	_ =	swait.ge [sflag:s23], $0x1  }
0xa3: {  	[sflag:s23] =	ssyncset.done $0x0  }
0xa4: {  	[sflag:s23] =	ssyncadd.s32 $0xFFFFFFFF  }
0xa5: {  	s4 =	sld [smem:$0x0]  }
0xa6: {  	s5 =	sand.u32 $0xFFFFFFFE, s1  }
0xa7: {  	p0 =	sne.s32 s1, s5  }
0xa8: {  	s5 =	sshll.u32 @p0 s5, $0xE  }
0xa9: {  	s5 =	sadd.s32 @p0 $0x11B8D, s5;
	s6 =	sshll.u32 @p0 s4, $0x11  }
0xaa: {  	s5 =	sor.u32 @p0 s6, s5  }
0xab: {  	[sflag:s5] =	ssyncadd.remote.s32 @p0 $0x1;
	_ =	sdelay $0x1  }
0xac: {  	s5 =	simm.s32 @p0 $0x1B8D  }
0xad: {  	_ =	swait.eq @p0 [sflag:s5], $0x1  }
0xae: {  	[sflag:s5] =	ssyncadd.s32 @p0 $0xFFFFFFFF  }
0xaf: {  	s6 =	sshll.u32 @!p0 s1, $0xE  }
0xb0: {  	s6 =	sor.u32 @!p0 $0x4000, s6;
	s5 =	simm.s32 @!p0 $0x1B8D  }
0xb1: {  	s4 =	sshll.u32 @!p0 s4, $0x11;
	s6 =	sadd.s32 @!p0 $0x11B8D, s6;
	_ =	swait.eq @!p0 [sflag:s5], $0x1  }
0xb2: {  	s4 =	sor.u32 @!p0 s4, s6;
	[sflag:s5] =	ssyncadd.s32 @!p0 $0xFFFFFFFF  }
0xb3: {  	s25 =	simm.s32 $0x1B8E;
	s24 =	sld [smem:$0x3FFE];
	[sflag:s4] =	ssyncadd.remote.s32 @!p0 $0x1  }
0xb4: {  	s26 =	simm.s32 $execute0_lowered;
	[smem:$0x3FD2] =	sst s25  }
0xb5: {  	s5 =	sshll.u32 s26, $0x1;
	_ =	strace $0x80000049;
	[dreg:$0x1] =	wrdreg $0xFFFFFFFF  }
0xb6: {  	s28 =	simm.s32 $_size_execute0_lowered;
	s3 =	sadd.s32 s3, s5;
	[dreg:$0x0] =	wrdreg $0x0  }
0xb7: {  	s5 =	sshll.u32 s28, $0x1;
	[dreg:$0x2] =	wrdreg s3  }
0xb8: {  	[dreg:$0x3] =	wrdreg s5  }
0xb9: {  	[dreg:$0x4] =	wrdreg $0xC0  }
0xba: {  	_ =	task [dreg:s22], $0x5FFFF  }
0xbb: {  	[dreg:$0x1] =	wrdreg $0xFFFFFFFF  }
0xbc: {  	[dreg:$0x0] =	wrdreg $0x60  }
0xbd: {  	[dreg:$0x2] =	wrdreg s24  }
0xbe: {  	[dreg:$0x3] =	wrdreg $0x9  }
0xbf: {  	_ =	task.clear_ibuf [dreg:s22], $0x4FFFF;
	_ =	strace $0x90000049  }
0xc0: {  	s29 =	simm.s32 $0x9;
	_ =	strace $0x8000004B  }
0xc1: {  	_ =	swait.ge [sflag:s29], $0x1  }
0xc2: {  	[sflag:s29] =	ssyncadd.s32 $0xFFFFFFFF  }
0xc3: {  	_ =	strace $0x9000004B  }
0xc4: {  	_ =	sfence  }
0xc5: {  	s30 =	sld [smem:$0x0];
	_ =	sdelay $0x2  }
0xc6: {  	s31 =	sshll.u32 s1, $0xD;
	s1 =	sshrl.u32 s1, $0x2  }
0xc7: {  	s4 =	sand.u32 $0x4000, s31;
	s1 =	sadd.s32 s1, s30  }
0xc8: {  	s0 =	sor.u32 s4, s0;
	s1 =	sshll.u32 s1, $0x11  }
0xc9: {  	s0 =	sor.u32 s1, s0  }
0xca: {  	s0 =	sadd.s32 $0x8F2B, s0  }
0xcb: {  	[sflag:s0] =	ssyncadd.remote.s32 $0x1  }
0xcc: {  	_ =	sfence.sel $0xFFFF  }
0xcd: {  	[dreg:$0x0] =	wrdreg $0xFFFFFFFF;
	(pc) =	sbr.abs _section_cstart, $3  }
0xce: {  	[dreg:$0x1] =	wrdreg $0xFFFFFFFF  }
0xcf: {  	_ =	task.clear_ibuf [dreg:s22], $0x2FFFF;
	_ =	strace $0x9FFFFFFF  }
0xd0: {  	(tm) =	ssettm $0x7FFFFFFF  }
0xd1: {  	_ =	shalt  }
tec
execute0_lowered:
.L_overlay_start_1:
0x0: {  	(tag) =	ssettag $0x1  }
0x1: {  	s3 =	rddreg [dreg:$0x0]  }
0x2: {  	s0 =	rddreg [dreg:$0x1];
	s2 =	simm.s32 $0x0;
	s4 =	srdreg.scid  }
0x3: {  	s1 =	stileid.u32;
	s16 =	simm.s32 $0x1;
	[smem:$0x7FF] =	sst s2  }
0x4: {  	v0 =	vimm.s32 $0x2380;
	vm0 =	vcmask $0x300;
	s9 =	sadd.s32 $0x44A00, s3;
	s4 =	sand.u32 $0x1, s4;
	s5 =	sshll.u32 s1, $0x1  }
0x5: {  	vm14 =	vcmask $0x704;
	s10 =	sadd.s32 $0x48A00, s3;
	v0 =	vsel vm0, $0x0, v0;
	s7 =	sshll.u32 s1, $0xD;
	_ =	strace $0x8000004A  }
0x6: {  	vm15 =	vcmask $0xB08;
	s17 =	ssub.s32 $0x2, s4;
	s5 =	sor.u32 s4, s5;
	s4 =	sshll.u32 s4, $0x9;
	v0 =	vsel vm14, $0x80, v0  }
0x7: {  	vm4 =	vcmask $0xF0C;
	s6 =	sshll.u32 s5, $0x2;
	s8 =	sshrl.u32 s17, $0x1;
	s4 =	sor.u32 s4, s7;
	v0 =	vsel vm15, $0x100, v0  }
0x8: {  	vm5 =	vcmask $0x1310;
	s20 =	sshll.u32 s5, $0xD;
	s14 =	sshllo.u32 s5, $0x2;
	s11 =	sor.u32 $0x1, s6;
	v0 =	vsel vm4, $0x180, v0  }
0x9: {  	vm6 =	vcmask $0x1714;
	s12 =	ssub.s32 s17, s8;
	s18 =	sshrl.u32 s4, $0x3;
	s4 =	sadd.s32 s10, s20;
	v0 =	vsel vm5, $0x200, v0  }
0xa: {  	vm7 =	vcmask $0x1B18;
	s22 =	sor.u32 $0x2, s6;
	s26 =	sshll.u32 s14, $0x7;
	s31 =	sshll.u32 s14, $0xB;
	v0 =	vsel vm6, $0x280, v0  }
0xb: {  	vm8 =	vcmask $0x1F1C;
	s14 =	simm.s32 $0x3;
	s17 =	simm.s32 $0x2;
	s19 =	sshll.u32 s11, $0x7;
	v0 =	vsel vm7, $0x300, v0  }
0xc: {  	vm9 =	vcmask $0x2320;
	s3 =	sadd.s32 s9, s18;
	s24 =	sshll.u32 s22, $0x7;
	s11 =	sshll.u32 s11, $0xB;
	v0 =	vsel vm8, $0x380, v0  }
0xd: {  	vm10 =	vcmask $0x2724;
	s8 =	sand.u32 $0x380, s26;
	s29 =	sshll.u32 s22, $0xB;
	s18 =	simm.s32 $0x0;
	v0 =	vsel vm9, $0x2000, v0  }
0xe: {  	vm11 =	vcmask $0x2B28;
	s13 =	sand.u32 $0x280, s19;
	s25 =	sand.u32 $0x300, s24;
	s6 =	sadd.s32 s10, s11;
	v0 =	vsel vm10, $0x2080, v0  }
0xf: {  	vm12 =	vcmask $0x2F2C;
	s8 =	sor.u32 s7, s8;
	s11 =	smax.u32 s12, $0x1;
	s12 =	simm.s32 $0x80;
	v0 =	vsel vm11, $0x2100, v0  }
0x10: {  	vm13 =	vcmask $0x3330;
	s21 =	sor.u32 s7, s13;
	s15 =	sor.u32 s7, s25;
	s30 =	sshrl.u32 s8, $0x3;
	v0 =	vsel vm12, $0x2180, v0  }
0x11: {  	vm14 =	vcmask $0x3734;
	s8 =	sadd.s32 s10, s29;
	s10 =	sadd.s32 s10, s31;
	s13 =	simm.s32 $0x400;
	v0 =	vsel vm13, $0x2200, v0  }
0x12: {  	vm15 =	vcmask $0x3B38;
	s23 =	sshrl.u32 s21, $0x3;
	s28 =	sshrl.u32 s15, $0x3;
	s15 =	simm.s32 $0x4400;
	v1 =	vsel vm14, $0x2280, v0  }
0x13: {  	v2 =	vimm.f32 $1.000000000e+00;
	s5 =	sadd.s32 s9, s23;
	s7 =	sadd.s32 s9, s28;
	s9 =	sadd.s32 s9, s30;
	v0 =	vimm.f32 $0.0e+00;
	v1 =	vsel vm15, $0x2300, v1  }
.LBB2_1:
0x14: {  	[tilespmem:s2], [sflag:$0x3] =	stream.strided.gather [hbm4b:s3+s12], $0x400, s13, s12, $0x38;
	[tilespmem:$0x8400] =	vst v63  }
0x15: {  	_ =	swait.ge [sflag:s14], $0x400  }
0x16: {  	s19 =	sand.u32 $0x70, s2;
	s20 =	sand.u32 $0x1C00, s2;
	[sflag:s14] =	ssyncset.done $0x0  }
0x17: {  	s19 =	sor.u32 s19, s20;
	[sflag:s14] =	ssyncadd.s32 $0xFFFFFC00  }
0x18: {  	[tilespmem:s19+$0x480] =	vst v0  }
0x19: {  	[tilespmem:s19+$0x500] =	vst v0  }
0x1a: {  	[tilespmem:s19+$0x580] =	vst v0  }
0x1b: {  	[tilespmem:s19+$0x600] =	vst v0  }
0x1c: {  	[tilespmem:s19+$0x680] =	vst v0  }
0x1d: {  	s22 =	sor.u32 s2, s2;
	s21 =	simm.s32 $0x0;
	s20 =	simm.s32 $0x10;
	[tilespmem:s19+$0x700] =	vst v0  }
.LBB2_2:
0x1e: {  	p0 =	sne.s32 s20, $0x3F0;
	[tilespmem:s19+$0x400] =	vst v0;
	s22 =	sor.u32 $0x380, s22  }
0x1f: {  	[tilespmem:s22+$0x400] =	vst v0  }
0x20: {  	[tilespmem:s19+$0x2400] =	vst v0  }
0x21: {  	[tilespmem:s19+$0x2480] =	vst v0  }
0x22: {  	[tilespmem:s19+$0x2500] =	vst v0  }
0x23: {  	[tilespmem:s19+$0x2580] =	vst v0  }
0x24: {  	[tilespmem:s19+$0x2600] =	vst v0  }
0x25: {  	s21 =	sadd.s32 $0x80, s21;
	[tilespmem:s19+$0x2680] =	vst v0  }
0x26: {  	s22 =	sand.u32 $0x70, s20;
	s23 =	sand.u32 $0x1C00, s21;
	[tilespmem:s19+$0x2700] =	vst v0  }
0x27: {  	[tilespmem:s19+$0x2780] =	vst v0;
	s19 =	sor.u32 s22, s23  }
0x28: {  	[tilespmem:s19+$0x480] =	vst v0  }
.Ltmp0:
0x29: {  	[tilespmem:s19+$0x500] =	vst v0;
	(pc) =	sbr.rel @p0 .LBB2_2-.Ltmp0, $4  }
0x2a: {  	[tilespmem:s19+$0x580] =	vst v0  }
0x2b: {  	[tilespmem:s19+$0x600] =	vst v0  }
0x2c: {  	[tilespmem:s19+$0x680] =	vst v0  }
0x2d: {  	s22 =	sor.u32 s21, s20;
	s20 =	sadd.s32 $0x10, s20;
	[tilespmem:s19+$0x700] =	vst v0  }
0x2e: {  	[tilespmem:s19+$0x400] =	vst v0;
	s20 =	sor.u32 $0x380, s22  }
0x2f: {  	[tilespmem:s20+$0x400] =	vst v0  }
0x30: {  	[tilespmem:s19+$0x2400] =	vst v0  }
0x31: {  	[tilespmem:s19+$0x2480] =	vst v0  }
0x32: {  	[tilespmem:s19+$0x2500] =	vst v0  }
0x33: {  	[tilespmem:s19+$0x2580] =	vst v0  }
0x34: {  	[tilespmem:s19+$0x2600] =	vst v0  }
0x35: {  	[tilespmem:s19+$0x2680] =	vst v0  }
0x36: {  	[tilespmem:s19+$0x2700] =	vst v0  }
0x37: {  	s20 =	simm.s32 $0x20;
	[tilespmem:s19+$0x2780] =	vst v0;
	s19 =	simm.s32 $0xFFFFFFFC  }
.LBB2_4:
0x38: {  	v3 =	vld [tilespmem:s20+$0xFFFFFFE0];
	_ =	sdelay $0x4  }
0x39: {  	v4 =	vshll.u32 v3, $0x3  }
0x3a: {  	v3 =	vand.u32 $0x7F, v3;
	v4 =	vand.u32 $0xFFFFFC00, v4  }
0x3b: {  	v3 =	vor.u32 v3, v4  }
0x3c: {  	v3 =	vadd.s32 v1, v3;
	_ =	sdelay $0x4  }
0x3d: {  	[tilespmem:v3+s13+$0x0] =	vst.idx.add.f32.msk $0xffff, v2  }
0x3e: {  	v3 =	vld [tilespmem:s20+$0xFFFFFFF0];
	_ =	sdelay $0x4  }
0x3f: {  	v61 =	vshll.u32 v3, $0x3  }
0x40: {  	v3 =	vand.u32 $0x7F, v3;
	v4 =	vand.u32 $0xFFFFFC00, v61  }
0x41: {  	v3 =	vor.u32 v3, v4  }
0x42: {  	v3 =	vadd.s32 v1, v3;
	_ =	sdelay $0x4  }
0x43: {  	[tilespmem:v3+s13+$0x0] =	vst.idx.add.f32.msk $0xffff, v2  }
0x44: {  	v3 =	vld [tilespmem:s20+$0x0];
	_ =	sdelay $0x4  }
0x45: {  	v62 =	vshll.u32 v3, $0x3  }
0x46: {  	v3 =	vand.u32 $0x7F, v3;
	v4 =	vand.u32 $0xFFFFFC00, v62  }
0x47: {  	v3 =	vor.u32 v3, v4  }
0x48: {  	v3 =	vadd.s32 v1, v3;
	_ =	sdelay $0x4  }
0x49: {  	[tilespmem:v3+s13+$0x0] =	vst.idx.add.f32.msk $0xffff, v2  }
0x4a: {  	v3 =	vld [tilespmem:s20+$0x10];
	_ =	sdelay $0x4  }
0x4b: {  	v63 =	vshll.u32 v3, $0x3  }
0x4c: {  	v3 =	vand.u32 $0x7F, v3;
	v4 =	vand.u32 $0xFFFFFC00, v63  }
0x4d: {  	s19 =	sadd.s32 $0x4, s19;
	v3 =	vor.u32 v3, v4  }
0x4e: {  	p0 =	slt.u32 s19, $0x3C;
	v3 =	vadd.s32 v1, v3  }
.Ltmp1:
0x4f: {  	_ = 	snop;
	(pc) =	sbr.rel @p0 .LBB2_4-.Ltmp1, $2  }
0x50: {  	_ =	sdelay $0x2  }
0x51: {  	s20 =	sadd.s32 $0x40, s20;
	[tilespmem:v3+s13+$0x0] =	vst.idx.add.f32.msk $0xffff, v2  }
0x52: {  	s20 =	simm.s32 $0x0  }
0x53: {  	[hbm4b:s4+s20] =	stream.linear.scatter [tilespmem:s13], [sflag:$0x1], $0x4000, $0x38;
	[tilespmem:$0x8400] =	vst v63  }
0x54: {  	_ = 	snop  }
0x55: {  	[tilespmem:s20], [sflag:$0x3] =	stream.strided.gather [hbm4b:s5+s12], $0x400, s13, s12, $0x38;
	[tilespmem:$0x8400] =	vst v63  }
0x56: {  	_ =	swait.ge [sflag:s14], $0x400  }
0x57: {  	s19 =	sand.u32 $0x70, s20;
	s21 =	sand.u32 $0x1C00, s20;
	[sflag:s14] =	ssyncset.done $0x0  }
0x58: {  	s19 =	sor.u32 s19, s21;
	[sflag:s14] =	ssyncadd.s32 $0xFFFFFC00  }
0x59: {  	[tilespmem:s19+$0x4480] =	vst v0  }
0x5a: {  	[tilespmem:s19+$0x4500] =	vst v0  }
0x5b: {  	[tilespmem:s19+$0x4580] =	vst v0  }
0x5c: {  	[tilespmem:s19+$0x4600] =	vst v0  }
0x5d: {  	[tilespmem:s19+$0x4680] =	vst v0  }
0x5e: {  	s22 =	sor.u32 s20, s20;
	s21 =	simm.s32 $0x10;
	[tilespmem:s19+$0x4700] =	vst v0  }
.LBB2_6:
0x5f: {  	p0 =	sne.s32 s21, $0x3F0;
	[tilespmem:s19+$0x4400] =	vst v0;
	s22 =	sor.u32 $0x380, s22  }
0x60: {  	[tilespmem:s22+$0x4400] =	vst v0  }
0x61: {  	[tilespmem:s19+$0x6400] =	vst v0  }
0x62: {  	[tilespmem:s19+$0x6480] =	vst v0  }
0x63: {  	[tilespmem:s19+$0x6500] =	vst v0  }
0x64: {  	[tilespmem:s19+$0x6580] =	vst v0  }
0x65: {  	[tilespmem:s19+$0x6600] =	vst v0  }
0x66: {  	s20 =	sadd.s32 $0x80, s20;
	[tilespmem:s19+$0x6680] =	vst v0  }
0x67: {  	s22 =	sand.u32 $0x70, s21;
	s23 =	sand.u32 $0x1C00, s20;
	[tilespmem:s19+$0x6700] =	vst v0  }
0x68: {  	[tilespmem:s19+$0x6780] =	vst v0;
	s19 =	sor.u32 s22, s23  }
0x69: {  	[tilespmem:s19+$0x4480] =	vst v0  }
.Ltmp2:
0x6a: {  	[tilespmem:s19+$0x4500] =	vst v0;
	(pc) =	sbr.rel @p0 .LBB2_6-.Ltmp2, $4  }
0x6b: {  	[tilespmem:s19+$0x4580] =	vst v0  }
0x6c: {  	[tilespmem:s19+$0x4600] =	vst v0  }
0x6d: {  	[tilespmem:s19+$0x4680] =	vst v0  }
0x6e: {  	s22 =	sor.u32 s20, s21;
	s21 =	sadd.s32 $0x10, s21;
	[tilespmem:s19+$0x4700] =	vst v0  }
0x6f: {  	[tilespmem:s19+$0x4400] =	vst v0;
	s20 =	sor.u32 $0x380, s22  }
0x70: {  	[tilespmem:s20+$0x4400] =	vst v0  }
0x71: {  	[tilespmem:s19+$0x6400] =	vst v0  }
0x72: {  	[tilespmem:s19+$0x6480] =	vst v0  }
0x73: {  	[tilespmem:s19+$0x6500] =	vst v0  }
0x74: {  	[tilespmem:s19+$0x6580] =	vst v0  }
0x75: {  	[tilespmem:s19+$0x6600] =	vst v0  }
0x76: {  	[tilespmem:s19+$0x6680] =	vst v0  }
0x77: {  	[tilespmem:s19+$0x6700] =	vst v0  }
0x78: {  	s20 =	simm.s32 $0x20;
	[tilespmem:s19+$0x6780] =	vst v0;
	s19 =	simm.s32 $0xFFFFFFFC  }
.LBB2_8:
0x79: {  	v3 =	vld [tilespmem:s20+$0xFFFFFFE0];
	_ =	sdelay $0x4  }
0x7a: {  	v4 =	vshll.u32 v3, $0x3  }
0x7b: {  	v3 =	vand.u32 $0x7F, v3;
	v4 =	vand.u32 $0xFFFFFC00, v4  }
0x7c: {  	v3 =	vor.u32 v3, v4  }
0x7d: {  	v3 =	vadd.s32 v1, v3;
	_ =	sdelay $0x4  }
0x7e: {  	[tilespmem:v3+s15+$0x0] =	vst.idx.add.f32.msk $0xffff, v2  }
0x7f: {  	v3 =	vld [tilespmem:s20+$0xFFFFFFF0];
	_ =	sdelay $0x4  }
0x80: {  	v61 =	vshll.u32 v3, $0x3  }
0x81: {  	v3 =	vand.u32 $0x7F, v3;
	v4 =	vand.u32 $0xFFFFFC00, v61  }
0x82: {  	v3 =	vor.u32 v3, v4  }
0x83: {  	v3 =	vadd.s32 v1, v3;
	_ =	sdelay $0x4  }
0x84: {  	[tilespmem:v3+s15+$0x0] =	vst.idx.add.f32.msk $0xffff, v2  }
0x85: {  	v3 =	vld [tilespmem:s20+$0x0];
	_ =	sdelay $0x4  }
0x86: {  	v62 =	vshll.u32 v3, $0x3  }
0x87: {  	v3 =	vand.u32 $0x7F, v3;
	v4 =	vand.u32 $0xFFFFFC00, v62  }
0x88: {  	v3 =	vor.u32 v3, v4  }
0x89: {  	v3 =	vadd.s32 v1, v3;
	_ =	sdelay $0x4  }
0x8a: {  	[tilespmem:v3+s15+$0x0] =	vst.idx.add.f32.msk $0xffff, v2  }
0x8b: {  	v3 =	vld [tilespmem:s20+$0x10];
	_ =	sdelay $0x4  }
0x8c: {  	v63 =	vshll.u32 v3, $0x3  }
0x8d: {  	v3 =	vand.u32 $0x7F, v3;
	v4 =	vand.u32 $0xFFFFFC00, v63  }
0x8e: {  	s19 =	sadd.s32 $0x4, s19;
	v3 =	vor.u32 v3, v4  }
0x8f: {  	p0 =	slt.u32 s19, $0x3C;
	v3 =	vadd.s32 v1, v3  }
.Ltmp3:
0x90: {  	_ = 	snop;
	(pc) =	sbr.rel @p0 .LBB2_8-.Ltmp3, $2  }
0x91: {  	_ =	sdelay $0x2  }
0x92: {  	s20 =	sadd.s32 $0x40, s20;
	[tilespmem:v3+s15+$0x0] =	vst.idx.add.f32.msk $0xffff, v2  }
0x93: {  	s19 =	simm.s32 $0x0  }
0x94: {  	[hbm4b:s6+s19] =	stream.linear.scatter [tilespmem:s15], [sflag:$0x2], $0x4000, $0x38;
	[tilespmem:$0x8400] =	vst v63  }
0x95: {  	_ =	swait.ge [sflag:s16], $0x4000  }
0x96: {  	[sflag:s16] =	ssyncset.done $0x0  }
0x97: {  	[sflag:s16] =	ssyncadd.s32 $0xFFFFC000  }
0x98: {  	[tilespmem:s19], [sflag:$0x3] =	stream.strided.gather [hbm4b:s7+s12], $0x400, s13, s12, $0x38;
	[tilespmem:$0x8400] =	vst v63  }
0x99: {  	_ =	swait.ge [sflag:s14], $0x400  }
0x9a: {  	s20 =	sand.u32 $0x70, s19;
	s21 =	sand.u32 $0x1C00, s19;
	[sflag:s14] =	ssyncset.done $0x0  }
0x9b: {  	s20 =	sor.u32 s20, s21;
	[sflag:s14] =	ssyncadd.s32 $0xFFFFFC00  }
0x9c: {  	[tilespmem:s20+$0x480] =	vst v0  }
0x9d: {  	[tilespmem:s20+$0x500] =	vst v0  }
0x9e: {  	[tilespmem:s20+$0x580] =	vst v0  }
0x9f: {  	[tilespmem:s20+$0x600] =	vst v0  }
0xa0: {  	[tilespmem:s20+$0x680] =	vst v0  }
0xa1: {  	s22 =	sor.u32 s19, s19;
	s21 =	simm.s32 $0x10;
	[tilespmem:s20+$0x700] =	vst v0  }
.LBB2_10:
0xa2: {  	p0 =	sne.s32 s21, $0x3F0;
	[tilespmem:s20+$0x400] =	vst v0;
	s22 =	sor.u32 $0x380, s22  }
0xa3: {  	[tilespmem:s22+$0x400] =	vst v0  }
0xa4: {  	[tilespmem:s20+$0x2400] =	vst v0  }
0xa5: {  	[tilespmem:s20+$0x2480] =	vst v0  }
0xa6: {  	[tilespmem:s20+$0x2500] =	vst v0  }
0xa7: {  	[tilespmem:s20+$0x2580] =	vst v0  }
0xa8: {  	[tilespmem:s20+$0x2600] =	vst v0  }
0xa9: {  	s19 =	sadd.s32 $0x80, s19;
	[tilespmem:s20+$0x2680] =	vst v0  }
0xaa: {  	s22 =	sand.u32 $0x70, s21;
	s23 =	sand.u32 $0x1C00, s19;
	[tilespmem:s20+$0x2700] =	vst v0  }
0xab: {  	[tilespmem:s20+$0x2780] =	vst v0;
	s20 =	sor.u32 s22, s23  }
0xac: {  	[tilespmem:s20+$0x480] =	vst v0  }
.Ltmp4:
0xad: {  	[tilespmem:s20+$0x500] =	vst v0;
	(pc) =	sbr.rel @p0 .LBB2_10-.Ltmp4, $4  }
0xae: {  	[tilespmem:s20+$0x580] =	vst v0  }
0xaf: {  	[tilespmem:s20+$0x600] =	vst v0  }
0xb0: {  	[tilespmem:s20+$0x680] =	vst v0  }
0xb1: {  	s22 =	sor.u32 s19, s21;
	s21 =	sadd.s32 $0x10, s21;
	[tilespmem:s20+$0x700] =	vst v0  }
0xb2: {  	[tilespmem:s20+$0x400] =	vst v0;
	s19 =	sor.u32 $0x380, s22  }
0xb3: {  	[tilespmem:s19+$0x400] =	vst v0  }
0xb4: {  	[tilespmem:s20+$0x2400] =	vst v0  }
0xb5: {  	[tilespmem:s20+$0x2480] =	vst v0  }
0xb6: {  	[tilespmem:s20+$0x2500] =	vst v0  }
0xb7: {  	[tilespmem:s20+$0x2580] =	vst v0  }
0xb8: {  	[tilespmem:s20+$0x2600] =	vst v0  }
0xb9: {  	[tilespmem:s20+$0x2680] =	vst v0  }
0xba: {  	[tilespmem:s20+$0x2700] =	vst v0  }
0xbb: {  	s19 =	simm.s32 $0xFFFFFFFC;
	[tilespmem:s20+$0x2780] =	vst v0;
	s20 =	simm.s32 $0x20  }
.LBB2_12:
0xbc: {  	v3 =	vld [tilespmem:s20+$0xFFFFFFE0];
	_ =	sdelay $0x4  }
0xbd: {  	v4 =	vshll.u32 v3, $0x3  }
0xbe: {  	v3 =	vand.u32 $0x7F, v3;
	v4 =	vand.u32 $0xFFFFFC00, v4  }
0xbf: {  	v3 =	vor.u32 v3, v4  }
0xc0: {  	v3 =	vadd.s32 v1, v3;
	_ =	sdelay $0x4  }
0xc1: {  	[tilespmem:v3+s13+$0x0] =	vst.idx.add.f32.msk $0xffff, v2  }
0xc2: {  	v3 =	vld [tilespmem:s20+$0xFFFFFFF0];
	_ =	sdelay $0x4  }
0xc3: {  	v61 =	vshll.u32 v3, $0x3  }
0xc4: {  	v3 =	vand.u32 $0x7F, v3;
	v4 =	vand.u32 $0xFFFFFC00, v61  }
0xc5: {  	v3 =	vor.u32 v3, v4  }
0xc6: {  	v3 =	vadd.s32 v1, v3;
	_ =	sdelay $0x4  }
0xc7: {  	[tilespmem:v3+s13+$0x0] =	vst.idx.add.f32.msk $0xffff, v2  }
0xc8: {  	v3 =	vld [tilespmem:s20+$0x0];
	_ =	sdelay $0x4  }
0xc9: {  	v62 =	vshll.u32 v3, $0x3  }
0xca: {  	v3 =	vand.u32 $0x7F, v3;
	v4 =	vand.u32 $0xFFFFFC00, v62  }
0xcb: {  	v3 =	vor.u32 v3, v4  }
0xcc: {  	v3 =	vadd.s32 v1, v3;
	_ =	sdelay $0x4  }
0xcd: {  	[tilespmem:v3+s13+$0x0] =	vst.idx.add.f32.msk $0xffff, v2  }
0xce: {  	v3 =	vld [tilespmem:s20+$0x10];
	_ =	sdelay $0x4  }
0xcf: {  	v63 =	vshll.u32 v3, $0x3  }
0xd0: {  	v3 =	vand.u32 $0x7F, v3;
	v4 =	vand.u32 $0xFFFFFC00, v63  }
0xd1: {  	s19 =	sadd.s32 $0x4, s19;
	v3 =	vor.u32 v3, v4  }
0xd2: {  	p0 =	slt.u32 s19, $0x3C;
	v3 =	vadd.s32 v1, v3  }
.Ltmp5:
0xd3: {  	_ = 	snop;
	(pc) =	sbr.rel @p0 .LBB2_12-.Ltmp5, $2  }
0xd4: {  	_ =	sdelay $0x2  }
0xd5: {  	s20 =	sadd.s32 $0x40, s20;
	[tilespmem:v3+s13+$0x0] =	vst.idx.add.f32.msk $0xffff, v2  }
0xd6: {  	s19 =	simm.s32 $0x0  }
0xd7: {  	[hbm4b:s8+s19] =	stream.linear.scatter [tilespmem:s13], [sflag:$0x1], $0x4000, $0x38;
	[tilespmem:$0x8400] =	vst v63  }
0xd8: {  	_ =	swait.ge [sflag:s17], $0x4000  }
0xd9: {  	[sflag:s17] =	ssyncset.done $0x0  }
0xda: {  	[sflag:s17] =	ssyncadd.s32 $0xFFFFC000  }
0xdb: {  	[tilespmem:s19], [sflag:$0x3] =	stream.strided.gather [hbm4b:s9+s12], $0x400, s13, s12, $0x38;
	[tilespmem:$0x8400] =	vst v63  }
0xdc: {  	_ =	swait.ge [sflag:s14], $0x400  }
0xdd: {  	s20 =	sand.u32 $0x70, s19;
	s21 =	sand.u32 $0x1C00, s19;
	[sflag:s14] =	ssyncset.done $0x0  }
0xde: {  	s20 =	sor.u32 s20, s21;
	[sflag:s14] =	ssyncadd.s32 $0xFFFFFC00  }
0xdf: {  	[tilespmem:s20+$0x4480] =	vst v0  }
0xe0: {  	[tilespmem:s20+$0x4500] =	vst v0  }
0xe1: {  	[tilespmem:s20+$0x4580] =	vst v0  }
0xe2: {  	[tilespmem:s20+$0x4600] =	vst v0  }
0xe3: {  	[tilespmem:s20+$0x4680] =	vst v0  }
0xe4: {  	s22 =	sor.u32 s19, s19;
	s21 =	simm.s32 $0x10;
	[tilespmem:s20+$0x4700] =	vst v0  }
.LBB2_14:
0xe5: {  	p0 =	sne.s32 s21, $0x3F0;
	[tilespmem:s20+$0x4400] =	vst v0;
	s22 =	sor.u32 $0x380, s22  }
0xe6: {  	[tilespmem:s22+$0x4400] =	vst v0  }
0xe7: {  	[tilespmem:s20+$0x6400] =	vst v0  }
0xe8: {  	[tilespmem:s20+$0x6480] =	vst v0  }
0xe9: {  	[tilespmem:s20+$0x6500] =	vst v0  }
0xea: {  	[tilespmem:s20+$0x6580] =	vst v0  }
0xeb: {  	[tilespmem:s20+$0x6600] =	vst v0  }
0xec: {  	s19 =	sadd.s32 $0x80, s19;
	[tilespmem:s20+$0x6680] =	vst v0  }
0xed: {  	s22 =	sand.u32 $0x70, s21;
	s23 =	sand.u32 $0x1C00, s19;
	[tilespmem:s20+$0x6700] =	vst v0  }
0xee: {  	[tilespmem:s20+$0x6780] =	vst v0;
	s20 =	sor.u32 s22, s23  }
0xef: {  	[tilespmem:s20+$0x4480] =	vst v0  }
.Ltmp6:
0xf0: {  	[tilespmem:s20+$0x4500] =	vst v0;
	(pc) =	sbr.rel @p0 .LBB2_14-.Ltmp6, $4  }
0xf1: {  	[tilespmem:s20+$0x4580] =	vst v0  }
0xf2: {  	[tilespmem:s20+$0x4600] =	vst v0  }
0xf3: {  	[tilespmem:s20+$0x4680] =	vst v0  }
0xf4: {  	s22 =	sor.u32 s19, s21;
	s21 =	sadd.s32 $0x10, s21;
	[tilespmem:s20+$0x4700] =	vst v0  }
0xf5: {  	[tilespmem:s20+$0x4400] =	vst v0;
	s19 =	sor.u32 $0x380, s22  }
0xf6: {  	[tilespmem:s19+$0x4400] =	vst v0  }
0xf7: {  	[tilespmem:s20+$0x6400] =	vst v0  }
0xf8: {  	[tilespmem:s20+$0x6480] =	vst v0  }
0xf9: {  	[tilespmem:s20+$0x6500] =	vst v0  }
0xfa: {  	[tilespmem:s20+$0x6580] =	vst v0  }
0xfb: {  	[tilespmem:s20+$0x6600] =	vst v0  }
0xfc: {  	[tilespmem:s20+$0x6680] =	vst v0  }
0xfd: {  	[tilespmem:s20+$0x6700] =	vst v0  }
0xfe: {  	s19 =	simm.s32 $0xFFFFFFFC;
	[tilespmem:s20+$0x6780] =	vst v0;
	s20 =	simm.s32 $0x20  }
.LBB2_16:
0xff: {  	v3 =	vld [tilespmem:s20+$0xFFFFFFE0];
	_ =	sdelay $0x4  }
0x100: {  	v4 =	vshll.u32 v3, $0x3  }
0x101: {  	v3 =	vand.u32 $0x7F, v3;
	v4 =	vand.u32 $0xFFFFFC00, v4  }
0x102: {  	v3 =	vor.u32 v3, v4  }
0x103: {  	v3 =	vadd.s32 v1, v3;
	_ =	sdelay $0x4  }
0x104: {  	[tilespmem:v3+s15+$0x0] =	vst.idx.add.f32.msk $0xffff, v2  }
0x105: {  	v3 =	vld [tilespmem:s20+$0xFFFFFFF0];
	_ =	sdelay $0x4  }
0x106: {  	v61 =	vshll.u32 v3, $0x3  }
0x107: {  	v3 =	vand.u32 $0x7F, v3;
	v4 =	vand.u32 $0xFFFFFC00, v61  }
0x108: {  	v3 =	vor.u32 v3, v4  }
0x109: {  	v3 =	vadd.s32 v1, v3;
	_ =	sdelay $0x4  }
0x10a: {  	[tilespmem:v3+s15+$0x0] =	vst.idx.add.f32.msk $0xffff, v2  }
0x10b: {  	v3 =	vld [tilespmem:s20+$0x0];
	_ =	sdelay $0x4  }
0x10c: {  	v62 =	vshll.u32 v3, $0x3  }
0x10d: {  	v3 =	vand.u32 $0x7F, v3;
	v4 =	vand.u32 $0xFFFFFC00, v62  }
0x10e: {  	v3 =	vor.u32 v3, v4  }
0x10f: {  	v3 =	vadd.s32 v1, v3;
	_ =	sdelay $0x4  }
0x110: {  	[tilespmem:v3+s15+$0x0] =	vst.idx.add.f32.msk $0xffff, v2  }
0x111: {  	v3 =	vld [tilespmem:s20+$0x10];
	_ =	sdelay $0x4  }
0x112: {  	v63 =	vshll.u32 v3, $0x3  }
0x113: {  	v3 =	vand.u32 $0x7F, v3;
	v4 =	vand.u32 $0xFFFFFC00, v63  }
0x114: {  	s19 =	sadd.s32 $0x4, s19;
	v3 =	vor.u32 v3, v4  }
0x115: {  	p0 =	slt.u32 s19, $0x3C;
	v3 =	vadd.s32 v1, v3  }
.Ltmp7:
0x116: {  	_ = 	snop;
	(pc) =	sbr.rel @p0 .LBB2_16-.Ltmp7, $2  }
0x117: {  	_ =	sdelay $0x2  }
0x118: {  	s20 =	sadd.s32 $0x40, s20;
	[tilespmem:v3+s15+$0x0] =	vst.idx.add.f32.msk $0xffff, v2  }
0x119: {  	[hbm4b:s10+s2] =	stream.linear.scatter [tilespmem:s15], [sflag:$0x2], $0x4000, $0x38;
	[tilespmem:$0x8400] =	vst v63  }
0x11a: {  	s18 =	sadd.s32 $0x1, s18  }
0x11b: {  	_ =	swait.ge [sflag:s16], $0x4000;
	p0 =	sne.s32 s18, s11  }
.Ltmp8:
0x11c: {  	[sflag:s16] =	ssyncset.done $0x0;
	(pc) =	sbr.rel @p0 .LBB2_1-.Ltmp8, $4  }
0x11d: {  	[sflag:s16] =	ssyncadd.s32 $0xFFFFC000  }
0x11e: {  	_ =	swait.ge [sflag:s17], $0x4000  }
0x11f: {  	[sflag:s17] =	ssyncset.done $0x0  }
0x120: {  	[sflag:s17] =	ssyncadd.s32 $0xFFFFC000  }
0x121: {  	_ =	sfence.sel $0x180000  }
0x122: {  	[bflag:$0x0] =	sbarrier.arrive $0xFFFF  }
0x123: {  	p0 =	sne.s32 s1, $0x0;
	_ =	strace $0x9000004A  }
0x124: {  	s0 =	sadd.s32 @!p0 $0x100000, s0;
	[bflag:$0x2] =	sbarrier.arrive $0xFFFF  }
0x125: {  	[sflag:s0] =	ssyncadd.tile.s32 @!p0 $0x1;
	_ =	shalt  }
.Lfunc_end2:
_tile_overlayer_lowered:
.L_overlay_start_2:
0x126: {  	(tag) =	ssettag $0x2  }
0x127: {  	s0 =	rddreg [dreg:$0x0];
	s2 =	stileid.u32  }
0x128: {  	s1 =	rddreg [dreg:$0x1];
	p0 =	sne.s32 s2, $0x0  }
0x129: {  	s3 =	rddreg [dreg:$0x2];
	[bflag:$0x3] =	sbarrier.arrive $0xFFFF;
	s2 =	simm.s32 @!p0 $0x1C03  }
0x12a: {  	[timem:s3], [sflag:s2] =	dma.local @!p0 [hbm:s0], s1  }
0x12b: {  	s0 =	simm.s32 @!p0 $0x3  }
0x12c: {  	_ =	swait.ge @!p0 [sflag:s0], s1  }
0x12d: {  	s1 =	ssub.s32 @!p0 $0x0, s1;
	[sflag:s0] =	ssyncset.done @!p0 $0x0  }
0x12e: {  	[sflag:s0] =	ssyncadd.s32 @!p0 s1  }
0x12f: {  	[bflag:$0x3] =	sbarrier.arrive $0xFFFF  }
0x130: {  	_ =	shalt  }

// kernel: kernel.9.cloned.1.call-start
scs
__scs_entry_jumppad:
0x0: {  	(pc) =	sbr.rel $0x88, $3  }
0x1: {  	(tag) =	ssettag $0x0;
	lr =	simm.s32 $0x1  }
0x2: {  	[smem:$0x3F9F] =	sst lr;
	_ =	strace $0xD0000000  }
0x3: {  	_ = 	snop  }
0x4: {  	_ = 	snop  }
0x5: {  	_ = 	snop  }
0x6: {  	_ = 	snop  }
0x7: {  	_ = 	snop  }
__scs_overlays_trampoline_lowered:
0x8: {  	[smem:$0x3FAE] =	sst s0  }
0x9: {  	[smem:$0x3FAF] =	sst s1  }
0xa: {  	[smem:$0x3FB0] =	sst s2  }
0xb: {  	[smem:$0x3FB1] =	sst s3  }
0xc: {  	[smem:$0x3FB2] =	sst s4  }
0xd: {  	[smem:$0x3FB3] =	sst s5  }
0xe: {  	[smem:$0x3FB4] =	sst s6  }
0xf: {  	[smem:$0x3FB5] =	sst s7  }
0x10: {  	[smem:$0x3FB6] =	sst s8  }
0x11: {  	[smem:$0x3FB7] =	sst s9;
	s0 =	simm.s32 @!p0 $0x0  }
0x12: {  	s1 =	sld [smem:$0x3F9D];
	s0 =	simm.s32 @p0 $0x1  }
0x13: {  	[smem:$0x3FB8] =	sst s0;
	s0 =	simm.s32 @!p1 $0x0  }
0x14: {  	s2 =	sld [smem:$0x3F9C];
	s0 =	simm.s32 @p1 $0x1  }
0x15: {  	[smem:$0x3FB9] =	sst s0;
	s0 =	simm.s32 @!p2 $0x0  }
0x16: {  	s3 =	sld [smem:$0x3FDB];
	s0 =	simm.s32 @p2 $0x1  }
0x17: {  	s4 =	simm.s32 $0x1BF5;
	[smem:$0x3FBB] =	sst s0  }
0x18: {  	s0 =	sld [smem:$0x3F9E];
	_ =	swait.ge [sflag:s4], $0x0  }
0x19: {  	s7 =	sld [smem:$0x3F9F]  }
0x1a: {  	s8 =	sadd.s32 $0xFFFFE003, lr  }
0x1b: {  	s9 =	sadd.s32 $0xFFFFFEF7, lr;
	s5 =	simm.s32 $0xFFFFFFFF;
	p2 =	slt.u32 s8, $0xFFFFF086  }
0x1c: {  	p1 =	slt.u32 s9, $0xF7A;
	s5 =	simm.s32 @!p2 $0x0  }
0x1d: {  	s5 =	simm.s32 @p1 $0x1;
	p0 =	seq.s32 s7, s2  }
0x1e: {  	s7 =	smul.u32 @!p0 $0xF7A, s2;
	p2 =	seq.s32 @!p0 s5, $0x0  }
0x1f: {  	s9 =	smul.u32 $0xF7A, s1;
	s8 =	simm.s32 @!p0 $0x1BF5;
	p2 =	por !p2, p0  }
0x20: {  	[sflag:s8] =	ssyncset.s32 @!p0 $0xFFFFF086;
	s6 =	sadd.s32 @!p0 s3, s7;
	s7 =	simm.s32 @!p0 $0x108  }
0x21: {  	s3 =	sadd.s32 s3, s9;
	s6 =	sadd.s32 @!p0 $0x88, s6;
	s7 =	simm.s32 @p2 $0x1082  }
0x22: {  	[simem:s7], [sflag:s8] =	dma.local @!p0 [hbm:s6], $0xF7A  }
0x23: {  	s9 =	sor.u32 $0xD0000000, s2;
	s6 =	simm.s32 $0x108;
	_ =	swait.ge @!p0 [sflag:s8], $0x0  }
0x24: {  	s3 =	sadd.s32 $0x88, s3;
	s6 =	simm.s32 @!p1 $0x1082;
	[sflag:s4] =	ssyncset.s32 $0xFFFFF086  }
0x25: {  	[simem:s6], [sflag:s4] =	dma.local [hbm:s3], $0xF7A  }
0x26: {  	[smem:$0x3F9F] =	sst s1;
	(tag) =	ssettag s2;
	_ =	strace s9  }
0x27: {  	s1 =	sld [smem:$0x3FAF]  }
0x28: {  	s2 =	sld [smem:$0x3FB0]  }
0x29: {  	s4 =	sld [smem:$0x3FB2]  }
0x2a: {  	p0 =	seq.s32 s5, $0x0;
	s5 =	sld [smem:$0x3FB3]  }
0x2b: {  	s6 =	sld [smem:$0x3FB4]  }
0x2c: {  	s7 =	sld [smem:$0x3FB5]  }
0x2d: {  	s3 =	simm.s32 $0x108;
	s8 =	sld [smem:$0x3FB6]  }
0x2e: {  	s3 =	simm.s32 @!p0 $0x1082;
	s9 =	sld [smem:$0x3FB7]  }
0x2f: {  	lr =	sadd.s32 s0, s3;
	s0 =	sld [smem:$0x3FAE]  }
0x30: {  	s3 =	sld [smem:$0x3FB1]  }
0x31: {  	[smem:$0x3FBA] =	sst s10  }
0x32: {  	s10 =	sld [smem:$0x3FB8];
	_ =	sdelay $0x3  }
0x33: {  	p0 =	seq.s32 s10, $0x1;
	s10 =	sld [smem:$0x3FBA];
	_ =	sdelay $0x3  }
0x34: {  	[smem:$0x3FBA] =	sst s10  }
0x35: {  	s10 =	sld [smem:$0x3FB9];
	_ =	sdelay $0x3  }
0x36: {  	p1 =	seq.s32 s10, $0x1;
	s10 =	sld [smem:$0x3FBA];
	_ =	sdelay $0x3  }
0x37: {  	[smem:$0x3FBA] =	sst s10  }
0x38: {  	s10 =	sld [smem:$0x3FBB]  }
0x39: {  	_ = 	snop;
	(pc) =	sbr.ind lr, $3  }
0x3a: {  	_ = 	snop  }
0x3b: {  	_ = 	snop  }
0x3c: {  	p2 =	seq.s32 s10, $0x1;
	s10 =	sld [smem:$0x3FBA]  }
0x3d: {  	_ =	shalt  }
0x3e: {  	_ =	shalt  }
0x3f: {  	_ =	shalt  }
0x40: {  	_ =	shalt  }
0x41: {  	_ =	shalt  }
0x42: {  	_ =	shalt  }
0x43: {  	_ =	shalt  }
0x44: {  	_ =	shalt  }
0x45: {  	_ =	shalt  }
0x46: {  	_ =	shalt  }
0x47: {  	_ =	shalt  }
0x48: {  	_ =	shalt  }
0x49: {  	_ =	shalt  }
0x4a: {  	_ =	shalt  }
0x4b: {  	_ =	shalt  }
0x4c: {  	_ =	shalt  }
0x4d: {  	_ =	shalt  }
0x4e: {  	_ =	shalt  }
0x4f: {  	_ =	shalt  }
0x50: {  	_ =	shalt  }
0x51: {  	_ =	shalt  }
0x52: {  	_ =	shalt  }
0x53: {  	_ =	shalt  }
0x54: {  	_ =	shalt  }
0x55: {  	_ =	shalt  }
0x56: {  	_ =	shalt  }
0x57: {  	_ =	shalt  }
0x58: {  	_ =	shalt  }
0x59: {  	_ =	shalt  }
0x5a: {  	_ =	shalt  }
0x5b: {  	_ =	shalt  }
0x5c: {  	_ =	shalt  }
0x5d: {  	_ =	shalt  }
0x5e: {  	_ =	shalt  }
0x5f: {  	_ =	shalt  }
0x60: {  	_ =	shalt  }
0x61: {  	_ =	shalt  }
0x62: {  	_ =	shalt  }
0x63: {  	_ =	shalt  }
0x64: {  	_ =	shalt  }
0x65: {  	_ =	shalt  }
0x66: {  	_ =	shalt  }
0x67: {  	_ =	shalt  }
0x68: {  	_ =	shalt  }
0x69: {  	_ =	shalt  }
0x6a: {  	_ =	shalt  }
0x6b: {  	_ =	shalt  }
0x6c: {  	_ =	shalt  }
0x6d: {  	_ =	shalt  }
0x6e: {  	_ =	shalt  }
0x6f: {  	_ =	shalt  }
0x70: {  	_ =	shalt  }
0x71: {  	_ =	shalt  }
0x72: {  	_ =	shalt  }
0x73: {  	_ =	shalt  }
0x74: {  	_ =	shalt  }
0x75: {  	_ =	shalt  }
0x76: {  	_ =	shalt  }
0x77: {  	_ =	shalt  }
0x78: {  	_ =	shalt  }
0x79: {  	_ =	shalt  }
0x7a: {  	_ =	shalt  }
0x7b: {  	_ =	shalt  }
0x7c: {  	_ =	shalt  }
0x7d: {  	_ =	shalt  }
0x7e: {  	_ =	shalt  }
0x7f: {  	_ =	shalt  }
0x80: {  	_ =	shalt  }
0x81: {  	_ =	shalt  }
0x82: {  	_ =	shalt  }
0x83: {  	_ =	shalt  }
0x84: {  	_ =	shalt  }
0x85: {  	_ =	shalt  }
0x86: {  	_ =	shalt  }
0x87: {  	_ =	shalt  }
.Lfunc_end0:
.L_simem_size_0:
called_computation.1_lowered:
.L_overlay_start_0:
0x88: {  	s2 =	sld [smem:$0x3FD9]  }
0x89: {  	s3 =	sld [smem:$0x3FFE];
	_ =	sdelay $0x1  }
0x8a: {  	s1 =	srdreg.scid  }
0x8b: {  	s0 =	sand.u32 $0x1, s1  }
0x8c: {  	s16 =	sshll.u32 s0, $0xA;
	s2 =	sadd.s32 s3, s2  }
0x8d: {  	s2 =	sadd.s32 s2, s16  }
0x8e: {  	[smem:$0x3FC6] =	sst s2  }
0x8f: {  	_ = 	snop  }
0x90: {  	(tm) =	ssettm $0x1  }
0x91: {  	s17 =	sld [smem:$0x3FFB];
	_ =	sdelay $0x3  }
0x92: {  	_ =	strace s17  }
0x93: {  	s2 =	sld [smem:$0x3FFC];
	_ =	sdelay $0x3  }
0x94: {  	_ =	strace s2  }
0x95: {  	s2 =	sld [smem:$0x3FFD];
	_ =	sdelay $0x3  }
0x96: {  	_ =	strace s2  }
0x97: {  	_ =	strace $0x8FFFFFFF  }
0x98: {  	s18 =	sld [smem:$0x3FDB];
	_ =	sdelay $0x1  }
0x99: {  	s19 =	simm.s32 $_scs_section_size  }
0x9a: {  	s4 =	simm.s32 $_size__tile_overlayer_lowered;
	s5 =	simm.s32 $_tile_overlayer_lowered  }
0x9b: {  	s22 =	simm.s32 $0x1BFF;
	s21 =	sshll.u32 s5, $0x1;
	s2 =	sadd.s32 s19, s18  }
0x9c: {  	s6 =	simm.s32 $0x0;
	s20 =	sshll.u32 s4, $0x1;
	s4 =	sadd.s32 s21, s2  }
0x9d: {  	[timem:s6], [sflag:s22] =	dma.local [hbm:s4], s20  }
0x9e: {  	_ =	swait.ge [sflag:s22], s20  }
0x9f: {  	s3 =	ssub.s32 $0x0, s20;
	[sflag:s22] =	ssyncset.done $0x0  }
0xa0: {  	[sflag:s22] =	ssyncadd.s32 s3;
	_ =	sdelay $0x1  }
0xa1: {  	s23 =	simm.s32 $0x1B8B  }
0xa2: {  	_ =	swait.ge [sflag:s23], $0x1  }
0xa3: {  	[sflag:s23] =	ssyncset.done $0x0  }
0xa4: {  	s25 =	simm.s32 $0x1B8E;
	s24 =	sld [smem:$0x3FFE];
	[sflag:s23] =	ssyncadd.s32 $0xFFFFFFFF  }
0xa5: {  	s26 =	simm.s32 $execute0_lowered;
	[smem:$0x3FD2] =	sst s25  }
0xa6: {  	s4 =	sshll.u32 s26, $0x1;
	_ =	strace $0x80000046;
	[dreg:$0x1] =	wrdreg $0xFFFFFFFF  }
0xa7: {  	s28 =	simm.s32 $_size_execute0_lowered;
	s2 =	sadd.s32 s2, s4;
	[dreg:$0x0] =	wrdreg $0x0  }
0xa8: {  	s4 =	sshll.u32 s28, $0x1;
	[dreg:$0x2] =	wrdreg s2  }
0xa9: {  	[dreg:$0x3] =	wrdreg s4  }
0xaa: {  	[dreg:$0x4] =	wrdreg $0xC0  }
0xab: {  	_ =	task [dreg:s6], $0x5FFFF  }
0xac: {  	[dreg:$0x1] =	wrdreg $0xFFFFFFFF  }
0xad: {  	[dreg:$0x0] =	wrdreg $0x60  }
0xae: {  	[dreg:$0x2] =	wrdreg s24  }
0xaf: {  	[dreg:$0x3] =	wrdreg $0xA  }
0xb0: {  	_ =	task.clear_ibuf [dreg:s6], $0x4FFFF;
	_ =	strace $0x90000046  }
0xb1: {  	s29 =	simm.s32 $0xA;
	_ =	strace $0x80000048  }
0xb2: {  	_ =	swait.ge [sflag:s29], $0x1  }
0xb3: {  	[sflag:s29] =	ssyncadd.s32 $0xFFFFFFFF  }
0xb4: {  	_ =	strace $0x90000048  }
0xb5: {  	_ =	sfence  }
0xb6: {  	s30 =	sld [smem:$0x0];
	_ =	sdelay $0x2  }
0xb7: {  	s31 =	sshll.u32 s1, $0xD;
	s1 =	sshrl.u32 s1, $0x2  }
0xb8: {  	s3 =	sand.u32 $0x4000, s31;
	s1 =	sadd.s32 s1, s30  }
0xb9: {  	s0 =	sor.u32 s3, s0;
	s1 =	sshll.u32 s1, $0x11  }
0xba: {  	s0 =	sor.u32 s1, s0  }
0xbb: {  	s0 =	sadd.s32 $0x8F2B, s0  }
0xbc: {  	[sflag:s0] =	ssyncadd.remote.s32 $0x1  }
0xbd: {  	_ =	sfence.sel $0xFFFF  }
0xbe: {  	[dreg:$0x0] =	wrdreg $0xFFFFFFFF;
	(pc) =	sbr.abs _section_cstart, $3  }
0xbf: {  	[dreg:$0x1] =	wrdreg $0xFFFFFFFF  }
0xc0: {  	_ =	task.clear_ibuf [dreg:s6], $0x2FFFF;
	_ =	strace $0x9FFFFFFF  }
0xc1: {  	(tm) =	ssettm $0x7FFFFFFF  }
tec
execute0_lowered:
.L_overlay_start_1:
0x0: {  	(tag) =	ssettag $0x1  }
0x1: {  	s3 =	rddreg [dreg:$0x0]  }
0x2: {  	s0 =	rddreg [dreg:$0x1];
	s2 =	simm.s32 $0x0;
	s4 =	srdreg.scid  }
0x3: {  	s1 =	stileid.u32;
	s16 =	simm.s32 $0x1;
	[smem:$0x7FF] =	sst s2  }
0x4: {  	v0 =	vimm.s32 $0x2380;
	vm0 =	vcmask $0x300;
	s9 =	sadd.s32 $0xA00, s3;
	s4 =	sand.u32 $0x1, s4;
	s5 =	sshll.u32 s1, $0x1  }
0x5: {  	vm14 =	vcmask $0x704;
	s10 =	sadd.s32 $0x4A00, s3;
	v0 =	vsel vm0, $0x0, v0;
	s7 =	sshll.u32 s1, $0xD;
	_ =	strace $0x80000047  }
0x6: {  	vm15 =	vcmask $0xB08;
	s17 =	ssub.s32 $0x2, s4;
	s5 =	sor.u32 s4, s5;
	s4 =	sshll.u32 s4, $0x9;
	v0 =	vsel vm14, $0x80, v0  }
0x7: {  	vm4 =	vcmask $0xF0C;
	s6 =	sshll.u32 s5, $0x2;
	s8 =	sshrl.u32 s17, $0x1;
	s4 =	sor.u32 s4, s7;
	v0 =	vsel vm15, $0x100, v0  }
0x8: {  	vm5 =	vcmask $0x1310;
	s20 =	sshll.u32 s5, $0xD;
	s14 =	sshllo.u32 s5, $0x2;
	s11 =	sor.u32 $0x1, s6;
	v0 =	vsel vm4, $0x180, v0  }
0x9: {  	vm6 =	vcmask $0x1714;
	s12 =	ssub.s32 s17, s8;
	s18 =	sshrl.u32 s4, $0x3;
	s4 =	sadd.s32 s10, s20;
	v0 =	vsel vm5, $0x200, v0  }
0xa: {  	vm7 =	vcmask $0x1B18;
	s22 =	sor.u32 $0x2, s6;
	s26 =	sshll.u32 s14, $0x7;
	s31 =	sshll.u32 s14, $0xB;
	v0 =	vsel vm6, $0x280, v0  }
0xb: {  	vm8 =	vcmask $0x1F1C;
	s14 =	simm.s32 $0x3;
	s17 =	simm.s32 $0x2;
	s19 =	sshll.u32 s11, $0x7;
	v0 =	vsel vm7, $0x300, v0  }
0xc: {  	vm9 =	vcmask $0x2320;
	s3 =	sadd.s32 s9, s18;
	s24 =	sshll.u32 s22, $0x7;
	s11 =	sshll.u32 s11, $0xB;
	v0 =	vsel vm8, $0x380, v0  }
0xd: {  	vm10 =	vcmask $0x2724;
	s8 =	sand.u32 $0x380, s26;
	s29 =	sshll.u32 s22, $0xB;
	s18 =	simm.s32 $0x0;
	v0 =	vsel vm9, $0x2000, v0  }
0xe: {  	vm11 =	vcmask $0x2B28;
	s13 =	sand.u32 $0x280, s19;
	s25 =	sand.u32 $0x300, s24;
	s6 =	sadd.s32 s10, s11;
	v0 =	vsel vm10, $0x2080, v0  }
0xf: {  	vm12 =	vcmask $0x2F2C;
	s8 =	sor.u32 s7, s8;
	s11 =	smax.u32 s12, $0x1;
	s12 =	simm.s32 $0x80;
	v0 =	vsel vm11, $0x2100, v0  }
0x10: {  	vm13 =	vcmask $0x3330;
	s21 =	sor.u32 s7, s13;
	s15 =	sor.u32 s7, s25;
	s30 =	sshrl.u32 s8, $0x3;
	v0 =	vsel vm12, $0x2180, v0  }
0x11: {  	vm14 =	vcmask $0x3734;
	s8 =	sadd.s32 s10, s29;
	s10 =	sadd.s32 s10, s31;
	s13 =	simm.s32 $0x400;
	v0 =	vsel vm13, $0x2200, v0  }
0x12: {  	vm15 =	vcmask $0x3B38;
	s23 =	sshrl.u32 s21, $0x3;
	s28 =	sshrl.u32 s15, $0x3;
	s15 =	simm.s32 $0x4400;
	v1 =	vsel vm14, $0x2280, v0  }
0x13: {  	v2 =	vimm.f32 $1.000000000e+00;
	s5 =	sadd.s32 s9, s23;
	s7 =	sadd.s32 s9, s28;
	s9 =	sadd.s32 s9, s30;
	v0 =	vimm.f32 $0.0e+00;
	v1 =	vsel vm15, $0x2300, v1  }
.LBB2_1:
0x14: {  	[tilespmem:s2], [sflag:$0x3] =	stream.strided.gather [hbm4b:s3+s12], $0x400, s13, s12, $0x38;
	[tilespmem:$0x8400] =	vst v63  }
0x15: {  	_ =	swait.ge [sflag:s14], $0x400  }
0x16: {  	s19 =	sand.u32 $0x70, s2;
	s20 =	sand.u32 $0x1C00, s2;
	[sflag:s14] =	ssyncset.done $0x0  }
0x17: {  	s19 =	sor.u32 s19, s20;
	[sflag:s14] =	ssyncadd.s32 $0xFFFFFC00  }
0x18: {  	[tilespmem:s19+$0x480] =	vst v0  }
0x19: {  	[tilespmem:s19+$0x500] =	vst v0  }
0x1a: {  	[tilespmem:s19+$0x580] =	vst v0  }
0x1b: {  	[tilespmem:s19+$0x600] =	vst v0  }
0x1c: {  	[tilespmem:s19+$0x680] =	vst v0  }
0x1d: {  	s22 =	sor.u32 s2, s2;
	s21 =	simm.s32 $0x0;
	s20 =	simm.s32 $0x10;
	[tilespmem:s19+$0x700] =	vst v0  }
.LBB2_2:
0x1e: {  	p0 =	sne.s32 s20, $0x3F0;
	[tilespmem:s19+$0x400] =	vst v0;
	s22 =	sor.u32 $0x380, s22  }
0x1f: {  	[tilespmem:s22+$0x400] =	vst v0  }
0x20: {  	[tilespmem:s19+$0x2400] =	vst v0  }
0x21: {  	[tilespmem:s19+$0x2480] =	vst v0  }
0x22: {  	[tilespmem:s19+$0x2500] =	vst v0  }
0x23: {  	[tilespmem:s19+$0x2580] =	vst v0  }
0x24: {  	[tilespmem:s19+$0x2600] =	vst v0  }
0x25: {  	s21 =	sadd.s32 $0x80, s21;
	[tilespmem:s19+$0x2680] =	vst v0  }
0x26: {  	s22 =	sand.u32 $0x70, s20;
	s23 =	sand.u32 $0x1C00, s21;
	[tilespmem:s19+$0x2700] =	vst v0  }
0x27: {  	[tilespmem:s19+$0x2780] =	vst v0;
	s19 =	sor.u32 s22, s23  }
0x28: {  	[tilespmem:s19+$0x480] =	vst v0  }
.Ltmp0:
0x29: {  	[tilespmem:s19+$0x500] =	vst v0;
	(pc) =	sbr.rel @p0 .LBB2_2-.Ltmp0, $4  }
0x2a: {  	[tilespmem:s19+$0x580] =	vst v0  }
0x2b: {  	[tilespmem:s19+$0x600] =	vst v0  }
0x2c: {  	[tilespmem:s19+$0x680] =	vst v0  }
0x2d: {  	s22 =	sor.u32 s21, s20;
	s20 =	sadd.s32 $0x10, s20;
	[tilespmem:s19+$0x700] =	vst v0  }
0x2e: {  	[tilespmem:s19+$0x400] =	vst v0;
	s20 =	sor.u32 $0x380, s22  }
0x2f: {  	[tilespmem:s20+$0x400] =	vst v0  }
0x30: {  	[tilespmem:s19+$0x2400] =	vst v0  }
0x31: {  	[tilespmem:s19+$0x2480] =	vst v0  }
0x32: {  	[tilespmem:s19+$0x2500] =	vst v0  }
0x33: {  	[tilespmem:s19+$0x2580] =	vst v0  }
0x34: {  	[tilespmem:s19+$0x2600] =	vst v0  }
0x35: {  	[tilespmem:s19+$0x2680] =	vst v0  }
0x36: {  	[tilespmem:s19+$0x2700] =	vst v0  }
0x37: {  	s20 =	simm.s32 $0x20;
	[tilespmem:s19+$0x2780] =	vst v0;
	s19 =	simm.s32 $0xFFFFFFFC  }
.LBB2_4:
0x38: {  	v3 =	vld [tilespmem:s20+$0xFFFFFFE0];
	_ =	sdelay $0x4  }
0x39: {  	v4 =	vshll.u32 v3, $0x3  }
0x3a: {  	v3 =	vand.u32 $0x7F, v3;
	v4 =	vand.u32 $0xFFFFFC00, v4  }
0x3b: {  	v3 =	vor.u32 v3, v4  }
0x3c: {  	v3 =	vadd.s32 v1, v3;
	_ =	sdelay $0x4  }
0x3d: {  	[tilespmem:v3+s13+$0x0] =	vst.idx.add.f32.msk $0xffff, v2  }
0x3e: {  	v3 =	vld [tilespmem:s20+$0xFFFFFFF0];
	_ =	sdelay $0x4  }
0x3f: {  	v61 =	vshll.u32 v3, $0x3  }
0x40: {  	v3 =	vand.u32 $0x7F, v3;
	v4 =	vand.u32 $0xFFFFFC00, v61  }
0x41: {  	v3 =	vor.u32 v3, v4  }
0x42: {  	v3 =	vadd.s32 v1, v3;
	_ =	sdelay $0x4  }
0x43: {  	[tilespmem:v3+s13+$0x0] =	vst.idx.add.f32.msk $0xffff, v2  }
0x44: {  	v3 =	vld [tilespmem:s20+$0x0];
	_ =	sdelay $0x4  }
0x45: {  	v62 =	vshll.u32 v3, $0x3  }
0x46: {  	v3 =	vand.u32 $0x7F, v3;
	v4 =	vand.u32 $0xFFFFFC00, v62  }
0x47: {  	v3 =	vor.u32 v3, v4  }
0x48: {  	v3 =	vadd.s32 v1, v3;
	_ =	sdelay $0x4  }
0x49: {  	[tilespmem:v3+s13+$0x0] =	vst.idx.add.f32.msk $0xffff, v2  }
0x4a: {  	v3 =	vld [tilespmem:s20+$0x10];
	_ =	sdelay $0x4  }
0x4b: {  	v63 =	vshll.u32 v3, $0x3  }
0x4c: {  	v3 =	vand.u32 $0x7F, v3;
	v4 =	vand.u32 $0xFFFFFC00, v63  }
0x4d: {  	s19 =	sadd.s32 $0x4, s19;
	v3 =	vor.u32 v3, v4  }
0x4e: {  	p0 =	slt.u32 s19, $0x3C;
	v3 =	vadd.s32 v1, v3  }
.Ltmp1:
0x4f: {  	_ = 	snop;
	(pc) =	sbr.rel @p0 .LBB2_4-.Ltmp1, $2  }
0x50: {  	_ =	sdelay $0x2  }
0x51: {  	s20 =	sadd.s32 $0x40, s20;
	[tilespmem:v3+s13+$0x0] =	vst.idx.add.f32.msk $0xffff, v2  }
0x52: {  	s20 =	simm.s32 $0x0  }
0x53: {  	[hbm4b:s4+s20] =	stream.linear.scatter [tilespmem:s13], [sflag:$0x1], $0x4000, $0x38;
	[tilespmem:$0x8400] =	vst v63  }
0x54: {  	_ = 	snop  }
0x55: {  	[tilespmem:s20], [sflag:$0x3] =	stream.strided.gather [hbm4b:s5+s12], $0x400, s13, s12, $0x38;
	[tilespmem:$0x8400] =	vst v63  }
0x56: {  	_ =	swait.ge [sflag:s14], $0x400  }
0x57: {  	s19 =	sand.u32 $0x70, s20;
	s21 =	sand.u32 $0x1C00, s20;
	[sflag:s14] =	ssyncset.done $0x0  }
0x58: {  	s19 =	sor.u32 s19, s21;
	[sflag:s14] =	ssyncadd.s32 $0xFFFFFC00  }
0x59: {  	[tilespmem:s19+$0x4480] =	vst v0  }
0x5a: {  	[tilespmem:s19+$0x4500] =	vst v0  }
0x5b: {  	[tilespmem:s19+$0x4580] =	vst v0  }
0x5c: {  	[tilespmem:s19+$0x4600] =	vst v0  }
0x5d: {  	[tilespmem:s19+$0x4680] =	vst v0  }
0x5e: {  	s22 =	sor.u32 s20, s20;
	s21 =	simm.s32 $0x10;
	[tilespmem:s19+$0x4700] =	vst v0  }
.LBB2_6:
0x5f: {  	p0 =	sne.s32 s21, $0x3F0;
	[tilespmem:s19+$0x4400] =	vst v0;
	s22 =	sor.u32 $0x380, s22  }
0x60: {  	[tilespmem:s22+$0x4400] =	vst v0  }
0x61: {  	[tilespmem:s19+$0x6400] =	vst v0  }
0x62: {  	[tilespmem:s19+$0x6480] =	vst v0  }
0x63: {  	[tilespmem:s19+$0x6500] =	vst v0  }
0x64: {  	[tilespmem:s19+$0x6580] =	vst v0  }
0x65: {  	[tilespmem:s19+$0x6600] =	vst v0  }
0x66: {  	s20 =	sadd.s32 $0x80, s20;
	[tilespmem:s19+$0x6680] =	vst v0  }
0x67: {  	s22 =	sand.u32 $0x70, s21;
	s23 =	sand.u32 $0x1C00, s20;
	[tilespmem:s19+$0x6700] =	vst v0  }
0x68: {  	[tilespmem:s19+$0x6780] =	vst v0;
	s19 =	sor.u32 s22, s23  }
0x69: {  	[tilespmem:s19+$0x4480] =	vst v0  }
.Ltmp2:
0x6a: {  	[tilespmem:s19+$0x4500] =	vst v0;
	(pc) =	sbr.rel @p0 .LBB2_6-.Ltmp2, $4  }
0x6b: {  	[tilespmem:s19+$0x4580] =	vst v0  }
0x6c: {  	[tilespmem:s19+$0x4600] =	vst v0  }
0x6d: {  	[tilespmem:s19+$0x4680] =	vst v0  }
0x6e: {  	s22 =	sor.u32 s20, s21;
	s21 =	sadd.s32 $0x10, s21;
	[tilespmem:s19+$0x4700] =	vst v0  }
0x6f: {  	[tilespmem:s19+$0x4400] =	vst v0;
	s20 =	sor.u32 $0x380, s22  }
0x70: {  	[tilespmem:s20+$0x4400] =	vst v0  }
0x71: {  	[tilespmem:s19+$0x6400] =	vst v0  }
0x72: {  	[tilespmem:s19+$0x6480] =	vst v0  }
0x73: {  	[tilespmem:s19+$0x6500] =	vst v0  }
0x74: {  	[tilespmem:s19+$0x6580] =	vst v0  }
0x75: {  	[tilespmem:s19+$0x6600] =	vst v0  }
0x76: {  	[tilespmem:s19+$0x6680] =	vst v0  }
0x77: {  	[tilespmem:s19+$0x6700] =	vst v0  }
0x78: {  	s20 =	simm.s32 $0x20;
	[tilespmem:s19+$0x6780] =	vst v0;
	s19 =	simm.s32 $0xFFFFFFFC  }
.LBB2_8:
0x79: {  	v3 =	vld [tilespmem:s20+$0xFFFFFFE0];
	_ =	sdelay $0x4  }
0x7a: {  	v4 =	vshll.u32 v3, $0x3  }
0x7b: {  	v3 =	vand.u32 $0x7F, v3;
	v4 =	vand.u32 $0xFFFFFC00, v4  }
0x7c: {  	v3 =	vor.u32 v3, v4  }
0x7d: {  	v3 =	vadd.s32 v1, v3;
	_ =	sdelay $0x4  }
0x7e: {  	[tilespmem:v3+s15+$0x0] =	vst.idx.add.f32.msk $0xffff, v2  }
0x7f: {  	v3 =	vld [tilespmem:s20+$0xFFFFFFF0];
	_ =	sdelay $0x4  }
0x80: {  	v61 =	vshll.u32 v3, $0x3  }
0x81: {  	v3 =	vand.u32 $0x7F, v3;
	v4 =	vand.u32 $0xFFFFFC00, v61  }
0x82: {  	v3 =	vor.u32 v3, v4  }
0x83: {  	v3 =	vadd.s32 v1, v3;
	_ =	sdelay $0x4  }
0x84: {  	[tilespmem:v3+s15+$0x0] =	vst.idx.add.f32.msk $0xffff, v2  }
0x85: {  	v3 =	vld [tilespmem:s20+$0x0];
	_ =	sdelay $0x4  }
0x86: {  	v62 =	vshll.u32 v3, $0x3  }
0x87: {  	v3 =	vand.u32 $0x7F, v3;
	v4 =	vand.u32 $0xFFFFFC00, v62  }
0x88: {  	v3 =	vor.u32 v3, v4  }
0x89: {  	v3 =	vadd.s32 v1, v3;
	_ =	sdelay $0x4  }
0x8a: {  	[tilespmem:v3+s15+$0x0] =	vst.idx.add.f32.msk $0xffff, v2  }
0x8b: {  	v3 =	vld [tilespmem:s20+$0x10];
	_ =	sdelay $0x4  }
0x8c: {  	v63 =	vshll.u32 v3, $0x3  }
0x8d: {  	v3 =	vand.u32 $0x7F, v3;
	v4 =	vand.u32 $0xFFFFFC00, v63  }
0x8e: {  	s19 =	sadd.s32 $0x4, s19;
	v3 =	vor.u32 v3, v4  }
0x8f: {  	p0 =	slt.u32 s19, $0x3C;
	v3 =	vadd.s32 v1, v3  }
.Ltmp3:
0x90: {  	_ = 	snop;
	(pc) =	sbr.rel @p0 .LBB2_8-.Ltmp3, $2  }
0x91: {  	_ =	sdelay $0x2  }
0x92: {  	s20 =	sadd.s32 $0x40, s20;
	[tilespmem:v3+s15+$0x0] =	vst.idx.add.f32.msk $0xffff, v2  }
0x93: {  	s19 =	simm.s32 $0x0  }
0x94: {  	[hbm4b:s6+s19] =	stream.linear.scatter [tilespmem:s15], [sflag:$0x2], $0x4000, $0x38;
	[tilespmem:$0x8400] =	vst v63  }
0x95: {  	_ =	swait.ge [sflag:s16], $0x4000  }
0x96: {  	[sflag:s16] =	ssyncset.done $0x0  }
0x97: {  	[sflag:s16] =	ssyncadd.s32 $0xFFFFC000  }
0x98: {  	[tilespmem:s19], [sflag:$0x3] =	stream.strided.gather [hbm4b:s7+s12], $0x400, s13, s12, $0x38;
	[tilespmem:$0x8400] =	vst v63  }
0x99: {  	_ =	swait.ge [sflag:s14], $0x400  }
0x9a: {  	s20 =	sand.u32 $0x70, s19;
	s21 =	sand.u32 $0x1C00, s19;
	[sflag:s14] =	ssyncset.done $0x0  }
0x9b: {  	s20 =	sor.u32 s20, s21;
	[sflag:s14] =	ssyncadd.s32 $0xFFFFFC00  }
0x9c: {  	[tilespmem:s20+$0x480] =	vst v0  }
0x9d: {  	[tilespmem:s20+$0x500] =	vst v0  }
0x9e: {  	[tilespmem:s20+$0x580] =	vst v0  }
0x9f: {  	[tilespmem:s20+$0x600] =	vst v0  }
0xa0: {  	[tilespmem:s20+$0x680] =	vst v0  }
0xa1: {  	s22 =	sor.u32 s19, s19;
	s21 =	simm.s32 $0x10;
	[tilespmem:s20+$0x700] =	vst v0  }
.LBB2_10:
0xa2: {  	p0 =	sne.s32 s21, $0x3F0;
	[tilespmem:s20+$0x400] =	vst v0;
	s22 =	sor.u32 $0x380, s22  }
0xa3: {  	[tilespmem:s22+$0x400] =	vst v0  }
0xa4: {  	[tilespmem:s20+$0x2400] =	vst v0  }
0xa5: {  	[tilespmem:s20+$0x2480] =	vst v0  }
0xa6: {  	[tilespmem:s20+$0x2500] =	vst v0  }
0xa7: {  	[tilespmem:s20+$0x2580] =	vst v0  }
0xa8: {  	[tilespmem:s20+$0x2600] =	vst v0  }
0xa9: {  	s19 =	sadd.s32 $0x80, s19;
	[tilespmem:s20+$0x2680] =	vst v0  }
0xaa: {  	s22 =	sand.u32 $0x70, s21;
	s23 =	sand.u32 $0x1C00, s19;
	[tilespmem:s20+$0x2700] =	vst v0  }
0xab: {  	[tilespmem:s20+$0x2780] =	vst v0;
	s20 =	sor.u32 s22, s23  }
0xac: {  	[tilespmem:s20+$0x480] =	vst v0  }
.Ltmp4:
0xad: {  	[tilespmem:s20+$0x500] =	vst v0;
	(pc) =	sbr.rel @p0 .LBB2_10-.Ltmp4, $4  }
0xae: {  	[tilespmem:s20+$0x580] =	vst v0  }
0xaf: {  	[tilespmem:s20+$0x600] =	vst v0  }
0xb0: {  	[tilespmem:s20+$0x680] =	vst v0  }
0xb1: {  	s22 =	sor.u32 s19, s21;
	s21 =	sadd.s32 $0x10, s21;
	[tilespmem:s20+$0x700] =	vst v0  }
0xb2: {  	[tilespmem:s20+$0x400] =	vst v0;
	s19 =	sor.u32 $0x380, s22  }
0xb3: {  	[tilespmem:s19+$0x400] =	vst v0  }
0xb4: {  	[tilespmem:s20+$0x2400] =	vst v0  }
0xb5: {  	[tilespmem:s20+$0x2480] =	vst v0  }
0xb6: {  	[tilespmem:s20+$0x2500] =	vst v0  }
0xb7: {  	[tilespmem:s20+$0x2580] =	vst v0  }
0xb8: {  	[tilespmem:s20+$0x2600] =	vst v0  }
0xb9: {  	[tilespmem:s20+$0x2680] =	vst v0  }
0xba: {  	[tilespmem:s20+$0x2700] =	vst v0  }
0xbb: {  	s19 =	simm.s32 $0xFFFFFFFC;
	[tilespmem:s20+$0x2780] =	vst v0;
	s20 =	simm.s32 $0x20  }
.LBB2_12:
0xbc: {  	v3 =	vld [tilespmem:s20+$0xFFFFFFE0];
	_ =	sdelay $0x4  }
0xbd: {  	v4 =	vshll.u32 v3, $0x3  }
0xbe: {  	v3 =	vand.u32 $0x7F, v3;
	v4 =	vand.u32 $0xFFFFFC00, v4  }
0xbf: {  	v3 =	vor.u32 v3, v4  }
0xc0: {  	v3 =	vadd.s32 v1, v3;
	_ =	sdelay $0x4  }
0xc1: {  	[tilespmem:v3+s13+$0x0] =	vst.idx.add.f32.msk $0xffff, v2  }
0xc2: {  	v3 =	vld [tilespmem:s20+$0xFFFFFFF0];
	_ =	sdelay $0x4  }
0xc3: {  	v61 =	vshll.u32 v3, $0x3  }
0xc4: {  	v3 =	vand.u32 $0x7F, v3;
	v4 =	vand.u32 $0xFFFFFC00, v61  }
0xc5: {  	v3 =	vor.u32 v3, v4  }
0xc6: {  	v3 =	vadd.s32 v1, v3;
	_ =	sdelay $0x4  }
0xc7: {  	[tilespmem:v3+s13+$0x0] =	vst.idx.add.f32.msk $0xffff, v2  }
0xc8: {  	v3 =	vld [tilespmem:s20+$0x0];
	_ =	sdelay $0x4  }
0xc9: {  	v62 =	vshll.u32 v3, $0x3  }
0xca: {  	v3 =	vand.u32 $0x7F, v3;
	v4 =	vand.u32 $0xFFFFFC00, v62  }
0xcb: {  	v3 =	vor.u32 v3, v4  }
0xcc: {  	v3 =	vadd.s32 v1, v3;
	_ =	sdelay $0x4  }
0xcd: {  	[tilespmem:v3+s13+$0x0] =	vst.idx.add.f32.msk $0xffff, v2  }
0xce: {  	v3 =	vld [tilespmem:s20+$0x10];
	_ =	sdelay $0x4  }
0xcf: {  	v63 =	vshll.u32 v3, $0x3  }
0xd0: {  	v3 =	vand.u32 $0x7F, v3;
	v4 =	vand.u32 $0xFFFFFC00, v63  }
0xd1: {  	s19 =	sadd.s32 $0x4, s19;
	v3 =	vor.u32 v3, v4  }
0xd2: {  	p0 =	slt.u32 s19, $0x3C;
	v3 =	vadd.s32 v1, v3  }
.Ltmp5:
0xd3: {  	_ = 	snop;
	(pc) =	sbr.rel @p0 .LBB2_12-.Ltmp5, $2  }
0xd4: {  	_ =	sdelay $0x2  }
0xd5: {  	s20 =	sadd.s32 $0x40, s20;
	[tilespmem:v3+s13+$0x0] =	vst.idx.add.f32.msk $0xffff, v2  }
0xd6: {  	s19 =	simm.s32 $0x0  }
0xd7: {  	[hbm4b:s8+s19] =	stream.linear.scatter [tilespmem:s13], [sflag:$0x1], $0x4000, $0x38;
	[tilespmem:$0x8400] =	vst v63  }
0xd8: {  	_ =	swait.ge [sflag:s17], $0x4000  }
0xd9: {  	[sflag:s17] =	ssyncset.done $0x0  }
0xda: {  	[sflag:s17] =	ssyncadd.s32 $0xFFFFC000  }
0xdb: {  	[tilespmem:s19], [sflag:$0x3] =	stream.strided.gather [hbm4b:s9+s12], $0x400, s13, s12, $0x38;
	[tilespmem:$0x8400] =	vst v63  }
0xdc: {  	_ =	swait.ge [sflag:s14], $0x400  }
0xdd: {  	s20 =	sand.u32 $0x70, s19;
	s21 =	sand.u32 $0x1C00, s19;
	[sflag:s14] =	ssyncset.done $0x0  }
0xde: {  	s20 =	sor.u32 s20, s21;
	[sflag:s14] =	ssyncadd.s32 $0xFFFFFC00  }
0xdf: {  	[tilespmem:s20+$0x4480] =	vst v0  }
0xe0: {  	[tilespmem:s20+$0x4500] =	vst v0  }
0xe1: {  	[tilespmem:s20+$0x4580] =	vst v0  }
0xe2: {  	[tilespmem:s20+$0x4600] =	vst v0  }
0xe3: {  	[tilespmem:s20+$0x4680] =	vst v0  }
0xe4: {  	s22 =	sor.u32 s19, s19;
	s21 =	simm.s32 $0x10;
	[tilespmem:s20+$0x4700] =	vst v0  }
.LBB2_14:
0xe5: {  	p0 =	sne.s32 s21, $0x3F0;
	[tilespmem:s20+$0x4400] =	vst v0;
	s22 =	sor.u32 $0x380, s22  }
0xe6: {  	[tilespmem:s22+$0x4400] =	vst v0  }
0xe7: {  	[tilespmem:s20+$0x6400] =	vst v0  }
0xe8: {  	[tilespmem:s20+$0x6480] =	vst v0  }
0xe9: {  	[tilespmem:s20+$0x6500] =	vst v0  }
0xea: {  	[tilespmem:s20+$0x6580] =	vst v0  }
0xeb: {  	[tilespmem:s20+$0x6600] =	vst v0  }
0xec: {  	s19 =	sadd.s32 $0x80, s19;
	[tilespmem:s20+$0x6680] =	vst v0  }
0xed: {  	s22 =	sand.u32 $0x70, s21;
	s23 =	sand.u32 $0x1C00, s19;
	[tilespmem:s20+$0x6700] =	vst v0  }
0xee: {  	[tilespmem:s20+$0x6780] =	vst v0;
	s20 =	sor.u32 s22, s23  }
0xef: {  	[tilespmem:s20+$0x4480] =	vst v0  }
.Ltmp6:
0xf0: {  	[tilespmem:s20+$0x4500] =	vst v0;
	(pc) =	sbr.rel @p0 .LBB2_14-.Ltmp6, $4  }
0xf1: {  	[tilespmem:s20+$0x4580] =	vst v0  }
0xf2: {  	[tilespmem:s20+$0x4600] =	vst v0  }
0xf3: {  	[tilespmem:s20+$0x4680] =	vst v0  }
0xf4: {  	s22 =	sor.u32 s19, s21;
	s21 =	sadd.s32 $0x10, s21;
	[tilespmem:s20+$0x4700] =	vst v0  }
0xf5: {  	[tilespmem:s20+$0x4400] =	vst v0;
	s19 =	sor.u32 $0x380, s22  }
0xf6: {  	[tilespmem:s19+$0x4400] =	vst v0  }
0xf7: {  	[tilespmem:s20+$0x6400] =	vst v0  }
0xf8: {  	[tilespmem:s20+$0x6480] =	vst v0  }
0xf9: {  	[tilespmem:s20+$0x6500] =	vst v0  }
0xfa: {  	[tilespmem:s20+$0x6580] =	vst v0  }
0xfb: {  	[tilespmem:s20+$0x6600] =	vst v0  }
0xfc: {  	[tilespmem:s20+$0x6680] =	vst v0  }
0xfd: {  	[tilespmem:s20+$0x6700] =	vst v0  }
0xfe: {  	s19 =	simm.s32 $0xFFFFFFFC;
	[tilespmem:s20+$0x6780] =	vst v0;
	s20 =	simm.s32 $0x20  }
.LBB2_16:
0xff: {  	v3 =	vld [tilespmem:s20+$0xFFFFFFE0];
	_ =	sdelay $0x4  }
0x100: {  	v4 =	vshll.u32 v3, $0x3  }
0x101: {  	v3 =	vand.u32 $0x7F, v3;
	v4 =	vand.u32 $0xFFFFFC00, v4  }
0x102: {  	v3 =	vor.u32 v3, v4  }
0x103: {  	v3 =	vadd.s32 v1, v3;
	_ =	sdelay $0x4  }
0x104: {  	[tilespmem:v3+s15+$0x0] =	vst.idx.add.f32.msk $0xffff, v2  }
0x105: {  	v3 =	vld [tilespmem:s20+$0xFFFFFFF0];
	_ =	sdelay $0x4  }
0x106: {  	v61 =	vshll.u32 v3, $0x3  }
0x107: {  	v3 =	vand.u32 $0x7F, v3;
	v4 =	vand.u32 $0xFFFFFC00, v61  }
0x108: {  	v3 =	vor.u32 v3, v4  }
0x109: {  	v3 =	vadd.s32 v1, v3;
	_ =	sdelay $0x4  }
0x10a: {  	[tilespmem:v3+s15+$0x0] =	vst.idx.add.f32.msk $0xffff, v2  }
0x10b: {  	v3 =	vld [tilespmem:s20+$0x0];
	_ =	sdelay $0x4  }
0x10c: {  	v62 =	vshll.u32 v3, $0x3  }
0x10d: {  	v3 =	vand.u32 $0x7F, v3;
	v4 =	vand.u32 $0xFFFFFC00, v62  }
0x10e: {  	v3 =	vor.u32 v3, v4  }
0x10f: {  	v3 =	vadd.s32 v1, v3;
	_ =	sdelay $0x4  }
0x110: {  	[tilespmem:v3+s15+$0x0] =	vst.idx.add.f32.msk $0xffff, v2  }
0x111: {  	v3 =	vld [tilespmem:s20+$0x10];
	_ =	sdelay $0x4  }
0x112: {  	v63 =	vshll.u32 v3, $0x3  }
0x113: {  	v3 =	vand.u32 $0x7F, v3;
	v4 =	vand.u32 $0xFFFFFC00, v63  }
0x114: {  	s19 =	sadd.s32 $0x4, s19;
	v3 =	vor.u32 v3, v4  }
0x115: {  	p0 =	slt.u32 s19, $0x3C;
	v3 =	vadd.s32 v1, v3  }
.Ltmp7:
0x116: {  	_ = 	snop;
	(pc) =	sbr.rel @p0 .LBB2_16-.Ltmp7, $2  }
0x117: {  	_ =	sdelay $0x2  }
0x118: {  	s20 =	sadd.s32 $0x40, s20;
	[tilespmem:v3+s15+$0x0] =	vst.idx.add.f32.msk $0xffff, v2  }
0x119: {  	[hbm4b:s10+s2] =	stream.linear.scatter [tilespmem:s15], [sflag:$0x2], $0x4000, $0x38;
	[tilespmem:$0x8400] =	vst v63  }
0x11a: {  	s18 =	sadd.s32 $0x1, s18  }
0x11b: {  	_ =	swait.ge [sflag:s16], $0x4000;
	p0 =	sne.s32 s18, s11  }
.Ltmp8:
0x11c: {  	[sflag:s16] =	ssyncset.done $0x0;
	(pc) =	sbr.rel @p0 .LBB2_1-.Ltmp8, $4  }
0x11d: {  	[sflag:s16] =	ssyncadd.s32 $0xFFFFC000  }
0x11e: {  	_ =	swait.ge [sflag:s17], $0x4000  }
0x11f: {  	[sflag:s17] =	ssyncset.done $0x0  }
0x120: {  	[sflag:s17] =	ssyncadd.s32 $0xFFFFC000  }
0x121: {  	_ =	sfence.sel $0x180000  }
0x122: {  	[bflag:$0x0] =	sbarrier.arrive $0xFFFF  }
0x123: {  	p0 =	sne.s32 s1, $0x0;
	_ =	strace $0x90000047  }
0x124: {  	s0 =	sadd.s32 @!p0 $0x100000, s0;
	[bflag:$0x2] =	sbarrier.arrive $0xFFFF  }
0x125: {  	[sflag:s0] =	ssyncadd.tile.s32 @!p0 $0x1;
	_ =	shalt  }
.Lfunc_end2:
_tile_overlayer_lowered:
.L_overlay_start_2:
0x126: {  	(tag) =	ssettag $0x2  }
0x127: {  	s0 =	rddreg [dreg:$0x0];
	s2 =	stileid.u32  }
0x128: {  	s1 =	rddreg [dreg:$0x1];
	p0 =	sne.s32 s2, $0x0  }
0x129: {  	s3 =	rddreg [dreg:$0x2];
	[bflag:$0x3] =	sbarrier.arrive $0xFFFF;
	s2 =	simm.s32 @!p0 $0x1C03  }
0x12a: {  	[timem:s3], [sflag:s2] =	dma.local @!p0 [hbm:s0], s1  }
0x12b: {  	s0 =	simm.s32 @!p0 $0x3  }
0x12c: {  	_ =	swait.ge @!p0 [sflag:s0], s1  }
0x12d: {  	s1 =	ssub.s32 @!p0 $0x0, s1;
	[sflag:s0] =	ssyncset.done @!p0 $0x0  }
0x12e: {  	[sflag:s0] =	ssyncadd.s32 @!p0 s1  }
0x12f: {  	[bflag:$0x3] =	sbarrier.arrive $0xFFFF  }
0x130: {  	_ =	shalt  }

</sc_bundles>
